<compile_context>
chip_gen: v7x
topology: tpu7x:2x2x1
jax: 0.10.2.dev20260603
libtpu: 0.0.44.dev20260713+nightly
codegen_flags: <defaults>
</compile_context>

<pallas_src>
import functools

import jax
import jax.numpy as jnp
from jax import lax
from jax.experimental import pallas as pl
from jax.experimental.pallas import tpu as pltpu
from jax.experimental.pallas import tpu_sc as plsc

N = 10000
E = 320000
IN = 128
HID = 8
HEADS = 8
OUT = 16

NC = 2
NS = 16
C = 128
TILES = NC * NS
CHUNKS_PER_TILE = 80
E_PAD = TILES * CHUNKS_PER_TILE * C
FAST_C = 0
NP = 10112
ROWS_PER_TILE = NP // NS


def _interleave_perm_matrix(fw):
    nat = fw + 16
    cols = []
    if fw == 64:
        for k in range(2):
            for i in range(16):
                cols.extend([32 * k + i, 32 * k + 16 + i])
        for i in range(16):
            cols.extend([64 + i, nat + i])
    else:
        for i in range(16):
            cols.extend([i, 16 + i])
    p = (jnp.array(cols, jnp.int32)[None, :] ==
         jnp.arange(nat, dtype=jnp.int32)[:, None])
    return p.astype(jnp.float32)


def _tc_layer1(x, w1p, a1l, a1r, m2, p1):

    def body(x_ref, w_ref, al_ref, ar_ref, m2_ref, p_ref, src_ref, dst_ref):
        feat = jnp.dot(x_ref[...], w_ref[...], preferred_element_type=jnp.float32)
        eld = jnp.dot(feat * al_ref[...][None, :], m2_ref[...],
                      preferred_element_type=jnp.float32)
        erd = jnp.dot(feat * ar_ref[...][None, :], m2_ref[...],
                      preferred_element_type=jnp.float32)
        full = jnp.concatenate([feat, eld], axis=1)
        src_ref[...] = jnp.dot(full, p_ref[...],
                               preferred_element_type=jnp.float32).astype(jnp.bfloat16)
        dst_ref[...] = erd

    return pl.pallas_call(
        body,
        out_shape=(
            jax.ShapeDtypeStruct((N, 96), jnp.bfloat16),
            jax.ShapeDtypeStruct((N, 16), jnp.float32),
        ),
    )(x, w1p, a1l, a1r, m2, p1)


def _tc_layer2(acc1, w2p, b1p, al2, ar2, p2):

    def body(acc_ref, w_ref, b_ref, al_ref, ar_ref, p_ref, src_ref, dst_ref):
        summed = acc_ref[0, :N] + acc_ref[1, :N]
        num = summed[:, 0:64]
        den16 = summed[:, 64:80] + 1e-9
        den64 = jnp.concatenate([den16, den16, den16, den16], axis=1)
        h = num / den64 + b_ref[...][None, :]
        h = jnp.where(h > 0, h, jnp.exp(jnp.minimum(h, 0.0)) - 1.0)
        feat2 = jnp.dot(h, w_ref[...], preferred_element_type=jnp.float32)
        el2 = jnp.dot(feat2, al_ref[...].T, preferred_element_type=jnp.float32)
        er2 = jnp.dot(feat2, ar_ref[...].T, preferred_element_type=jnp.float32)
        full = jnp.concatenate(
            [feat2, jnp.broadcast_to(el2, (N, 16))], axis=1)
        src_ref[...] = jnp.dot(full, p_ref[...],
                               preferred_element_type=jnp.float32).astype(jnp.bfloat16)
        dst_ref[...] = jnp.broadcast_to(er2, (N, 16))

    return pl.pallas_call(
        body,
        out_shape=(
            jax.ShapeDtypeStruct((N, 32), jnp.bfloat16),
            jax.ShapeDtypeStruct((N, 16), jnp.float32),
        ),
    )(acc1, w2p, b1p, al2, ar2, p2)


def _tc_finalize(acc2):

    def body(acc_ref, out_ref):
        summed = acc_ref[0, :N] + acc_ref[1, :N]
        out_ref[...] = summed[:, 0:16] / (summed[:, 16:32] + 1e-9)

    return pl.pallas_call(
        body, out_shape=jax.ShapeDtypeStruct((N, OUT), jnp.float32)
    )(acc2)


def _sc_edge_pass(tsrc, tdst, sidx2d, didx2d, sw, swb, chf):
    fw = sw - 16
    chs = TILES * CHUNKS_PER_TILE // NS - chf
    mesh = plsc.VectorSubcoreMesh(
        core_axis_name="c", subcore_axis_name="s", num_cores=NC, num_subcores=NS
    )

    @functools.partial(
        pl.kernel,
        out_type=jax.ShapeDtypeStruct((NC, NP, sw), jnp.float32),
        mesh=mesh,
        scratch_types=[
            pltpu.VMEM_SHARED((NP, sw), jnp.float32),
            pltpu.VMEM((2, C, swb), jnp.bfloat16),
            pltpu.VMEM((2, C, 16), jnp.float32),
            pltpu.VMEM((C, sw), jnp.float32),
            pltpu.VMEM((chf, C), jnp.int32),
            pltpu.VMEM((chf, C), jnp.int32),
            pltpu.SemaphoreType.DMA((2,)),
            pltpu.SemaphoreType.DMA((2,)),
        ],
        compiler_params=pltpu.CompilerParams(
            use_tc_tiling_on_sc=False, needs_layout_passes=False),
    )
    def run(tsrc_h, tdst_h, sidx_h, didx_h, out_h,
            acc, srcbuf, dstbuf, msgbuf, sidx, didx, gsem, dsem):
        c = lax.axis_index("c")
        s = lax.axis_index("s")
        is_fast = c == FAST_C
        ch = jnp.where(is_fast, chf, chs)
        base = jnp.where(is_fast, s * chf, NS * chf + s * chs)

        @pl.when(is_fast)
        def _():
            pltpu.sync_copy(sidx_h.at[pl.ds(base, chf)], sidx)
            pltpu.sync_copy(didx_h.at[pl.ds(base, chf)], didx)

        @pl.when(jnp.logical_not(is_fast))
        def _():
            pltpu.sync_copy(sidx_h.at[pl.ds(base, chs)], sidx.at[pl.ds(0, chs)])
            pltpu.sync_copy(didx_h.at[pl.ds(base, chs)], didx.at[pl.ds(0, chs)])

        def issue(j, b):
            pltpu.async_copy(tsrc_h.at[sidx.at[j]], srcbuf.at[b], gsem.at[b])
            pltpu.async_copy(tdst_h.at[didx.at[j]], dstbuf.at[b], dsem.at[b])

        def drain(j, b):
            pltpu.make_async_copy(tsrc_h.at[sidx.at[j]], srcbuf.at[b], gsem.at[b]).wait()
            pltpu.make_async_copy(tdst_h.at[didx.at[j]], dstbuf.at[b], dsem.at[b]).wait()

        issue(0, 0)

        zero = jnp.zeros((16,), jnp.float32)

        def zrow(i, carry):
            for k in range(sw // 16):
                msgbuf[i, pl.ds(k * 16, 16)] = zero
            return carry

        lax.fori_loop(0, C, zrow, 0)
        for k, sz in enumerate((128, 128, 128, 128, 120)):
            pltpu.sync_copy(
                msgbuf.at[pl.ds(0, sz)],
                acc.at[pl.ds(s * ROWS_PER_TILE + k * 128, sz)],
            )
        plsc.subcore_barrier()

        def pair(jj, carry):
            for b in range(2):
                j = 2 * jj + b

                @pl.when(j + 1 < ch)
                def _():
                    issue(j + 1, 1 - b)

                drain(j, b)

                @plsc.parallel_loop(0, C, unroll=4)
                def edge(i):
                    if fw == 64:
                        elb = srcbuf[b, i, pl.ds(64, 32)]
                        el, _ = plsc.unpack(
                            elb, format=plsc.PackFormat.INTERLEAVED,
                            preferred_element_type=jnp.float32)
                        ev = el + dstbuf[b, i, pl.ds(0, 16)]
                        ev = jnp.maximum(ev, ev * 0.2)
                        ee = jnp.exp(ev)
                        for k in range(2):
                            fb = srcbuf[b, i, pl.ds(32 * k, 32)]
                            lo, hi = plsc.unpack(
                                fb, format=plsc.PackFormat.INTERLEAVED,
                                preferred_element_type=jnp.float32)
                            msgbuf[i, pl.ds(32 * k, 16)] = ee * lo
                            msgbuf[i, pl.ds(32 * k + 16, 16)] = ee * hi
                    else:
                        fb = srcbuf[b, i, pl.ds(0, 32)]
                        f0, el = plsc.unpack(
                            fb, format=plsc.PackFormat.INTERLEAVED,
                            preferred_element_type=jnp.float32)
                        ev = el + dstbuf[b, i, pl.ds(0, 16)]
                        ev = jnp.maximum(ev, ev * 0.2)
                        ee = jnp.exp(ev)
                        msgbuf[i, pl.ds(0, 16)] = ee * f0
                    msgbuf[i, pl.ds(fw, 16)] = ee
                pltpu.sync_copy(msgbuf, acc.at[didx.at[j]], add=True)
            return carry

        lax.fori_loop(0, ch // 2, pair, 0)
        plsc.subcore_barrier()
        pltpu.sync_copy(
            acc.at[pl.ds(s * ROWS_PER_TILE, ROWS_PER_TILE)],
            out_h.at[c, pl.ds(s * ROWS_PER_TILE, ROWS_PER_TILE)],
        )

    return run(tsrc, tdst, sidx2d, didx2d)


def kernel(features, edge_index, W1, al1, ar1, b1, W2, al2, ar2, b2):
    f32 = jnp.float32
    w1p = W1.reshape(IN, HEADS, HID).transpose(0, 2, 1).reshape(IN, HEADS * HID)
    a1l = al1.transpose(1, 0).reshape(HEADS * HID)
    a1r = ar1.transpose(1, 0).reshape(HEADS * HID)
    w2p = W2.reshape(HEADS, HID, OUT).transpose(1, 0, 2).reshape(HEADS * HID, OUT)
    b1p = b1.reshape(HEADS, HID).transpose(1, 0).reshape(HEADS * HID)
    m2 = (
        (jnp.arange(64)[:, None] % 8) == (jnp.arange(16)[None, :] % 8)
    ).astype(f32)

    src = edge_index[0].astype(jnp.int32)
    dst = edge_index[1].astype(jnp.int32)
    pad = E_PAD - E
    sidx2d = jnp.concatenate([src, jnp.zeros((pad,), jnp.int32)]).reshape(-1, C)
    pad_dst = N + (jnp.arange(pad, dtype=jnp.int32) % (NP - N))
    didx2d = jnp.concatenate([dst, pad_dst]).reshape(-1, C)

    p1 = _interleave_perm_matrix(64)
    p2 = _interleave_perm_matrix(16)
    src1, dst1 = _tc_layer1(features, w1p, a1l, a1r, m2, p1)
    acc1 = _sc_edge_pass(src1, dst1, sidx2d, didx2d, 80, 96, 124)
    src2, dst2 = _tc_layer2(acc1, w2p, b1p, al2, ar2, p2)
    acc2 = _sc_edge_pass(src2, dst2, sidx2d, didx2d, 32, 32, 104)
    return _tc_finalize(acc2)

# --- scband reference (transcript-rebuilt; emitter-appended) ---
"""Pipeline reference for scband-gat-89215060673063 (READ-ONLY COPY).

The authoritative reference and input builder live on the scoring server;
editing this copy changes nothing except your own understanding.
"""

import jax, jax.numpy as jnp
import numpy as np

N = 10000
E = 320000
IN = 128
HID = 8
HEADS = 8
OUT = 16


def gat_conv(x, src, dst, W, attn_l, attn_r, bias, num_heads, out_dim, activation):
    # DGL-style GATConv, negative_slope=0.2, feat_drop=attn_drop=0 (eval)
    feat = (x @ W).reshape(N, num_heads, out_dim)
    el = (feat * attn_l[None]).sum(-1)  # [N, H]
    er = (feat * attn_r[None]).sum(-1)  # [N, H]
    e = jax.nn.leaky_relu(el[src] + er[dst], negative_slope=0.2)  # [E, H]
    # edge softmax over incoming edges of each dst node
    emax = jax.lax.stop_gradient(jax.ops.segment_max(e, dst, num_segments=N))
    emax = jnp.where(jnp.isfinite(emax), emax, 0.0)
    ee = jnp.exp(e - emax[dst])
    denom = jax.ops.segment_sum(ee, dst, num_segments=N)
    alpha = ee / (denom[dst] + 1e-9)  # [E, H]
    msg = feat[src] * alpha[..., None]  # [E, H, out]
    rst = jax.ops.segment_sum(msg, dst, num_segments=N)  # [N, H, out]
    rst = rst + bias.reshape(1, num_heads, out_dim)
    if activation is not None:
        rst = activation(rst)
    return rst


def setup_inputs(seed: int = 0):
    key = jax.random.key(seed)
    ks = jax.random.split(key, 12)
    features = jax.random.normal(ks[0], (N, IN), dtype=jnp.float32)
    edge_index = jax.random.randint(ks[1], (2, E), 0, N)
    W1 = jax.random.normal(ks[2], (IN, HEADS * HID), dtype=jnp.float32) / np.sqrt(IN)
    al1 = jax.random.normal(ks[3], (HEADS, HID), dtype=jnp.float32) * 0.1
    ar1 = jax.random.normal(ks[4], (HEADS, HID), dtype=jnp.float32) * 0.1
    b1 = jnp.zeros((HEADS * HID,), dtype=jnp.float32)
    W2 = jax.random.normal(ks[5], (HEADS * HID, OUT), dtype=jnp.float32) / np.sqrt(HEADS * HID)
    al2 = jax.random.normal(ks[6], (1, OUT), dtype=jnp.float32) * 0.1
    ar2 = jax.random.normal(ks[7], (1, OUT), dtype=jnp.float32) * 0.1
    b2 = jnp.zeros((OUT,), dtype=jnp.float32)
    return {"features": features, "edge_index": edge_index, "W1": W1, "al1": al1, "ar1": ar1, "b1": b1, "W2": W2, "al2": al2, "ar2": ar2, "b2": b2}


def reference(features, edge_index, W1, al1, ar1, b1, W2, al2, ar2, b2):
    src = edge_index[0]
    dst = edge_index[1]
    h = gat_conv(features, src, dst, W1, al1, ar1, b1, HEADS, HID, jax.nn.elu)
    # dropout(0.5) is identity in eval mode
    h = h.reshape(N, HEADS * HID)
    h = gat_conv(h, src, dst, W2, al2, ar2, b2, 1, OUT, None)
    h = h.reshape(N, OUT)
    return h

if __name__ == "__main__":
    import jax
    _d = setup_inputs()
    print(jax.jit(kernel)(*tuple(_d.values())))

</pallas_src>

<mosaic_0001>
#map = affine_map<(d0, d1) -> (0, 0)>
#map1 = affine_map<(d0, d1) -> (0, 0, 0)>
module attributes {stable_mosaic.version = 14 : i64} {
  func.func @run(%arg0: i32, %arg1: i32, %arg2: memref<10000x32xbf16, #tpu.memory_space<hbm>>, %arg3: memref<10000x16xf32, #tpu.memory_space<hbm>>, %arg4: memref<2560x128xi32, #tpu.memory_space<hbm>>, %arg5: memref<2560x128xi32, #tpu.memory_space<hbm>>, %arg6: memref<2x10112x32xf32, #tpu.memory_space<hbm>>, %arg7: memref<10112x32xf32, #tpu.memory_space<vmem_shared>>, %arg8: memref<2x128x32xbf16, #tpu.memory_space<vmem>>, %arg9: memref<2x128x16xf32, #tpu.memory_space<vmem>>, %arg10: memref<128x32xf32, #tpu.memory_space<vmem>>, %arg11: memref<104x128xi32, #tpu.memory_space<vmem>>, %arg12: memref<104x128xi32, #tpu.memory_space<vmem>>, %arg13: memref<2x!tpu.dma_semaphore, #tpu.memory_space<semaphore_mem>>, %arg14: memref<2x!tpu.dma_semaphore, #tpu.memory_space<semaphore_mem>>) attributes {dimension_semantics = [#tpu.dimension_semantics<core_parallel>, #tpu.dimension_semantics<subcore_parallel>], iteration_bounds = array<i64: 2, 16>, scalar_prefetch = 0 : i64, scratch_operands = 8 : i64, tpu.core_type = #tpu.core_type<sc_vector_subcore>, window_params = [{transform_indices = #map}, {transform_indices = #map}, {transform_indices = #map}, {transform_indices = #map}, {transform_indices = #map1}]} {
    %eq3A = arith.constant 0 : i32
    %eq3A_0 = arith.cmpi eq, %arg0, %eq3A : i32
    %jit3A = arith.constant 104 : i32
    %jit3A_1 = arith.constant 56 : i32
    %select_n3A = arith.select %eq3A_0, %jit3A, %jit3A_1 : i32
    %mul3A = arith.constant 104 : i32
    %mul3A_2 = arith.muli %arg1, %mul3A : i32
    %mul3A_3 = arith.constant 56 : i32
    %mul3A_4 = arith.muli %arg1, %mul3A_3 : i32
    %add3A = arith.constant 1664 : i32
    %add3A_5 = arith.addi %add3A, %mul3A_4 : i32
    %select_n3A_6 = arith.select %eq3A_0, %mul3A_2, %add3A_5 : i32
    %convert_element_type3A = arith.extui %eq3A_0 : i1 to i32
    %cond3A = arith.constant 0 : i32
    %cond3A_7 = arith.cmpi ne, %convert_element_type3A, %cond3A : i32
    scf.if %cond3A_7 {
      "tpu.region"() ({
        %run_scoped3A = tpu.sem_alloc : memref<!tpu.dma_semaphore, #tpu.memory_space<semaphore_mem>>
        %dma_start3A_99 = arith.constant 0 : i32
        %dma_start3A_100 = tpu.memref_slice %arg4[%select_n3A_6, %dma_start3A_99] : memref<2560x128xi32, #tpu.memory_space<hbm>> -> memref<104x128xi32, #tpu.memory_space<hbm>>
        %dma_start3A_101 = arith.constant 0 : i32
        %dma_start3A_102 = tpu.memref_slice %arg4[%select_n3A_6, %dma_start3A_101] : memref<2560x128xi32, #tpu.memory_space<hbm>> -> memref<104x128xi32, #tpu.memory_space<hbm>>
        tpu.enqueue_dma source(%dma_start3A_102 : memref<104x128xi32, #tpu.memory_space<hbm>>) target(%arg11 : memref<104x128xi32, #tpu.memory_space<vmem>>) target_semaphore(%run_scoped3A : memref<!tpu.dma_semaphore, #tpu.memory_space<semaphore_mem>>)
        %dma_wait3A = arith.constant 0 : i32
        %dma_wait3A_103 = tpu.memref_slice %arg4[%select_n3A_6, %dma_wait3A] : memref<2560x128xi32, #tpu.memory_space<hbm>> -> memref<104x128xi32, #tpu.memory_space<hbm>>
        %dma_wait3A_104 = arith.constant 0 : i32
        %dma_wait3A_105 = tpu.memref_slice %arg4[%select_n3A_6, %dma_wait3A_104] : memref<2560x128xi32, #tpu.memory_space<hbm>> -> memref<104x128xi32, #tpu.memory_space<hbm>>
        tpu.wait_dma2 semaphore(%run_scoped3A : memref<!tpu.dma_semaphore, #tpu.memory_space<semaphore_mem>>) src(%dma_wait3A_105 : memref<104x128xi32, #tpu.memory_space<hbm>>) dst(%arg11 : memref<104x128xi32, #tpu.memory_space<vmem>>)
        tpu.yield
      }) : () -> ()
      "tpu.region"() ({
        %run_scoped3A = tpu.sem_alloc : memref<!tpu.dma_semaphore, #tpu.memory_space<semaphore_mem>>
        %dma_start3A_99 = arith.constant 0 : i32
        %dma_start3A_100 = tpu.memref_slice %arg5[%select_n3A_6, %dma_start3A_99] : memref<2560x128xi32, #tpu.memory_space<hbm>> -> memref<104x128xi32, #tpu.memory_space<hbm>>
        %dma_start3A_101 = arith.constant 0 : i32
        %dma_start3A_102 = tpu.memref_slice %arg5[%select_n3A_6, %dma_start3A_101] : memref<2560x128xi32, #tpu.memory_space<hbm>> -> memref<104x128xi32, #tpu.memory_space<hbm>>
        tpu.enqueue_dma source(%dma_start3A_102 : memref<104x128xi32, #tpu.memory_space<hbm>>) target(%arg12 : memref<104x128xi32, #tpu.memory_space<vmem>>) target_semaphore(%run_scoped3A : memref<!tpu.dma_semaphore, #tpu.memory_space<semaphore_mem>>)
        %dma_wait3A = arith.constant 0 : i32
        %dma_wait3A_103 = tpu.memref_slice %arg5[%select_n3A_6, %dma_wait3A] : memref<2560x128xi32, #tpu.memory_space<hbm>> -> memref<104x128xi32, #tpu.memory_space<hbm>>
        %dma_wait3A_104 = arith.constant 0 : i32
        %dma_wait3A_105 = tpu.memref_slice %arg5[%select_n3A_6, %dma_wait3A_104] : memref<2560x128xi32, #tpu.memory_space<hbm>> -> memref<104x128xi32, #tpu.memory_space<hbm>>
        tpu.wait_dma2 semaphore(%run_scoped3A : memref<!tpu.dma_semaphore, #tpu.memory_space<semaphore_mem>>) src(%dma_wait3A_105 : memref<104x128xi32, #tpu.memory_space<hbm>>) dst(%arg12 : memref<104x128xi32, #tpu.memory_space<vmem>>)
        tpu.yield
      }) : () -> ()
    } else {
    }
    %not3A = arith.constant true
    %not3A_8 = arith.xori %eq3A_0, %not3A : i1
    %convert_element_type3A_9 = arith.extui %not3A_8 : i1 to i32
    %cond3A_10 = arith.constant 0 : i32
    %cond3A_11 = arith.cmpi ne, %convert_element_type3A_9, %cond3A_10 : i32
    scf.if %cond3A_11 {
      "tpu.region"() ({
        %run_scoped3A = tpu.sem_alloc : memref<!tpu.dma_semaphore, #tpu.memory_space<semaphore_mem>>
        %dma_start3A_99 = arith.constant 0 : i32
        %dma_start3A_100 = arith.constant 0 : i32
        %dma_start3A_101 = tpu.memref_slice %arg11[%dma_start3A_99, %dma_start3A_100] : memref<104x128xi32, #tpu.memory_space<vmem>> -> memref<56x128xi32, #tpu.memory_space<vmem>>
        %dma_start3A_102 = arith.constant 0 : i32
        %dma_start3A_103 = tpu.memref_slice %arg4[%select_n3A_6, %dma_start3A_102] : memref<2560x128xi32, #tpu.memory_space<hbm>> -> memref<56x128xi32, #tpu.memory_space<hbm>>
        %dma_start3A_104 = arith.constant 0 : i32
        %dma_start3A_105 = arith.constant 0 : i32
        %dma_start3A_106 = tpu.memref_slice %arg11[%dma_start3A_104, %dma_start3A_105] : memref<104x128xi32, #tpu.memory_space<vmem>> -> memref<56x128xi32, #tpu.memory_space<vmem>>
        %dma_start3A_107 = arith.constant 0 : i32
        %dma_start3A_108 = tpu.memref_slice %arg4[%select_n3A_6, %dma_start3A_107] : memref<2560x128xi32, #tpu.memory_space<hbm>> -> memref<56x128xi32, #tpu.memory_space<hbm>>
        tpu.enqueue_dma source(%dma_start3A_108 : memref<56x128xi32, #tpu.memory_space<hbm>>) target(%dma_start3A_106 : memref<56x128xi32, #tpu.memory_space<vmem>>) target_semaphore(%run_scoped3A : memref<!tpu.dma_semaphore, #tpu.memory_space<semaphore_mem>>)
        %dma_wait3A = arith.constant 0 : i32
        %dma_wait3A_109 = arith.constant 0 : i32
        %dma_wait3A_110 = tpu.memref_slice %arg11[%dma_wait3A, %dma_wait3A_109] : memref<104x128xi32, #tpu.memory_space<vmem>> -> memref<56x128xi32, #tpu.memory_space<vmem>>
        %dma_wait3A_111 = arith.constant 0 : i32
        %dma_wait3A_112 = tpu.memref_slice %arg4[%select_n3A_6, %dma_wait3A_111] : memref<2560x128xi32, #tpu.memory_space<hbm>> -> memref<56x128xi32, #tpu.memory_space<hbm>>
        %dma_wait3A_113 = arith.constant 0 : i32
        %dma_wait3A_114 = arith.constant 0 : i32
        %dma_wait3A_115 = tpu.memref_slice %arg11[%dma_wait3A_113, %dma_wait3A_114] : memref<104x128xi32, #tpu.memory_space<vmem>> -> memref<56x128xi32, #tpu.memory_space<vmem>>
        %dma_wait3A_116 = arith.constant 0 : i32
        %dma_wait3A_117 = tpu.memref_slice %arg4[%select_n3A_6, %dma_wait3A_116] : memref<2560x128xi32, #tpu.memory_space<hbm>> -> memref<56x128xi32, #tpu.memory_space<hbm>>
        tpu.wait_dma2 semaphore(%run_scoped3A : memref<!tpu.dma_semaphore, #tpu.memory_space<semaphore_mem>>) src(%dma_wait3A_117 : memref<56x128xi32, #tpu.memory_space<hbm>>) dst(%dma_wait3A_115 : memref<56x128xi32, #tpu.memory_space<vmem>>)
        tpu.yield
      }) : () -> ()
      "tpu.region"() ({
        %run_scoped3A = tpu.sem_alloc : memref<!tpu.dma_semaphore, #tpu.memory_space<semaphore_mem>>
        %dma_start3A_99 = arith.constant 0 : i32
        %dma_start3A_100 = arith.constant 0 : i32
        %dma_start3A_101 = tpu.memref_slice %arg12[%dma_start3A_99, %dma_start3A_100] : memref<104x128xi32, #tpu.memory_space<vmem>> -> memref<56x128xi32, #tpu.memory_space<vmem>>
        %dma_start3A_102 = arith.constant 0 : i32
        %dma_start3A_103 = tpu.memref_slice %arg5[%select_n3A_6, %dma_start3A_102] : memref<2560x128xi32, #tpu.memory_space<hbm>> -> memref<56x128xi32, #tpu.memory_space<hbm>>
        %dma_start3A_104 = arith.constant 0 : i32
        %dma_start3A_105 = arith.constant 0 : i32
        %dma_start3A_106 = tpu.memref_slice %arg12[%dma_start3A_104, %dma_start3A_105] : memref<104x128xi32, #tpu.memory_space<vmem>> -> memref<56x128xi32, #tpu.memory_space<vmem>>
        %dma_start3A_107 = arith.constant 0 : i32
        %dma_start3A_108 = tpu.memref_slice %arg5[%select_n3A_6, %dma_start3A_107] : memref<2560x128xi32, #tpu.memory_space<hbm>> -> memref<56x128xi32, #tpu.memory_space<hbm>>
        tpu.enqueue_dma source(%dma_start3A_108 : memref<56x128xi32, #tpu.memory_space<hbm>>) target(%dma_start3A_106 : memref<56x128xi32, #tpu.memory_space<vmem>>) target_semaphore(%run_scoped3A : memref<!tpu.dma_semaphore, #tpu.memory_space<semaphore_mem>>)
        %dma_wait3A = arith.constant 0 : i32
        %dma_wait3A_109 = arith.constant 0 : i32
        %dma_wait3A_110 = tpu.memref_slice %arg12[%dma_wait3A, %dma_wait3A_109] : memref<104x128xi32, #tpu.memory_space<vmem>> -> memref<56x128xi32, #tpu.memory_space<vmem>>
        %dma_wait3A_111 = arith.constant 0 : i32
        %dma_wait3A_112 = tpu.memref_slice %arg5[%select_n3A_6, %dma_wait3A_111] : memref<2560x128xi32, #tpu.memory_space<hbm>> -> memref<56x128xi32, #tpu.memory_space<hbm>>
        %dma_wait3A_113 = arith.constant 0 : i32
        %dma_wait3A_114 = arith.constant 0 : i32
        %dma_wait3A_115 = tpu.memref_slice %arg12[%dma_wait3A_113, %dma_wait3A_114] : memref<104x128xi32, #tpu.memory_space<vmem>> -> memref<56x128xi32, #tpu.memory_space<vmem>>
        %dma_wait3A_116 = arith.constant 0 : i32
        %dma_wait3A_117 = tpu.memref_slice %arg5[%select_n3A_6, %dma_wait3A_116] : memref<2560x128xi32, #tpu.memory_space<hbm>> -> memref<56x128xi32, #tpu.memory_space<hbm>>
        tpu.wait_dma2 semaphore(%run_scoped3A : memref<!tpu.dma_semaphore, #tpu.memory_space<semaphore_mem>>) src(%dma_wait3A_117 : memref<56x128xi32, #tpu.memory_space<hbm>>) dst(%dma_wait3A_115 : memref<56x128xi32, #tpu.memory_space<vmem>>)
        tpu.yield
      }) : () -> ()
    } else {
    }
    %dma_start3A = arith.constant 0 : i32
    %dma_start3A_12 = arith.constant 0 : i32
    %dma_start3A_13 = arith.constant 0 : i32
    %dma_start3A_14 = arith.constant 0 : i32
    %dma_start3A_15 = arith.constant 0 : i32
    %dma_start3A_16 = tpu.memref_slice %arg8[%dma_start3A_12, %dma_start3A_14, %dma_start3A_15] : memref<2x128x32xbf16, #tpu.memory_space<vmem>> -> memref<1x128x32xbf16, #tpu.memory_space<vmem>>
    %dma_start3A_17 = tpu.memref_squeeze %dma_start3A_16 : memref<1x128x32xbf16, #tpu.memory_space<vmem>> -> memref<128x32xbf16, #tpu.memory_space<vmem>>
    %dma_start3A_18 = arith.constant 0 : i32
    %dma_start3A_19 = tpu.memref_slice %arg11[%dma_start3A, %dma_start3A_18] : memref<104x128xi32, #tpu.memory_space<vmem>> -> memref<1x128xi32, #tpu.memory_space<vmem>>
    %dma_start3A_20 = tpu.memref_squeeze %dma_start3A_19 : memref<1x128xi32, #tpu.memory_space<vmem>> -> memref<128xi32, #tpu.memory_space<vmem>>
    %dma_start3A_21 = arith.constant 0 : i32
    %dma_start3A_22 = arith.constant 0 : i32
    %dma_start3A_23 = tpu.memref_slice %arg2[%dma_start3A_21, %dma_start3A_22] : memref<10000x32xbf16, #tpu.memory_space<hbm>> -> memref<10000x32xbf16, #tpu.memory_space<hbm>>
    %dma_start3A_24 = tpu.memref_slice %arg13[%dma_start3A_13] : memref<2x!tpu.dma_semaphore, #tpu.memory_space<semaphore_mem>> -> memref<1x!tpu.dma_semaphore, #tpu.memory_space<semaphore_mem>>
    %dma_start3A_25 = tpu.memref_squeeze %dma_start3A_24 : memref<1x!tpu.dma_semaphore, #tpu.memory_space<semaphore_mem>> -> memref<!tpu.dma_semaphore, #tpu.memory_space<semaphore_mem>>
    tpu.enqueue_indirect_dma source(%dma_start3A_23 : memref<10000x32xbf16, #tpu.memory_space<hbm>>) target(%dma_start3A_17 : memref<128x32xbf16, #tpu.memory_space<vmem>>) offsets(%dma_start3A_20 : memref<128xi32, #tpu.memory_space<vmem>>) semaphore(%dma_start3A_25 : memref<!tpu.dma_semaphore, #tpu.memory_space<semaphore_mem>>)
    %dma_start3A_26 = arith.constant 0 : i32
    %dma_start3A_27 = arith.constant 0 : i32
    %dma_start3A_28 = arith.constant 0 : i32
    %dma_start3A_29 = arith.constant 0 : i32
    %dma_start3A_30 = arith.constant 0 : i32
    %dma_start3A_31 = tpu.memref_slice %arg9[%dma_start3A_27, %dma_start3A_29, %dma_start3A_30] : memref<2x128x16xf32, #tpu.memory_space<vmem>> -> memref<1x128x16xf32, #tpu.memory_space<vmem>>
    %dma_start3A_32 = tpu.memref_squeeze %dma_start3A_31 : memref<1x128x16xf32, #tpu.memory_space<vmem>> -> memref<128x16xf32, #tpu.memory_space<vmem>>
    %dma_start3A_33 = arith.constant 0 : i32
    %dma_start3A_34 = tpu.memref_slice %arg12[%dma_start3A_26, %dma_start3A_33] : memref<104x128xi32, #tpu.memory_space<vmem>> -> memref<1x128xi32, #tpu.memory_space<vmem>>
    %dma_start3A_35 = tpu.memref_squeeze %dma_start3A_34 : memref<1x128xi32, #tpu.memory_space<vmem>> -> memref<128xi32, #tpu.memory_space<vmem>>
    %dma_start3A_36 = arith.constant 0 : i32
    %dma_start3A_37 = arith.constant 0 : i32
    %dma_start3A_38 = tpu.memref_slice %arg3[%dma_start3A_36, %dma_start3A_37] : memref<10000x16xf32, #tpu.memory_space<hbm>> -> memref<10000x16xf32, #tpu.memory_space<hbm>>
    %dma_start3A_39 = tpu.memref_slice %arg14[%dma_start3A_28] : memref<2x!tpu.dma_semaphore, #tpu.memory_space<semaphore_mem>> -> memref<1x!tpu.dma_semaphore, #tpu.memory_space<semaphore_mem>>
    %dma_start3A_40 = tpu.memref_squeeze %dma_start3A_39 : memref<1x!tpu.dma_semaphore, #tpu.memory_space<semaphore_mem>> -> memref<!tpu.dma_semaphore, #tpu.memory_space<semaphore_mem>>
    tpu.enqueue_indirect_dma source(%dma_start3A_38 : memref<10000x16xf32, #tpu.memory_space<hbm>>) target(%dma_start3A_32 : memref<128x16xf32, #tpu.memory_space<vmem>>) offsets(%dma_start3A_35 : memref<128xi32, #tpu.memory_space<vmem>>) semaphore(%dma_start3A_40 : memref<!tpu.dma_semaphore, #tpu.memory_space<semaphore_mem>>)
    %broadcast_in_dim3A = arith.constant 0.000000e+00 : f32
    %broadcast_in_dim3A_41 = vector.broadcast %broadcast_in_dim3A : f32 to vector<16xf32>
    %scan3A = arith.constant 0 : i32
    %scan3A_42 = arith.constant 0 : i32
    %scan3A_43 = arith.constant 128 : i32
    %scan3A_44 = arith.addi %scan3A_42, %scan3A_43 : i32
    %scan3A_45 = arith.constant 1 : i32
    scf.for %scan3A_99 = %scan3A_42 to %scan3A_44 step %scan3A_45  : i32 {
      %swap3A = arith.index_cast %scan3A_99 : i32 to index
      %swap3A_100 = arith.constant 0 : index
      %swap3A_101 = tpu.vector_load %arg10[%swap3A, %swap3A_100] {strides = array<i32>} : memref<128x32xf32, #tpu.memory_space<vmem>>, vector<16xf32>,
      tpu.vector_store %arg10[%swap3A, %swap3A_100], %broadcast_in_dim3A_41 {strides = array<i32>} : memref<128x32xf32, #tpu.memory_space<vmem>>, vector<16xf32>,
      %swap3A_102 = arith.index_cast %scan3A_99 : i32 to index
      %swap3A_103 = arith.constant 16 : index
      %swap3A_104 = tpu.vector_load %arg10[%swap3A_102, %swap3A_103] {strides = array<i32>} : memref<128x32xf32, #tpu.memory_space<vmem>>, vector<16xf32>,
      tpu.vector_store %arg10[%swap3A_102, %swap3A_103], %broadcast_in_dim3A_41 {strides = array<i32>} : memref<128x32xf32, #tpu.memory_space<vmem>>, vector<16xf32>,
    }
    %scan3A_46 = arith.constant 128 : i32
    %mul3A_47 = arith.constant 632 : i32
    %mul3A_48 = arith.muli %arg1, %mul3A_47 : i32
    %add3A_49 = arith.constant 0 : i32
    %add3A_50 = arith.addi %mul3A_48, %add3A_49 : i32
    "tpu.region"() ({
      %run_scoped3A = tpu.sem_alloc : memref<!tpu.dma_semaphore, #tpu.memory_space<semaphore_mem>>
      %dma_start3A_99 = arith.constant 0 : i32
      %dma_start3A_100 = arith.constant 0 : i32
      %dma_start3A_101 = tpu.memref_slice %arg10[%dma_start3A_99, %dma_start3A_100] : memref<128x32xf32, #tpu.memory_space<vmem>> -> memref<128x32xf32, #tpu.memory_space<vmem>>
      %dma_start3A_102 = arith.constant 0 : i32
      %dma_start3A_103 = tpu.memref_slice %arg7[%add3A_50, %dma_start3A_102] : memref<10112x32xf32, #tpu.memory_space<vmem_shared>> -> memref<128x32xf32, #tpu.memory_space<vmem_shared>>
      %dma_start3A_104 = arith.constant 0 : i32
      %dma_start3A_105 = tpu.memref_slice %arg7[%add3A_50, %dma_start3A_104] : memref<10112x32xf32, #tpu.memory_space<vmem_shared>> -> memref<128x32xf32, #tpu.memory_space<vmem_shared>>
      %dma_start3A_106 = arith.constant 0 : i32
      %dma_start3A_107 = arith.constant 0 : i32
      %dma_start3A_108 = tpu.memref_slice %arg10[%dma_start3A_106, %dma_start3A_107] : memref<128x32xf32, #tpu.memory_space<vmem>> -> memref<128x32xf32, #tpu.memory_space<vmem>>
      tpu.enqueue_dma source(%dma_start3A_108 : memref<128x32xf32, #tpu.memory_space<vmem>>) target(%dma_start3A_105 : memref<128x32xf32, #tpu.memory_space<vmem_shared>>) target_semaphore(%run_scoped3A : memref<!tpu.dma_semaphore, #tpu.memory_space<semaphore_mem>>)
      %dma_wait3A = arith.constant 0 : i32
      %dma_wait3A_109 = arith.constant 0 : i32
      %dma_wait3A_110 = tpu.memref_slice %arg10[%dma_wait3A, %dma_wait3A_109] : memref<128x32xf32, #tpu.memory_space<vmem>> -> memref<128x32xf32, #tpu.memory_space<vmem>>
      %dma_wait3A_111 = arith.constant 0 : i32
      %dma_wait3A_112 = tpu.memref_slice %arg7[%add3A_50, %dma_wait3A_111] : memref<10112x32xf32, #tpu.memory_space<vmem_shared>> -> memref<128x32xf32, #tpu.memory_space<vmem_shared>>
      %dma_wait3A_113 = arith.constant 0 : i32
      %dma_wait3A_114 = tpu.memref_slice %arg7[%add3A_50, %dma_wait3A_113] : memref<10112x32xf32, #tpu.memory_space<vmem_shared>> -> memref<128x32xf32, #tpu.memory_space<vmem_shared>>
      %dma_wait3A_115 = arith.constant 0 : i32
      %dma_wait3A_116 = arith.constant 0 : i32
      %dma_wait3A_117 = tpu.memref_slice %arg10[%dma_wait3A_115, %dma_wait3A_116] : memref<128x32xf32, #tpu.memory_space<vmem>> -> memref<128x32xf32, #tpu.memory_space<vmem>>
      tpu.wait_dma2 semaphore(%run_scoped3A : memref<!tpu.dma_semaphore, #tpu.memory_space<semaphore_mem>>) src(%dma_wait3A_117 : memref<128x32xf32, #tpu.memory_space<vmem>>) dst(%dma_wait3A_114 : memref<128x32xf32, #tpu.memory_space<vmem_shared>>)
      tpu.yield
    }) : () -> ()
    %mul3A_51 = arith.constant 632 : i32
    %mul3A_52 = arith.muli %arg1, %mul3A_51 : i32
    %add3A_53 = arith.constant 128 : i32
    %add3A_54 = arith.addi %mul3A_52, %add3A_53 : i32
    "tpu.region"() ({
      %run_scoped3A = tpu.sem_alloc : memref<!tpu.dma_semaphore, #tpu.memory_space<semaphore_mem>>
      %dma_start3A_99 = arith.constant 0 : i32
      %dma_start3A_100 = arith.constant 0 : i32
      %dma_start3A_101 = tpu.memref_slice %arg10[%dma_start3A_99, %dma_start3A_100] : memref<128x32xf32, #tpu.memory_space<vmem>> -> memref<128x32xf32, #tpu.memory_space<vmem>>
      %dma_start3A_102 = arith.constant 0 : i32
      %dma_start3A_103 = tpu.memref_slice %arg7[%add3A_54, %dma_start3A_102] : memref<10112x32xf32, #tpu.memory_space<vmem_shared>> -> memref<128x32xf32, #tpu.memory_space<vmem_shared>>
      %dma_start3A_104 = arith.constant 0 : i32
      %dma_start3A_105 = tpu.memref_slice %arg7[%add3A_54, %dma_start3A_104] : memref<10112x32xf32, #tpu.memory_space<vmem_shared>> -> memref<128x32xf32, #tpu.memory_space<vmem_shared>>
      %dma_start3A_106 = arith.constant 0 : i32
      %dma_start3A_107 = arith.constant 0 : i32
      %dma_start3A_108 = tpu.memref_slice %arg10[%dma_start3A_106, %dma_start3A_107] : memref<128x32xf32, #tpu.memory_space<vmem>> -> memref<128x32xf32, #tpu.memory_space<vmem>>
      tpu.enqueue_dma source(%dma_start3A_108 : memref<128x32xf32, #tpu.memory_space<vmem>>) target(%dma_start3A_105 : memref<128x32xf32, #tpu.memory_space<vmem_shared>>) target_semaphore(%run_scoped3A : memref<!tpu.dma_semaphore, #tpu.memory_space<semaphore_mem>>)
      %dma_wait3A = arith.constant 0 : i32
      %dma_wait3A_109 = arith.constant 0 : i32
      %dma_wait3A_110 = tpu.memref_slice %arg10[%dma_wait3A, %dma_wait3A_109] : memref<128x32xf32, #tpu.memory_space<vmem>> -> memref<128x32xf32, #tpu.memory_space<vmem>>
      %dma_wait3A_111 = arith.constant 0 : i32
      %dma_wait3A_112 = tpu.memref_slice %arg7[%add3A_54, %dma_wait3A_111] : memref<10112x32xf32, #tpu.memory_space<vmem_shared>> -> memref<128x32xf32, #tpu.memory_space<vmem_shared>>
      %dma_wait3A_113 = arith.constant 0 : i32
      %dma_wait3A_114 = tpu.memref_slice %arg7[%add3A_54, %dma_wait3A_113] : memref<10112x32xf32, #tpu.memory_space<vmem_shared>> -> memref<128x32xf32, #tpu.memory_space<vmem_shared>>
      %dma_wait3A_115 = arith.constant 0 : i32
      %dma_wait3A_116 = arith.constant 0 : i32
      %dma_wait3A_117 = tpu.memref_slice %arg10[%dma_wait3A_115, %dma_wait3A_116] : memref<128x32xf32, #tpu.memory_space<vmem>> -> memref<128x32xf32, #tpu.memory_space<vmem>>
      tpu.wait_dma2 semaphore(%run_scoped3A : memref<!tpu.dma_semaphore, #tpu.memory_space<semaphore_mem>>) src(%dma_wait3A_117 : memref<128x32xf32, #tpu.memory_space<vmem>>) dst(%dma_wait3A_114 : memref<128x32xf32, #tpu.memory_space<vmem_shared>>)
      tpu.yield
    }) : () -> ()
    %mul3A_55 = arith.constant 632 : i32
    %mul3A_56 = arith.muli %arg1, %mul3A_55 : i32
    %add3A_57 = arith.constant 256 : i32
    %add3A_58 = arith.addi %mul3A_56, %add3A_57 : i32
    "tpu.region"() ({
      %run_scoped3A = tpu.sem_alloc : memref<!tpu.dma_semaphore, #tpu.memory_space<semaphore_mem>>
      %dma_start3A_99 = arith.constant 0 : i32
      %dma_start3A_100 = arith.constant 0 : i32
      %dma_start3A_101 = tpu.memref_slice %arg10[%dma_start3A_99, %dma_start3A_100] : memref<128x32xf32, #tpu.memory_space<vmem>> -> memref<128x32xf32, #tpu.memory_space<vmem>>
      %dma_start3A_102 = arith.constant 0 : i32
      %dma_start3A_103 = tpu.memref_slice %arg7[%add3A_58, %dma_start3A_102] : memref<10112x32xf32, #tpu.memory_space<vmem_shared>> -> memref<128x32xf32, #tpu.memory_space<vmem_shared>>
      %dma_start3A_104 = arith.constant 0 : i32
      %dma_start3A_105 = tpu.memref_slice %arg7[%add3A_58, %dma_start3A_104] : memref<10112x32xf32, #tpu.memory_space<vmem_shared>> -> memref<128x32xf32, #tpu.memory_space<vmem_shared>>
      %dma_start3A_106 = arith.constant 0 : i32
      %dma_start3A_107 = arith.constant 0 : i32
      %dma_start3A_108 = tpu.memref_slice %arg10[%dma_start3A_106, %dma_start3A_107] : memref<128x32xf32, #tpu.memory_space<vmem>> -> memref<128x32xf32, #tpu.memory_space<vmem>>
      tpu.enqueue_dma source(%dma_start3A_108 : memref<128x32xf32, #tpu.memory_space<vmem>>) target(%dma_start3A_105 : memref<128x32xf32, #tpu.memory_space<vmem_shared>>) target_semaphore(%run_scoped3A : memref<!tpu.dma_semaphore, #tpu.memory_space<semaphore_mem>>)
      %dma_wait3A = arith.constant 0 : i32
      %dma_wait3A_109 = arith.constant 0 : i32
      %dma_wait3A_110 = tpu.memref_slice %arg10[%dma_wait3A, %dma_wait3A_109] : memref<128x32xf32, #tpu.memory_space<vmem>> -> memref<128x32xf32, #tpu.memory_space<vmem>>
      %dma_wait3A_111 = arith.constant 0 : i32
      %dma_wait3A_112 = tpu.memref_slice %arg7[%add3A_58, %dma_wait3A_111] : memref<10112x32xf32, #tpu.memory_space<vmem_shared>> -> memref<128x32xf32, #tpu.memory_space<vmem_shared>>
      %dma_wait3A_113 = arith.constant 0 : i32
      %dma_wait3A_114 = tpu.memref_slice %arg7[%add3A_58, %dma_wait3A_113] : memref<10112x32xf32, #tpu.memory_space<vmem_shared>> -> memref<128x32xf32, #tpu.memory_space<vmem_shared>>
      %dma_wait3A_115 = arith.constant 0 : i32
      %dma_wait3A_116 = arith.constant 0 : i32
      %dma_wait3A_117 = tpu.memref_slice %arg10[%dma_wait3A_115, %dma_wait3A_116] : memref<128x32xf32, #tpu.memory_space<vmem>> -> memref<128x32xf32, #tpu.memory_space<vmem>>
      tpu.wait_dma2 semaphore(%run_scoped3A : memref<!tpu.dma_semaphore, #tpu.memory_space<semaphore_mem>>) src(%dma_wait3A_117 : memref<128x32xf32, #tpu.memory_space<vmem>>) dst(%dma_wait3A_114 : memref<128x32xf32, #tpu.memory_space<vmem_shared>>)
      tpu.yield
    }) : () -> ()
    %mul3A_59 = arith.constant 632 : i32
    %mul3A_60 = arith.muli %arg1, %mul3A_59 : i32
    %add3A_61 = arith.constant 384 : i32
    %add3A_62 = arith.addi %mul3A_60, %add3A_61 : i32
    "tpu.region"() ({
      %run_scoped3A = tpu.sem_alloc : memref<!tpu.dma_semaphore, #tpu.memory_space<semaphore_mem>>
      %dma_start3A_99 = arith.constant 0 : i32
      %dma_start3A_100 = arith.constant 0 : i32
      %dma_start3A_101 = tpu.memref_slice %arg10[%dma_start3A_99, %dma_start3A_100] : memref<128x32xf32, #tpu.memory_space<vmem>> -> memref<128x32xf32, #tpu.memory_space<vmem>>
      %dma_start3A_102 = arith.constant 0 : i32
      %dma_start3A_103 = tpu.memref_slice %arg7[%add3A_62, %dma_start3A_102] : memref<10112x32xf32, #tpu.memory_space<vmem_shared>> -> memref<128x32xf32, #tpu.memory_space<vmem_shared>>
      %dma_start3A_104 = arith.constant 0 : i32
      %dma_start3A_105 = tpu.memref_slice %arg7[%add3A_62, %dma_start3A_104] : memref<10112x32xf32, #tpu.memory_space<vmem_shared>> -> memref<128x32xf32, #tpu.memory_space<vmem_shared>>
      %dma_start3A_106 = arith.constant 0 : i32
      %dma_start3A_107 = arith.constant 0 : i32
      %dma_start3A_108 = tpu.memref_slice %arg10[%dma_start3A_106, %dma_start3A_107] : memref<128x32xf32, #tpu.memory_space<vmem>> -> memref<128x32xf32, #tpu.memory_space<vmem>>
      tpu.enqueue_dma source(%dma_start3A_108 : memref<128x32xf32, #tpu.memory_space<vmem>>) target(%dma_start3A_105 : memref<128x32xf32, #tpu.memory_space<vmem_shared>>) target_semaphore(%run_scoped3A : memref<!tpu.dma_semaphore, #tpu.memory_space<semaphore_mem>>)
      %dma_wait3A = arith.constant 0 : i32
      %dma_wait3A_109 = arith.constant 0 : i32
      %dma_wait3A_110 = tpu.memref_slice %arg10[%dma_wait3A, %dma_wait3A_109] : memref<128x32xf32, #tpu.memory_space<vmem>> -> memref<128x32xf32, #tpu.memory_space<vmem>>
      %dma_wait3A_111 = arith.constant 0 : i32
      %dma_wait3A_112 = tpu.memref_slice %arg7[%add3A_62, %dma_wait3A_111] : memref<10112x32xf32, #tpu.memory_space<vmem_shared>> -> memref<128x32xf32, #tpu.memory_space<vmem_shared>>
      %dma_wait3A_113 = arith.constant 0 : i32
      %dma_wait3A_114 = tpu.memref_slice %arg7[%add3A_62, %dma_wait3A_113] : memref<10112x32xf32, #tpu.memory_space<vmem_shared>> -> memref<128x32xf32, #tpu.memory_space<vmem_shared>>
      %dma_wait3A_115 = arith.constant 0 : i32
      %dma_wait3A_116 = arith.constant 0 : i32
      %dma_wait3A_117 = tpu.memref_slice %arg10[%dma_wait3A_115, %dma_wait3A_116] : memref<128x32xf32, #tpu.memory_space<vmem>> -> memref<128x32xf32, #tpu.memory_space<vmem>>
      tpu.wait_dma2 semaphore(%run_scoped3A : memref<!tpu.dma_semaphore, #tpu.memory_space<semaphore_mem>>) src(%dma_wait3A_117 : memref<128x32xf32, #tpu.memory_space<vmem>>) dst(%dma_wait3A_114 : memref<128x32xf32, #tpu.memory_space<vmem_shared>>)
      tpu.yield
    }) : () -> ()
    %mul3A_63 = arith.constant 632 : i32
    %mul3A_64 = arith.muli %arg1, %mul3A_63 : i32
    %add3A_65 = arith.constant 512 : i32
    %add3A_66 = arith.addi %mul3A_64, %add3A_65 : i32
    "tpu.region"() ({
      %run_scoped3A = tpu.sem_alloc : memref<!tpu.dma_semaphore, #tpu.memory_space<semaphore_mem>>
      %dma_start3A_99 = arith.constant 0 : i32
      %dma_start3A_100 = arith.constant 0 : i32
      %dma_start3A_101 = tpu.memref_slice %arg10[%dma_start3A_99, %dma_start3A_100] : memref<128x32xf32, #tpu.memory_space<vmem>> -> memref<120x32xf32, #tpu.memory_space<vmem>>
      %dma_start3A_102 = arith.constant 0 : i32
      %dma_start3A_103 = tpu.memref_slice %arg7[%add3A_66, %dma_start3A_102] : memref<10112x32xf32, #tpu.memory_space<vmem_shared>> -> memref<120x32xf32, #tpu.memory_space<vmem_shared>>
      %dma_start3A_104 = arith.constant 0 : i32
      %dma_start3A_105 = tpu.memref_slice %arg7[%add3A_66, %dma_start3A_104] : memref<10112x32xf32, #tpu.memory_space<vmem_shared>> -> memref<120x32xf32, #tpu.memory_space<vmem_shared>>
      %dma_start3A_106 = arith.constant 0 : i32
      %dma_start3A_107 = arith.constant 0 : i32
      %dma_start3A_108 = tpu.memref_slice %arg10[%dma_start3A_106, %dma_start3A_107] : memref<128x32xf32, #tpu.memory_space<vmem>> -> memref<120x32xf32, #tpu.memory_space<vmem>>
      tpu.enqueue_dma source(%dma_start3A_108 : memref<120x32xf32, #tpu.memory_space<vmem>>) target(%dma_start3A_105 : memref<120x32xf32, #tpu.memory_space<vmem_shared>>) target_semaphore(%run_scoped3A : memref<!tpu.dma_semaphore, #tpu.memory_space<semaphore_mem>>)
      %dma_wait3A = arith.constant 0 : i32
      %dma_wait3A_109 = arith.constant 0 : i32
      %dma_wait3A_110 = tpu.memref_slice %arg10[%dma_wait3A, %dma_wait3A_109] : memref<128x32xf32, #tpu.memory_space<vmem>> -> memref<120x32xf32, #tpu.memory_space<vmem>>
      %dma_wait3A_111 = arith.constant 0 : i32
      %dma_wait3A_112 = tpu.memref_slice %arg7[%add3A_66, %dma_wait3A_111] : memref<10112x32xf32, #tpu.memory_space<vmem_shared>> -> memref<120x32xf32, #tpu.memory_space<vmem_shared>>
      %dma_wait3A_113 = arith.constant 0 : i32
      %dma_wait3A_114 = tpu.memref_slice %arg7[%add3A_66, %dma_wait3A_113] : memref<10112x32xf32, #tpu.memory_space<vmem_shared>> -> memref<120x32xf32, #tpu.memory_space<vmem_shared>>
      %dma_wait3A_115 = arith.constant 0 : i32
      %dma_wait3A_116 = arith.constant 0 : i32
      %dma_wait3A_117 = tpu.memref_slice %arg10[%dma_wait3A_115, %dma_wait3A_116] : memref<128x32xf32, #tpu.memory_space<vmem>> -> memref<120x32xf32, #tpu.memory_space<vmem>>
      tpu.wait_dma2 semaphore(%run_scoped3A : memref<!tpu.dma_semaphore, #tpu.memory_space<semaphore_mem>>) src(%dma_wait3A_117 : memref<120x32xf32, #tpu.memory_space<vmem>>) dst(%dma_wait3A_114 : memref<120x32xf32, #tpu.memory_space<vmem_shared>>)
      tpu.yield
    }) : () -> ()
    %barrier3A = arith.constant 0 : index
    tpu.barrier barrier_id(%barrier3A)
    %jit3A_67 = arith.constant 2 : i32
    %div3A = arith.divsi %select_n3A, %jit3A_67 : i32
    %sign3A = arith.constant 0 : i32
    %sign3A_68 = arith.cmpi sgt, %select_n3A, %sign3A : i32
    %sign3A_69 = arith.extui %sign3A_68 : i1 to i32
    %sign3A_70 = arith.constant 0 : i32
    %sign3A_71 = arith.cmpi slt, %select_n3A, %sign3A_70 : i32
    %sign3A_72 = arith.extui %sign3A_71 : i1 to i32
    %sign3A_73 = arith.subi %sign3A_69, %sign3A_72 : i32
    %sign3A_74 = arith.constant 0 : i32
    %sign3A_75 = arith.cmpi sgt, %jit3A_67, %sign3A_74 : i32
    %sign3A_76 = arith.extui %sign3A_75 : i1 to i32
    %sign3A_77 = arith.constant 0 : i32
    %sign3A_78 = arith.cmpi slt, %jit3A_67, %sign3A_77 : i32
    %sign3A_79 = arith.extui %sign3A_78 : i1 to i32
    %sign3A_80 = arith.subi %sign3A_76, %sign3A_79 : i32
    %ne3A = arith.cmpi ne, %sign3A_73, %sign3A_80 : i32
    %rem3A = arith.remsi %select_n3A, %jit3A_67 : i32
    %ne3A_81 = arith.constant 0 : i32
    %ne3A_82 = arith.cmpi ne, %rem3A, %ne3A_81 : i32
    %and3A = arith.andi %ne3A, %ne3A_82 : i1
    %sub3A = arith.constant 1 : i32
    %sub3A_83 = arith.subi %div3A, %sub3A : i32
    %select_n3A_84 = arith.select %and3A, %sub3A_83, %div3A : i32
    %while3A = arith.constant 0 : i32
    %while3A_85 = arith.constant 0 : i32
    %while3A_86 = arith.subi %select_n3A_84, %while3A_85 : i32
    %while3A_87 = arith.addi %while3A_85, %while3A_86 : i32
    %while3A_88 = arith.constant 1 : i32
    %while3A_89 = arith.divsi %while3A_86, %while3A_88 : i32
    %while3A_90 = arith.muli %while3A_89, %while3A_88 : i32
    %while3A_91 = arith.addi %while3A_85, %while3A_90 : i32
    %while3A_92 = arith.constant 1 : i32
    scf.for %while3A_99 = %while3A_85 to %while3A_91 step %while3A_92  : i32 {
      %mul3A_100 = arith.constant 2 : i32
      %mul3A_101 = arith.muli %mul3A_100, %while3A_99 : i32
      %add3A_102 = arith.constant 0 : i32
      %add3A_103 = arith.addi %mul3A_101, %add3A_102 : i32
      %add3A_104 = arith.constant 1 : i32
      %add3A_105 = arith.addi %add3A_103, %add3A_104 : i32
      %lt3A = arith.cmpi slt, %add3A_105, %select_n3A : i32
      %convert_element_type3A_106 = arith.extui %lt3A : i1 to i32
      %cond3A_107 = arith.constant 0 : i32
      %cond3A_108 = arith.cmpi ne, %convert_element_type3A_106, %cond3A_107 : i32
      scf.if %cond3A_108 {
        %add3A_179 = arith.constant 1 : i32
        %add3A_180 = arith.addi %add3A_103, %add3A_179 : i32
        %dma_start3A_181 = arith.constant 1 : i32
        %dma_start3A_182 = arith.constant 1 : i32
        %dma_start3A_183 = arith.constant 0 : i32
        %dma_start3A_184 = arith.constant 0 : i32
        %dma_start3A_185 = tpu.memref_slice %arg8[%dma_start3A_181, %dma_start3A_183, %dma_start3A_184] : memref<2x128x32xbf16, #tpu.memory_space<vmem>> -> memref<1x128x32xbf16, #tpu.memory_space<vmem>>
        %dma_start3A_186 = tpu.memref_squeeze %dma_start3A_185 : memref<1x128x32xbf16, #tpu.memory_space<vmem>> -> memref<128x32xbf16, #tpu.memory_space<vmem>>
        %dma_start3A_187 = arith.constant 0 : i32
        %dma_start3A_188 = tpu.memref_slice %arg11[%add3A_180, %dma_start3A_187] : memref<104x128xi32, #tpu.memory_space<vmem>> -> memref<1x128xi32, #tpu.memory_space<vmem>>
        %dma_start3A_189 = tpu.memref_squeeze %dma_start3A_188 : memref<1x128xi32, #tpu.memory_space<vmem>> -> memref<128xi32, #tpu.memory_space<vmem>>
        %dma_start3A_190 = arith.constant 0 : i32
        %dma_start3A_191 = arith.constant 0 : i32
        %dma_start3A_192 = tpu.memref_slice %arg2[%dma_start3A_190, %dma_start3A_191] : memref<10000x32xbf16, #tpu.memory_space<hbm>> -> memref<10000x32xbf16, #tpu.memory_space<hbm>>
        %dma_start3A_193 = tpu.memref_slice %arg13[%dma_start3A_182] : memref<2x!tpu.dma_semaphore, #tpu.memory_space<semaphore_mem>> -> memref<1x!tpu.dma_semaphore, #tpu.memory_space<semaphore_mem>>
        %dma_start3A_194 = tpu.memref_squeeze %dma_start3A_193 : memref<1x!tpu.dma_semaphore, #tpu.memory_space<semaphore_mem>> -> memref<!tpu.dma_semaphore, #tpu.memory_space<semaphore_mem>>
        tpu.enqueue_indirect_dma source(%dma_start3A_192 : memref<10000x32xbf16, #tpu.memory_space<hbm>>) target(%dma_start3A_186 : memref<128x32xbf16, #tpu.memory_space<vmem>>) offsets(%dma_start3A_189 : memref<128xi32, #tpu.memory_space<vmem>>) semaphore(%dma_start3A_194 : memref<!tpu.dma_semaphore, #tpu.memory_space<semaphore_mem>>)
        %dma_start3A_195 = arith.constant 1 : i32
        %dma_start3A_196 = arith.constant 1 : i32
        %dma_start3A_197 = arith.constant 0 : i32
        %dma_start3A_198 = arith.constant 0 : i32
        %dma_start3A_199 = tpu.memref_slice %arg9[%dma_start3A_195, %dma_start3A_197, %dma_start3A_198] : memref<2x128x16xf32, #tpu.memory_space<vmem>> -> memref<1x128x16xf32, #tpu.memory_space<vmem>>
        %dma_start3A_200 = tpu.memref_squeeze %dma_start3A_199 : memref<1x128x16xf32, #tpu.memory_space<vmem>> -> memref<128x16xf32, #tpu.memory_space<vmem>>
        %dma_start3A_201 = arith.constant 0 : i32
        %dma_start3A_202 = tpu.memref_slice %arg12[%add3A_180, %dma_start3A_201] : memref<104x128xi32, #tpu.memory_space<vmem>> -> memref<1x128xi32, #tpu.memory_space<vmem>>
        %dma_start3A_203 = tpu.memref_squeeze %dma_start3A_202 : memref<1x128xi32, #tpu.memory_space<vmem>> -> memref<128xi32, #tpu.memory_space<vmem>>
        %dma_start3A_204 = arith.constant 0 : i32
        %dma_start3A_205 = arith.constant 0 : i32
        %dma_start3A_206 = tpu.memref_slice %arg3[%dma_start3A_204, %dma_start3A_205] : memref<10000x16xf32, #tpu.memory_space<hbm>> -> memref<10000x16xf32, #tpu.memory_space<hbm>>
        %dma_start3A_207 = tpu.memref_slice %arg14[%dma_start3A_196] : memref<2x!tpu.dma_semaphore, #tpu.memory_space<semaphore_mem>> -> memref<1x!tpu.dma_semaphore, #tpu.memory_space<semaphore_mem>>
        %dma_start3A_208 = tpu.memref_squeeze %dma_start3A_207 : memref<1x!tpu.dma_semaphore, #tpu.memory_space<semaphore_mem>> -> memref<!tpu.dma_semaphore, #tpu.memory_space<semaphore_mem>>
        tpu.enqueue_indirect_dma source(%dma_start3A_206 : memref<10000x16xf32, #tpu.memory_space<hbm>>) target(%dma_start3A_200 : memref<128x16xf32, #tpu.memory_space<vmem>>) offsets(%dma_start3A_203 : memref<128xi32, #tpu.memory_space<vmem>>) semaphore(%dma_start3A_208 : memref<!tpu.dma_semaphore, #tpu.memory_space<semaphore_mem>>)
      } else {
      }
      %dma_wait3A = arith.constant 0 : i32
      %dma_wait3A_109 = arith.constant 0 : i32
      %dma_wait3A_110 = arith.constant 0 : i32
      %dma_wait3A_111 = arith.constant 0 : i32
      %dma_wait3A_112 = tpu.memref_slice %arg8[%dma_wait3A, %dma_wait3A_110, %dma_wait3A_111] : memref<2x128x32xbf16, #tpu.memory_space<vmem>> -> memref<1x128x32xbf16, #tpu.memory_space<vmem>>
      %dma_wait3A_113 = tpu.memref_squeeze %dma_wait3A_112 : memref<1x128x32xbf16, #tpu.memory_space<vmem>> -> memref<128x32xbf16, #tpu.memory_space<vmem>>
      %dma_wait3A_114 = arith.constant 0 : i32
      %dma_wait3A_115 = tpu.memref_slice %arg11[%add3A_103, %dma_wait3A_114] : memref<104x128xi32, #tpu.memory_space<vmem>> -> memref<1x128xi32, #tpu.memory_space<vmem>>
      %dma_wait3A_116 = tpu.memref_squeeze %dma_wait3A_115 : memref<1x128xi32, #tpu.memory_space<vmem>> -> memref<128xi32, #tpu.memory_space<vmem>>
      %dma_wait3A_117 = arith.constant 0 : i32
      %dma_wait3A_118 = arith.constant 0 : i32
      %dma_wait3A_119 = tpu.memref_slice %arg2[%dma_wait3A_117, %dma_wait3A_118] : memref<10000x32xbf16, #tpu.memory_space<hbm>> -> memref<10000x32xbf16, #tpu.memory_space<hbm>>
      %dma_wait3A_120 = tpu.memref_slice %arg13[%dma_wait3A_109] : memref<2x!tpu.dma_semaphore, #tpu.memory_space<semaphore_mem>> -> memref<1x!tpu.dma_semaphore, #tpu.memory_space<semaphore_mem>>
      %dma_wait3A_121 = tpu.memref_squeeze %dma_wait3A_120 : memref<1x!tpu.dma_semaphore, #tpu.memory_space<semaphore_mem>> -> memref<!tpu.dma_semaphore, #tpu.memory_space<semaphore_mem>>
      tpu.wait_indirect_dma semaphore(%dma_wait3A_121 : memref<!tpu.dma_semaphore, #tpu.memory_space<semaphore_mem>>) src(%dma_wait3A_119 : memref<10000x32xbf16, #tpu.memory_space<hbm>>) dst(%dma_wait3A_113 : memref<128x32xbf16, #tpu.memory_space<vmem>>)
      %dma_wait3A_122 = arith.constant 0 : i32
      %dma_wait3A_123 = arith.constant 0 : i32
      %dma_wait3A_124 = arith.constant 0 : i32
      %dma_wait3A_125 = arith.constant 0 : i32
      %dma_wait3A_126 = tpu.memref_slice %arg9[%dma_wait3A_122, %dma_wait3A_124, %dma_wait3A_125] : memref<2x128x16xf32, #tpu.memory_space<vmem>> -> memref<1x128x16xf32, #tpu.memory_space<vmem>>
      %dma_wait3A_127 = tpu.memref_squeeze %dma_wait3A_126 : memref<1x128x16xf32, #tpu.memory_space<vmem>> -> memref<128x16xf32, #tpu.memory_space<vmem>>
      %dma_wait3A_128 = arith.constant 0 : i32
      %dma_wait3A_129 = tpu.memref_slice %arg12[%add3A_103, %dma_wait3A_128] : memref<104x128xi32, #tpu.memory_space<vmem>> -> memref<1x128xi32, #tpu.memory_space<vmem>>
      %dma_wait3A_130 = tpu.memref_squeeze %dma_wait3A_129 : memref<1x128xi32, #tpu.memory_space<vmem>> -> memref<128xi32, #tpu.memory_space<vmem>>
      %dma_wait3A_131 = arith.constant 0 : i32
      %dma_wait3A_132 = arith.constant 0 : i32
      %dma_wait3A_133 = tpu.memref_slice %arg3[%dma_wait3A_131, %dma_wait3A_132] : memref<10000x16xf32, #tpu.memory_space<hbm>> -> memref<10000x16xf32, #tpu.memory_space<hbm>>
      %dma_wait3A_134 = tpu.memref_slice %arg14[%dma_wait3A_123] : memref<2x!tpu.dma_semaphore, #tpu.memory_space<semaphore_mem>> -> memref<1x!tpu.dma_semaphore, #tpu.memory_space<semaphore_mem>>
      %dma_wait3A_135 = tpu.memref_squeeze %dma_wait3A_134 : memref<1x!tpu.dma_semaphore, #tpu.memory_space<semaphore_mem>> -> memref<!tpu.dma_semaphore, #tpu.memory_space<semaphore_mem>>
      tpu.wait_indirect_dma semaphore(%dma_wait3A_135 : memref<!tpu.dma_semaphore, #tpu.memory_space<semaphore_mem>>) src(%dma_wait3A_133 : memref<10000x16xf32, #tpu.memory_space<hbm>>) dst(%dma_wait3A_127 : memref<128x16xf32, #tpu.memory_space<vmem>>)
      %parallel_loop3A = arith.constant 0 : i32
      %parallel_loop3A_136 = arith.constant 128 : i32
      %parallel_loop3A_137 = arith.constant 1 : i32
      scf.for %parallel_loop3A_179 = %parallel_loop3A to %parallel_loop3A_136 step %parallel_loop3A_137  : i32 {
        %parallel_loop3A_180 = arith.constant 0 : i32
        %parallel_loop3A_181 = arith.index_cast %parallel_loop3A_180 : i32 to index
        %parallel_loop3A_182 = arith.index_cast %parallel_loop3A_179 : i32 to index
        %parallel_loop3A_183 = arith.constant 0 : index
        %parallel_loop3A_184 = tpu.vector_load %arg8[%parallel_loop3A_181, %parallel_loop3A_182, %parallel_loop3A_183] {strides = array<i32>} : memref<2x128x32xbf16, #tpu.memory_space<vmem>>, vector<32xbf16>,
        %parallel_loop3A_185 = tpu.unpack_subelements %parallel_loop3A_184, 0 {pack_format = #tpu.pack_format<interleaved>} : vector<32xbf16> -> vector<16xf32>
        %parallel_loop3A_186 = tpu.unpack_subelements %parallel_loop3A_184, 1 {pack_format = #tpu.pack_format<interleaved>} : vector<32xbf16> -> vector<16xf32>
        %parallel_loop3A_187 = arith.constant 0 : i32
        %parallel_loop3A_188 = arith.index_cast %parallel_loop3A_187 : i32 to index
        %parallel_loop3A_189 = arith.index_cast %parallel_loop3A_179 : i32 to index
        %parallel_loop3A_190 = arith.constant 0 : index
        %parallel_loop3A_191 = tpu.vector_load %arg9[%parallel_loop3A_188, %parallel_loop3A_189, %parallel_loop3A_190] {strides = array<i32>} : memref<2x128x16xf32, #tpu.memory_space<vmem>>, vector<16xf32>,
        %parallel_loop3A_192 = arith.addf %parallel_loop3A_186, %parallel_loop3A_191 : vector<16xf32>
        %parallel_loop3A_193 = arith.constant 2.000000e-01 : f32
        %parallel_loop3A_194 = vector.broadcast %parallel_loop3A_193 : f32 to vector<16xf32>
        %parallel_loop3A_195 = arith.mulf %parallel_loop3A_192, %parallel_loop3A_194 : vector<16xf32>
        %parallel_loop3A_196 = arith.maximumf %parallel_loop3A_192, %parallel_loop3A_195 : vector<16xf32>
        %parallel_loop3A_197 = math.exp %parallel_loop3A_196 : vector<16xf32>
        %parallel_loop3A_198 = arith.mulf %parallel_loop3A_197, %parallel_loop3A_185 : vector<16xf32>
        %parallel_loop3A_199 = arith.index_cast %parallel_loop3A_179 : i32 to index
        %parallel_loop3A_200 = arith.constant 0 : index
        %parallel_loop3A_201 = tpu.vector_load %arg10[%parallel_loop3A_199, %parallel_loop3A_200] {strides = array<i32>} : memref<128x32xf32, #tpu.memory_space<vmem>>, vector<16xf32>,
        tpu.vector_store %arg10[%parallel_loop3A_199, %parallel_loop3A_200], %parallel_loop3A_198 {strides = array<i32>} : memref<128x32xf32, #tpu.memory_space<vmem>>, vector<16xf32>,
        %parallel_loop3A_202 = arith.index_cast %parallel_loop3A_179 : i32 to index
        %parallel_loop3A_203 = arith.constant 16 : index
        %parallel_loop3A_204 = tpu.vector_load %arg10[%parallel_loop3A_202, %parallel_loop3A_203] {strides = array<i32>} : memref<128x32xf32, #tpu.memory_space<vmem>>, vector<16xf32>,
        tpu.vector_store %arg10[%parallel_loop3A_202, %parallel_loop3A_203], %parallel_loop3A_197 {strides = array<i32>} : memref<128x32xf32, #tpu.memory_space<vmem>>, vector<16xf32>,
      } {sc.loop_unroll_factor = 4 : i64, sc.parallel_access}
      "tpu.region"() ({
        %run_scoped3A = tpu.sem_alloc : memref<!tpu.dma_semaphore, #tpu.memory_space<semaphore_mem>>
        %dma_start3A_179 = arith.constant 0 : i32
        %dma_start3A_180 = tpu.memref_slice %arg12[%add3A_103, %dma_start3A_179] : memref<104x128xi32, #tpu.memory_space<vmem>> -> memref<1x128xi32, #tpu.memory_space<vmem>>
        %dma_start3A_181 = tpu.memref_squeeze %dma_start3A_180 : memref<1x128xi32, #tpu.memory_space<vmem>> -> memref<128xi32, #tpu.memory_space<vmem>>
        %dma_start3A_182 = arith.constant 0 : i32
        %dma_start3A_183 = arith.constant 0 : i32
        %dma_start3A_184 = tpu.memref_slice %arg7[%dma_start3A_182, %dma_start3A_183] : memref<10112x32xf32, #tpu.memory_space<vmem_shared>> -> memref<10112x32xf32, #tpu.memory_space<vmem_shared>>
        tpu.enqueue_indirect_dma source(%arg10 : memref<128x32xf32, #tpu.memory_space<vmem>>) target(%dma_start3A_184 : memref<10112x32xf32, #tpu.memory_space<vmem_shared>>) offsets(%dma_start3A_181 : memref<128xi32, #tpu.memory_space<vmem>>) semaphore(%run_scoped3A : memref<!tpu.dma_semaphore, #tpu.memory_space<semaphore_mem>>) {add = true}
        %dma_wait3A_185 = arith.constant 0 : i32
        %dma_wait3A_186 = tpu.memref_slice %arg12[%add3A_103, %dma_wait3A_185] : memref<104x128xi32, #tpu.memory_space<vmem>> -> memref<1x128xi32, #tpu.memory_space<vmem>>
        %dma_wait3A_187 = tpu.memref_squeeze %dma_wait3A_186 : memref<1x128xi32, #tpu.memory_space<vmem>> -> memref<128xi32, #tpu.memory_space<vmem>>
        %dma_wait3A_188 = arith.constant 0 : i32
        %dma_wait3A_189 = arith.constant 0 : i32
        %dma_wait3A_190 = tpu.memref_slice %arg7[%dma_wait3A_188, %dma_wait3A_189] : memref<10112x32xf32, #tpu.memory_space<vmem_shared>> -> memref<10112x32xf32, #tpu.memory_space<vmem_shared>>
        tpu.wait_indirect_dma semaphore(%run_scoped3A : memref<!tpu.dma_semaphore, #tpu.memory_space<semaphore_mem>>) src(%arg10 : memref<128x32xf32, #tpu.memory_space<vmem>>) dst(%dma_wait3A_190 : memref<10112x32xf32, #tpu.memory_space<vmem_shared>>)
        tpu.yield
      }) : () -> ()
      %mul3A_138 = arith.constant 2 : i32
      %mul3A_139 = arith.muli %mul3A_138, %while3A_99 : i32
      %add3A_140 = arith.constant 1 : i32
      %add3A_141 = arith.addi %mul3A_139, %add3A_140 : i32
      %add3A_142 = arith.constant 1 : i32
      %add3A_143 = arith.addi %add3A_141, %add3A_142 : i32
      %lt3A_144 = arith.cmpi slt, %add3A_143, %select_n3A : i32
      %convert_element_type3A_145 = arith.extui %lt3A_144 : i1 to i32
      %cond3A_146 = arith.constant 0 : i32
      %cond3A_147 = arith.cmpi ne, %convert_element_type3A_145, %cond3A_146 : i32
      scf.if %cond3A_147 {
        %add3A_179 = arith.constant 1 : i32
        %add3A_180 = arith.addi %add3A_141, %add3A_179 : i32
        %dma_start3A_181 = arith.constant 0 : i32
        %dma_start3A_182 = arith.constant 0 : i32
        %dma_start3A_183 = arith.constant 0 : i32
        %dma_start3A_184 = arith.constant 0 : i32
        %dma_start3A_185 = tpu.memref_slice %arg8[%dma_start3A_181, %dma_start3A_183, %dma_start3A_184] : memref<2x128x32xbf16, #tpu.memory_space<vmem>> -> memref<1x128x32xbf16, #tpu.memory_space<vmem>>
        %dma_start3A_186 = tpu.memref_squeeze %dma_start3A_185 : memref<1x128x32xbf16, #tpu.memory_space<vmem>> -> memref<128x32xbf16, #tpu.memory_space<vmem>>
        %dma_start3A_187 = arith.constant 0 : i32
        %dma_start3A_188 = tpu.memref_slice %arg11[%add3A_180, %dma_start3A_187] : memref<104x128xi32, #tpu.memory_space<vmem>> -> memref<1x128xi32, #tpu.memory_space<vmem>>
        %dma_start3A_189 = tpu.memref_squeeze %dma_start3A_188 : memref<1x128xi32, #tpu.memory_space<vmem>> -> memref<128xi32, #tpu.memory_space<vmem>>
        %dma_start3A_190 = arith.constant 0 : i32
        %dma_start3A_191 = arith.constant 0 : i32
        %dma_start3A_192 = tpu.memref_slice %arg2[%dma_start3A_190, %dma_start3A_191] : memref<10000x32xbf16, #tpu.memory_space<hbm>> -> memref<10000x32xbf16, #tpu.memory_space<hbm>>
        %dma_start3A_193 = tpu.memref_slice %arg13[%dma_start3A_182] : memref<2x!tpu.dma_semaphore, #tpu.memory_space<semaphore_mem>> -> memref<1x!tpu.dma_semaphore, #tpu.memory_space<semaphore_mem>>
        %dma_start3A_194 = tpu.memref_squeeze %dma_start3A_193 : memref<1x!tpu.dma_semaphore, #tpu.memory_space<semaphore_mem>> -> memref<!tpu.dma_semaphore, #tpu.memory_space<semaphore_mem>>
        tpu.enqueue_indirect_dma source(%dma_start3A_192 : memref<10000x32xbf16, #tpu.memory_space<hbm>>) target(%dma_start3A_186 : memref<128x32xbf16, #tpu.memory_space<vmem>>) offsets(%dma_start3A_189 : memref<128xi32, #tpu.memory_space<vmem>>) semaphore(%dma_start3A_194 : memref<!tpu.dma_semaphore, #tpu.memory_space<semaphore_mem>>)
        %dma_start3A_195 = arith.constant 0 : i32
        %dma_start3A_196 = arith.constant 0 : i32
        %dma_start3A_197 = arith.constant 0 : i32
        %dma_start3A_198 = arith.constant 0 : i32
        %dma_start3A_199 = tpu.memref_slice %arg9[%dma_start3A_195, %dma_start3A_197, %dma_start3A_198] : memref<2x128x16xf32, #tpu.memory_space<vmem>> -> memref<1x128x16xf32, #tpu.memory_space<vmem>>
        %dma_start3A_200 = tpu.memref_squeeze %dma_start3A_199 : memref<1x128x16xf32, #tpu.memory_space<vmem>> -> memref<128x16xf32, #tpu.memory_space<vmem>>
        %dma_start3A_201 = arith.constant 0 : i32
        %dma_start3A_202 = tpu.memref_slice %arg12[%add3A_180, %dma_start3A_201] : memref<104x128xi32, #tpu.memory_space<vmem>> -> memref<1x128xi32, #tpu.memory_space<vmem>>
        %dma_start3A_203 = tpu.memref_squeeze %dma_start3A_202 : memref<1x128xi32, #tpu.memory_space<vmem>> -> memref<128xi32, #tpu.memory_space<vmem>>
        %dma_start3A_204 = arith.constant 0 : i32
        %dma_start3A_205 = arith.constant 0 : i32
        %dma_start3A_206 = tpu.memref_slice %arg3[%dma_start3A_204, %dma_start3A_205] : memref<10000x16xf32, #tpu.memory_space<hbm>> -> memref<10000x16xf32, #tpu.memory_space<hbm>>
        %dma_start3A_207 = tpu.memref_slice %arg14[%dma_start3A_196] : memref<2x!tpu.dma_semaphore, #tpu.memory_space<semaphore_mem>> -> memref<1x!tpu.dma_semaphore, #tpu.memory_space<semaphore_mem>>
        %dma_start3A_208 = tpu.memref_squeeze %dma_start3A_207 : memref<1x!tpu.dma_semaphore, #tpu.memory_space<semaphore_mem>> -> memref<!tpu.dma_semaphore, #tpu.memory_space<semaphore_mem>>
        tpu.enqueue_indirect_dma source(%dma_start3A_206 : memref<10000x16xf32, #tpu.memory_space<hbm>>) target(%dma_start3A_200 : memref<128x16xf32, #tpu.memory_space<vmem>>) offsets(%dma_start3A_203 : memref<128xi32, #tpu.memory_space<vmem>>) semaphore(%dma_start3A_208 : memref<!tpu.dma_semaphore, #tpu.memory_space<semaphore_mem>>)
      } else {
      }
      %dma_wait3A_148 = arith.constant 1 : i32
      %dma_wait3A_149 = arith.constant 1 : i32
      %dma_wait3A_150 = arith.constant 0 : i32
      %dma_wait3A_151 = arith.constant 0 : i32
      %dma_wait3A_152 = tpu.memref_slice %arg8[%dma_wait3A_148, %dma_wait3A_150, %dma_wait3A_151] : memref<2x128x32xbf16, #tpu.memory_space<vmem>> -> memref<1x128x32xbf16, #tpu.memory_space<vmem>>
      %dma_wait3A_153 = tpu.memref_squeeze %dma_wait3A_152 : memref<1x128x32xbf16, #tpu.memory_space<vmem>> -> memref<128x32xbf16, #tpu.memory_space<vmem>>
      %dma_wait3A_154 = arith.constant 0 : i32
      %dma_wait3A_155 = tpu.memref_slice %arg11[%add3A_141, %dma_wait3A_154] : memref<104x128xi32, #tpu.memory_space<vmem>> -> memref<1x128xi32, #tpu.memory_space<vmem>>
      %dma_wait3A_156 = tpu.memref_squeeze %dma_wait3A_155 : memref<1x128xi32, #tpu.memory_space<vmem>> -> memref<128xi32, #tpu.memory_space<vmem>>
      %dma_wait3A_157 = arith.constant 0 : i32
      %dma_wait3A_158 = arith.constant 0 : i32
      %dma_wait3A_159 = tpu.memref_slice %arg2[%dma_wait3A_157, %dma_wait3A_158] : memref<10000x32xbf16, #tpu.memory_space<hbm>> -> memref<10000x32xbf16, #tpu.memory_space<hbm>>
      %dma_wait3A_160 = tpu.memref_slice %arg13[%dma_wait3A_149] : memref<2x!tpu.dma_semaphore, #tpu.memory_space<semaphore_mem>> -> memref<1x!tpu.dma_semaphore, #tpu.memory_space<semaphore_mem>>
      %dma_wait3A_161 = tpu.memref_squeeze %dma_wait3A_160 : memref<1x!tpu.dma_semaphore, #tpu.memory_space<semaphore_mem>> -> memref<!tpu.dma_semaphore, #tpu.memory_space<semaphore_mem>>
      tpu.wait_indirect_dma semaphore(%dma_wait3A_161 : memref<!tpu.dma_semaphore, #tpu.memory_space<semaphore_mem>>) src(%dma_wait3A_159 : memref<10000x32xbf16, #tpu.memory_space<hbm>>) dst(%dma_wait3A_153 : memref<128x32xbf16, #tpu.memory_space<vmem>>)
      %dma_wait3A_162 = arith.constant 1 : i32
      %dma_wait3A_163 = arith.constant 1 : i32
      %dma_wait3A_164 = arith.constant 0 : i32
      %dma_wait3A_165 = arith.constant 0 : i32
      %dma_wait3A_166 = tpu.memref_slice %arg9[%dma_wait3A_162, %dma_wait3A_164, %dma_wait3A_165] : memref<2x128x16xf32, #tpu.memory_space<vmem>> -> memref<1x128x16xf32, #tpu.memory_space<vmem>>
      %dma_wait3A_167 = tpu.memref_squeeze %dma_wait3A_166 : memref<1x128x16xf32, #tpu.memory_space<vmem>> -> memref<128x16xf32, #tpu.memory_space<vmem>>
      %dma_wait3A_168 = arith.constant 0 : i32
      %dma_wait3A_169 = tpu.memref_slice %arg12[%add3A_141, %dma_wait3A_168] : memref<104x128xi32, #tpu.memory_space<vmem>> -> memref<1x128xi32, #tpu.memory_space<vmem>>
      %dma_wait3A_170 = tpu.memref_squeeze %dma_wait3A_169 : memref<1x128xi32, #tpu.memory_space<vmem>> -> memref<128xi32, #tpu.memory_space<vmem>>
      %dma_wait3A_171 = arith.constant 0 : i32
      %dma_wait3A_172 = arith.constant 0 : i32
      %dma_wait3A_173 = tpu.memref_slice %arg3[%dma_wait3A_171, %dma_wait3A_172] : memref<10000x16xf32, #tpu.memory_space<hbm>> -> memref<10000x16xf32, #tpu.memory_space<hbm>>
      %dma_wait3A_174 = tpu.memref_slice %arg14[%dma_wait3A_163] : memref<2x!tpu.dma_semaphore, #tpu.memory_space<semaphore_mem>> -> memref<1x!tpu.dma_semaphore, #tpu.memory_space<semaphore_mem>>
      %dma_wait3A_175 = tpu.memref_squeeze %dma_wait3A_174 : memref<1x!tpu.dma_semaphore, #tpu.memory_space<semaphore_mem>> -> memref<!tpu.dma_semaphore, #tpu.memory_space<semaphore_mem>>
      tpu.wait_indirect_dma semaphore(%dma_wait3A_175 : memref<!tpu.dma_semaphore, #tpu.memory_space<semaphore_mem>>) src(%dma_wait3A_173 : memref<10000x16xf32, #tpu.memory_space<hbm>>) dst(%dma_wait3A_167 : memref<128x16xf32, #tpu.memory_space<vmem>>)
      %parallel_loop3A_176 = arith.constant 0 : i32
      %parallel_loop3A_177 = arith.constant 128 : i32
      %parallel_loop3A_178 = arith.constant 1 : i32
      scf.for %parallel_loop3A_179 = %parallel_loop3A_176 to %parallel_loop3A_177 step %parallel_loop3A_178  : i32 {
        %parallel_loop3A_180 = arith.constant 1 : i32
        %parallel_loop3A_181 = arith.index_cast %parallel_loop3A_180 : i32 to index
        %parallel_loop3A_182 = arith.index_cast %parallel_loop3A_179 : i32 to index
        %parallel_loop3A_183 = arith.constant 0 : index
        %parallel_loop3A_184 = tpu.vector_load %arg8[%parallel_loop3A_181, %parallel_loop3A_182, %parallel_loop3A_183] {strides = array<i32>} : memref<2x128x32xbf16, #tpu.memory_space<vmem>>, vector<32xbf16>,
        %parallel_loop3A_185 = tpu.unpack_subelements %parallel_loop3A_184, 0 {pack_format = #tpu.pack_format<interleaved>} : vector<32xbf16> -> vector<16xf32>
        %parallel_loop3A_186 = tpu.unpack_subelements %parallel_loop3A_184, 1 {pack_format = #tpu.pack_format<interleaved>} : vector<32xbf16> -> vector<16xf32>
        %parallel_loop3A_187 = arith.constant 1 : i32
        %parallel_loop3A_188 = arith.index_cast %parallel_loop3A_187 : i32 to index
        %parallel_loop3A_189 = arith.index_cast %parallel_loop3A_179 : i32 to index
        %parallel_loop3A_190 = arith.constant 0 : index
        %parallel_loop3A_191 = tpu.vector_load %arg9[%parallel_loop3A_188, %parallel_loop3A_189, %parallel_loop3A_190] {strides = array<i32>} : memref<2x128x16xf32, #tpu.memory_space<vmem>>, vector<16xf32>,
        %parallel_loop3A_192 = arith.addf %parallel_loop3A_186, %parallel_loop3A_191 : vector<16xf32>
        %parallel_loop3A_193 = arith.constant 2.000000e-01 : f32
        %parallel_loop3A_194 = vector.broadcast %parallel_loop3A_193 : f32 to vector<16xf32>
        %parallel_loop3A_195 = arith.mulf %parallel_loop3A_192, %parallel_loop3A_194 : vector<16xf32>
        %parallel_loop3A_196 = arith.maximumf %parallel_loop3A_192, %parallel_loop3A_195 : vector<16xf32>
        %parallel_loop3A_197 = math.exp %parallel_loop3A_196 : vector<16xf32>
        %parallel_loop3A_198 = arith.mulf %parallel_loop3A_197, %parallel_loop3A_185 : vector<16xf32>
        %parallel_loop3A_199 = arith.index_cast %parallel_loop3A_179 : i32 to index
        %parallel_loop3A_200 = arith.constant 0 : index
        %parallel_loop3A_201 = tpu.vector_load %arg10[%parallel_loop3A_199, %parallel_loop3A_200] {strides = array<i32>} : memref<128x32xf32, #tpu.memory_space<vmem>>, vector<16xf32>,
        tpu.vector_store %arg10[%parallel_loop3A_199, %parallel_loop3A_200], %parallel_loop3A_198 {strides = array<i32>} : memref<128x32xf32, #tpu.memory_space<vmem>>, vector<16xf32>,
        %parallel_loop3A_202 = arith.index_cast %parallel_loop3A_179 : i32 to index
        %parallel_loop3A_203 = arith.constant 16 : index
        %parallel_loop3A_204 = tpu.vector_load %arg10[%parallel_loop3A_202, %parallel_loop3A_203] {strides = array<i32>} : memref<128x32xf32, #tpu.memory_space<vmem>>, vector<16xf32>,
        tpu.vector_store %arg10[%parallel_loop3A_202, %parallel_loop3A_203], %parallel_loop3A_197 {strides = array<i32>} : memref<128x32xf32, #tpu.memory_space<vmem>>, vector<16xf32>,
      } {sc.loop_unroll_factor = 4 : i64, sc.parallel_access}
      "tpu.region"() ({
        %run_scoped3A = tpu.sem_alloc : memref<!tpu.dma_semaphore, #tpu.memory_space<semaphore_mem>>
        %dma_start3A_179 = arith.constant 0 : i32
        %dma_start3A_180 = tpu.memref_slice %arg12[%add3A_141, %dma_start3A_179] : memref<104x128xi32, #tpu.memory_space<vmem>> -> memref<1x128xi32, #tpu.memory_space<vmem>>
        %dma_start3A_181 = tpu.memref_squeeze %dma_start3A_180 : memref<1x128xi32, #tpu.memory_space<vmem>> -> memref<128xi32, #tpu.memory_space<vmem>>
        %dma_start3A_182 = arith.constant 0 : i32
        %dma_start3A_183 = arith.constant 0 : i32
        %dma_start3A_184 = tpu.memref_slice %arg7[%dma_start3A_182, %dma_start3A_183] : memref<10112x32xf32, #tpu.memory_space<vmem_shared>> -> memref<10112x32xf32, #tpu.memory_space<vmem_shared>>
        tpu.enqueue_indirect_dma source(%arg10 : memref<128x32xf32, #tpu.memory_space<vmem>>) target(%dma_start3A_184 : memref<10112x32xf32, #tpu.memory_space<vmem_shared>>) offsets(%dma_start3A_181 : memref<128xi32, #tpu.memory_space<vmem>>) semaphore(%run_scoped3A : memref<!tpu.dma_semaphore, #tpu.memory_space<semaphore_mem>>) {add = true}
        %dma_wait3A_185 = arith.constant 0 : i32
        %dma_wait3A_186 = tpu.memref_slice %arg12[%add3A_141, %dma_wait3A_185] : memref<104x128xi32, #tpu.memory_space<vmem>> -> memref<1x128xi32, #tpu.memory_space<vmem>>
        %dma_wait3A_187 = tpu.memref_squeeze %dma_wait3A_186 : memref<1x128xi32, #tpu.memory_space<vmem>> -> memref<128xi32, #tpu.memory_space<vmem>>
        %dma_wait3A_188 = arith.constant 0 : i32
        %dma_wait3A_189 = arith.constant 0 : i32
        %dma_wait3A_190 = tpu.memref_slice %arg7[%dma_wait3A_188, %dma_wait3A_189] : memref<10112x32xf32, #tpu.memory_space<vmem_shared>> -> memref<10112x32xf32, #tpu.memory_space<vmem_shared>>
        tpu.wait_indirect_dma semaphore(%run_scoped3A : memref<!tpu.dma_semaphore, #tpu.memory_space<semaphore_mem>>) src(%arg10 : memref<128x32xf32, #tpu.memory_space<vmem>>) dst(%dma_wait3A_190 : memref<10112x32xf32, #tpu.memory_space<vmem_shared>>)
        tpu.yield
      }) : () -> ()
    }
    %while3A_93 = arith.constant 1 : i32
    scf.for %while3A_99 = %while3A_91 to %while3A_87 step %while3A_93  : i32 {
      %mul3A_100 = arith.constant 2 : i32
      %mul3A_101 = arith.muli %mul3A_100, %while3A_99 : i32
      %add3A_102 = arith.constant 0 : i32
      %add3A_103 = arith.addi %mul3A_101, %add3A_102 : i32
      %add3A_104 = arith.constant 1 : i32
      %add3A_105 = arith.addi %add3A_103, %add3A_104 : i32
      %lt3A = arith.cmpi slt, %add3A_105, %select_n3A : i32
      %convert_element_type3A_106 = arith.extui %lt3A : i1 to i32
      %cond3A_107 = arith.constant 0 : i32
      %cond3A_108 = arith.cmpi ne, %convert_element_type3A_106, %cond3A_107 : i32
      scf.if %cond3A_108 {
        %add3A_179 = arith.constant 1 : i32
        %add3A_180 = arith.addi %add3A_103, %add3A_179 : i32
        %dma_start3A_181 = arith.constant 1 : i32
        %dma_start3A_182 = arith.constant 1 : i32
        %dma_start3A_183 = arith.constant 0 : i32
        %dma_start3A_184 = arith.constant 0 : i32
        %dma_start3A_185 = tpu.memref_slice %arg8[%dma_start3A_181, %dma_start3A_183, %dma_start3A_184] : memref<2x128x32xbf16, #tpu.memory_space<vmem>> -> memref<1x128x32xbf16, #tpu.memory_space<vmem>>
        %dma_start3A_186 = tpu.memref_squeeze %dma_start3A_185 : memref<1x128x32xbf16, #tpu.memory_space<vmem>> -> memref<128x32xbf16, #tpu.memory_space<vmem>>
        %dma_start3A_187 = arith.constant 0 : i32
        %dma_start3A_188 = tpu.memref_slice %arg11[%add3A_180, %dma_start3A_187] : memref<104x128xi32, #tpu.memory_space<vmem>> -> memref<1x128xi32, #tpu.memory_space<vmem>>
        %dma_start3A_189 = tpu.memref_squeeze %dma_start3A_188 : memref<1x128xi32, #tpu.memory_space<vmem>> -> memref<128xi32, #tpu.memory_space<vmem>>
        %dma_start3A_190 = arith.constant 0 : i32
        %dma_start3A_191 = arith.constant 0 : i32
        %dma_start3A_192 = tpu.memref_slice %arg2[%dma_start3A_190, %dma_start3A_191] : memref<10000x32xbf16, #tpu.memory_space<hbm>> -> memref<10000x32xbf16, #tpu.memory_space<hbm>>
        %dma_start3A_193 = tpu.memref_slice %arg13[%dma_start3A_182] : memref<2x!tpu.dma_semaphore, #tpu.memory_space<semaphore_mem>> -> memref<1x!tpu.dma_semaphore, #tpu.memory_space<semaphore_mem>>
        %dma_start3A_194 = tpu.memref_squeeze %dma_start3A_193 : memref<1x!tpu.dma_semaphore, #tpu.memory_space<semaphore_mem>> -> memref<!tpu.dma_semaphore, #tpu.memory_space<semaphore_mem>>
        tpu.enqueue_indirect_dma source(%dma_start3A_192 : memref<10000x32xbf16, #tpu.memory_space<hbm>>) target(%dma_start3A_186 : memref<128x32xbf16, #tpu.memory_space<vmem>>) offsets(%dma_start3A_189 : memref<128xi32, #tpu.memory_space<vmem>>) semaphore(%dma_start3A_194 : memref<!tpu.dma_semaphore, #tpu.memory_space<semaphore_mem>>)
        %dma_start3A_195 = arith.constant 1 : i32
        %dma_start3A_196 = arith.constant 1 : i32
        %dma_start3A_197 = arith.constant 0 : i32
        %dma_start3A_198 = arith.constant 0 : i32
        %dma_start3A_199 = tpu.memref_slice %arg9[%dma_start3A_195, %dma_start3A_197, %dma_start3A_198] : memref<2x128x16xf32, #tpu.memory_space<vmem>> -> memref<1x128x16xf32, #tpu.memory_space<vmem>>
        %dma_start3A_200 = tpu.memref_squeeze %dma_start3A_199 : memref<1x128x16xf32, #tpu.memory_space<vmem>> -> memref<128x16xf32, #tpu.memory_space<vmem>>
        %dma_start3A_201 = arith.constant 0 : i32
        %dma_start3A_202 = tpu.memref_slice %arg12[%add3A_180, %dma_start3A_201] : memref<104x128xi32, #tpu.memory_space<vmem>> -> memref<1x128xi32, #tpu.memory_space<vmem>>
        %dma_start3A_203 = tpu.memref_squeeze %dma_start3A_202 : memref<1x128xi32, #tpu.memory_space<vmem>> -> memref<128xi32, #tpu.memory_space<vmem>>
        %dma_start3A_204 = arith.constant 0 : i32
        %dma_start3A_205 = arith.constant 0 : i32
        %dma_start3A_206 = tpu.memref_slice %arg3[%dma_start3A_204, %dma_start3A_205] : memref<10000x16xf32, #tpu.memory_space<hbm>> -> memref<10000x16xf32, #tpu.memory_space<hbm>>
        %dma_start3A_207 = tpu.memref_slice %arg14[%dma_start3A_196] : memref<2x!tpu.dma_semaphore, #tpu.memory_space<semaphore_mem>> -> memref<1x!tpu.dma_semaphore, #tpu.memory_space<semaphore_mem>>
        %dma_start3A_208 = tpu.memref_squeeze %dma_start3A_207 : memref<1x!tpu.dma_semaphore, #tpu.memory_space<semaphore_mem>> -> memref<!tpu.dma_semaphore, #tpu.memory_space<semaphore_mem>>
        tpu.enqueue_indirect_dma source(%dma_start3A_206 : memref<10000x16xf32, #tpu.memory_space<hbm>>) target(%dma_start3A_200 : memref<128x16xf32, #tpu.memory_space<vmem>>) offsets(%dma_start3A_203 : memref<128xi32, #tpu.memory_space<vmem>>) semaphore(%dma_start3A_208 : memref<!tpu.dma_semaphore, #tpu.memory_space<semaphore_mem>>)
      } else {
      }
      %dma_wait3A = arith.constant 0 : i32
      %dma_wait3A_109 = arith.constant 0 : i32
      %dma_wait3A_110 = arith.constant 0 : i32
      %dma_wait3A_111 = arith.constant 0 : i32
      %dma_wait3A_112 = tpu.memref_slice %arg8[%dma_wait3A, %dma_wait3A_110, %dma_wait3A_111] : memref<2x128x32xbf16, #tpu.memory_space<vmem>> -> memref<1x128x32xbf16, #tpu.memory_space<vmem>>
      %dma_wait3A_113 = tpu.memref_squeeze %dma_wait3A_112 : memref<1x128x32xbf16, #tpu.memory_space<vmem>> -> memref<128x32xbf16, #tpu.memory_space<vmem>>
      %dma_wait3A_114 = arith.constant 0 : i32
      %dma_wait3A_115 = tpu.memref_slice %arg11[%add3A_103, %dma_wait3A_114] : memref<104x128xi32, #tpu.memory_space<vmem>> -> memref<1x128xi32, #tpu.memory_space<vmem>>
      %dma_wait3A_116 = tpu.memref_squeeze %dma_wait3A_115 : memref<1x128xi32, #tpu.memory_space<vmem>> -> memref<128xi32, #tpu.memory_space<vmem>>
      %dma_wait3A_117 = arith.constant 0 : i32
      %dma_wait3A_118 = arith.constant 0 : i32
      %dma_wait3A_119 = tpu.memref_slice %arg2[%dma_wait3A_117, %dma_wait3A_118] : memref<10000x32xbf16, #tpu.memory_space<hbm>> -> memref<10000x32xbf16, #tpu.memory_space<hbm>>
      %dma_wait3A_120 = tpu.memref_slice %arg13[%dma_wait3A_109] : memref<2x!tpu.dma_semaphore, #tpu.memory_space<semaphore_mem>> -> memref<1x!tpu.dma_semaphore, #tpu.memory_space<semaphore_mem>>
      %dma_wait3A_121 = tpu.memref_squeeze %dma_wait3A_120 : memref<1x!tpu.dma_semaphore, #tpu.memory_space<semaphore_mem>> -> memref<!tpu.dma_semaphore, #tpu.memory_space<semaphore_mem>>
      tpu.wait_indirect_dma semaphore(%dma_wait3A_121 : memref<!tpu.dma_semaphore, #tpu.memory_space<semaphore_mem>>) src(%dma_wait3A_119 : memref<10000x32xbf16, #tpu.memory_space<hbm>>) dst(%dma_wait3A_113 : memref<128x32xbf16, #tpu.memory_space<vmem>>)
      %dma_wait3A_122 = arith.constant 0 : i32
      %dma_wait3A_123 = arith.constant 0 : i32
      %dma_wait3A_124 = arith.constant 0 : i32
      %dma_wait3A_125 = arith.constant 0 : i32
      %dma_wait3A_126 = tpu.memref_slice %arg9[%dma_wait3A_122, %dma_wait3A_124, %dma_wait3A_125] : memref<2x128x16xf32, #tpu.memory_space<vmem>> -> memref<1x128x16xf32, #tpu.memory_space<vmem>>
      %dma_wait3A_127 = tpu.memref_squeeze %dma_wait3A_126 : memref<1x128x16xf32, #tpu.memory_space<vmem>> -> memref<128x16xf32, #tpu.memory_space<vmem>>
      %dma_wait3A_128 = arith.constant 0 : i32
      %dma_wait3A_129 = tpu.memref_slice %arg12[%add3A_103, %dma_wait3A_128] : memref<104x128xi32, #tpu.memory_space<vmem>> -> memref<1x128xi32, #tpu.memory_space<vmem>>
      %dma_wait3A_130 = tpu.memref_squeeze %dma_wait3A_129 : memref<1x128xi32, #tpu.memory_space<vmem>> -> memref<128xi32, #tpu.memory_space<vmem>>
      %dma_wait3A_131 = arith.constant 0 : i32
      %dma_wait3A_132 = arith.constant 0 : i32
      %dma_wait3A_133 = tpu.memref_slice %arg3[%dma_wait3A_131, %dma_wait3A_132] : memref<10000x16xf32, #tpu.memory_space<hbm>> -> memref<10000x16xf32, #tpu.memory_space<hbm>>
      %dma_wait3A_134 = tpu.memref_slice %arg14[%dma_wait3A_123] : memref<2x!tpu.dma_semaphore, #tpu.memory_space<semaphore_mem>> -> memref<1x!tpu.dma_semaphore, #tpu.memory_space<semaphore_mem>>
      %dma_wait3A_135 = tpu.memref_squeeze %dma_wait3A_134 : memref<1x!tpu.dma_semaphore, #tpu.memory_space<semaphore_mem>> -> memref<!tpu.dma_semaphore, #tpu.memory_space<semaphore_mem>>
      tpu.wait_indirect_dma semaphore(%dma_wait3A_135 : memref<!tpu.dma_semaphore, #tpu.memory_space<semaphore_mem>>) src(%dma_wait3A_133 : memref<10000x16xf32, #tpu.memory_space<hbm>>) dst(%dma_wait3A_127 : memref<128x16xf32, #tpu.memory_space<vmem>>)
      %parallel_loop3A = arith.constant 0 : i32
      %parallel_loop3A_136 = arith.constant 128 : i32
      %parallel_loop3A_137 = arith.constant 1 : i32
      scf.for %parallel_loop3A_179 = %parallel_loop3A to %parallel_loop3A_136 step %parallel_loop3A_137  : i32 {
        %parallel_loop3A_180 = arith.constant 0 : i32
        %parallel_loop3A_181 = arith.index_cast %parallel_loop3A_180 : i32 to index
        %parallel_loop3A_182 = arith.index_cast %parallel_loop3A_179 : i32 to index
        %parallel_loop3A_183 = arith.constant 0 : index
        %parallel_loop3A_184 = tpu.vector_load %arg8[%parallel_loop3A_181, %parallel_loop3A_182, %parallel_loop3A_183] {strides = array<i32>} : memref<2x128x32xbf16, #tpu.memory_space<vmem>>, vector<32xbf16>,
        %parallel_loop3A_185 = tpu.unpack_subelements %parallel_loop3A_184, 0 {pack_format = #tpu.pack_format<interleaved>} : vector<32xbf16> -> vector<16xf32>
        %parallel_loop3A_186 = tpu.unpack_subelements %parallel_loop3A_184, 1 {pack_format = #tpu.pack_format<interleaved>} : vector<32xbf16> -> vector<16xf32>
        %parallel_loop3A_187 = arith.constant 0 : i32
        %parallel_loop3A_188 = arith.index_cast %parallel_loop3A_187 : i32 to index
        %parallel_loop3A_189 = arith.index_cast %parallel_loop3A_179 : i32 to index
        %parallel_loop3A_190 = arith.constant 0 : index
        %parallel_loop3A_191 = tpu.vector_load %arg9[%parallel_loop3A_188, %parallel_loop3A_189, %parallel_loop3A_190] {strides = array<i32>} : memref<2x128x16xf32, #tpu.memory_space<vmem>>, vector<16xf32>,
        %parallel_loop3A_192 = arith.addf %parallel_loop3A_186, %parallel_loop3A_191 : vector<16xf32>
        %parallel_loop3A_193 = arith.constant 2.000000e-01 : f32
        %parallel_loop3A_194 = vector.broadcast %parallel_loop3A_193 : f32 to vector<16xf32>
        %parallel_loop3A_195 = arith.mulf %parallel_loop3A_192, %parallel_loop3A_194 : vector<16xf32>
        %parallel_loop3A_196 = arith.maximumf %parallel_loop3A_192, %parallel_loop3A_195 : vector<16xf32>
        %parallel_loop3A_197 = math.exp %parallel_loop3A_196 : vector<16xf32>
        %parallel_loop3A_198 = arith.mulf %parallel_loop3A_197, %parallel_loop3A_185 : vector<16xf32>
        %parallel_loop3A_199 = arith.index_cast %parallel_loop3A_179 : i32 to index
        %parallel_loop3A_200 = arith.constant 0 : index
        %parallel_loop3A_201 = tpu.vector_load %arg10[%parallel_loop3A_199, %parallel_loop3A_200] {strides = array<i32>} : memref<128x32xf32, #tpu.memory_space<vmem>>, vector<16xf32>,
        tpu.vector_store %arg10[%parallel_loop3A_199, %parallel_loop3A_200], %parallel_loop3A_198 {strides = array<i32>} : memref<128x32xf32, #tpu.memory_space<vmem>>, vector<16xf32>,
        %parallel_loop3A_202 = arith.index_cast %parallel_loop3A_179 : i32 to index
        %parallel_loop3A_203 = arith.constant 16 : index
        %parallel_loop3A_204 = tpu.vector_load %arg10[%parallel_loop3A_202, %parallel_loop3A_203] {strides = array<i32>} : memref<128x32xf32, #tpu.memory_space<vmem>>, vector<16xf32>,
        tpu.vector_store %arg10[%parallel_loop3A_202, %parallel_loop3A_203], %parallel_loop3A_197 {strides = array<i32>} : memref<128x32xf32, #tpu.memory_space<vmem>>, vector<16xf32>,
      } {sc.loop_unroll_factor = 4 : i64, sc.parallel_access}
      "tpu.region"() ({
        %run_scoped3A = tpu.sem_alloc : memref<!tpu.dma_semaphore, #tpu.memory_space<semaphore_mem>>
        %dma_start3A_179 = arith.constant 0 : i32
        %dma_start3A_180 = tpu.memref_slice %arg12[%add3A_103, %dma_start3A_179] : memref<104x128xi32, #tpu.memory_space<vmem>> -> memref<1x128xi32, #tpu.memory_space<vmem>>
        %dma_start3A_181 = tpu.memref_squeeze %dma_start3A_180 : memref<1x128xi32, #tpu.memory_space<vmem>> -> memref<128xi32, #tpu.memory_space<vmem>>
        %dma_start3A_182 = arith.constant 0 : i32
        %dma_start3A_183 = arith.constant 0 : i32
        %dma_start3A_184 = tpu.memref_slice %arg7[%dma_start3A_182, %dma_start3A_183] : memref<10112x32xf32, #tpu.memory_space<vmem_shared>> -> memref<10112x32xf32, #tpu.memory_space<vmem_shared>>
        tpu.enqueue_indirect_dma source(%arg10 : memref<128x32xf32, #tpu.memory_space<vmem>>) target(%dma_start3A_184 : memref<10112x32xf32, #tpu.memory_space<vmem_shared>>) offsets(%dma_start3A_181 : memref<128xi32, #tpu.memory_space<vmem>>) semaphore(%run_scoped3A : memref<!tpu.dma_semaphore, #tpu.memory_space<semaphore_mem>>) {add = true}
        %dma_wait3A_185 = arith.constant 0 : i32
        %dma_wait3A_186 = tpu.memref_slice %arg12[%add3A_103, %dma_wait3A_185] : memref<104x128xi32, #tpu.memory_space<vmem>> -> memref<1x128xi32, #tpu.memory_space<vmem>>
        %dma_wait3A_187 = tpu.memref_squeeze %dma_wait3A_186 : memref<1x128xi32, #tpu.memory_space<vmem>> -> memref<128xi32, #tpu.memory_space<vmem>>
        %dma_wait3A_188 = arith.constant 0 : i32
        %dma_wait3A_189 = arith.constant 0 : i32
        %dma_wait3A_190 = tpu.memref_slice %arg7[%dma_wait3A_188, %dma_wait3A_189] : memref<10112x32xf32, #tpu.memory_space<vmem_shared>> -> memref<10112x32xf32, #tpu.memory_space<vmem_shared>>
        tpu.wait_indirect_dma semaphore(%run_scoped3A : memref<!tpu.dma_semaphore, #tpu.memory_space<semaphore_mem>>) src(%arg10 : memref<128x32xf32, #tpu.memory_space<vmem>>) dst(%dma_wait3A_190 : memref<10112x32xf32, #tpu.memory_space<vmem_shared>>)
        tpu.yield
      }) : () -> ()
      %mul3A_138 = arith.constant 2 : i32
      %mul3A_139 = arith.muli %mul3A_138, %while3A_99 : i32
      %add3A_140 = arith.constant 1 : i32
      %add3A_141 = arith.addi %mul3A_139, %add3A_140 : i32
      %add3A_142 = arith.constant 1 : i32
      %add3A_143 = arith.addi %add3A_141, %add3A_142 : i32
      %lt3A_144 = arith.cmpi slt, %add3A_143, %select_n3A : i32
      %convert_element_type3A_145 = arith.extui %lt3A_144 : i1 to i32
      %cond3A_146 = arith.constant 0 : i32
      %cond3A_147 = arith.cmpi ne, %convert_element_type3A_145, %cond3A_146 : i32
      scf.if %cond3A_147 {
        %add3A_179 = arith.constant 1 : i32
        %add3A_180 = arith.addi %add3A_141, %add3A_179 : i32
        %dma_start3A_181 = arith.constant 0 : i32
        %dma_start3A_182 = arith.constant 0 : i32
        %dma_start3A_183 = arith.constant 0 : i32
        %dma_start3A_184 = arith.constant 0 : i32
        %dma_start3A_185 = tpu.memref_slice %arg8[%dma_start3A_181, %dma_start3A_183, %dma_start3A_184] : memref<2x128x32xbf16, #tpu.memory_space<vmem>> -> memref<1x128x32xbf16, #tpu.memory_space<vmem>>
        %dma_start3A_186 = tpu.memref_squeeze %dma_start3A_185 : memref<1x128x32xbf16, #tpu.memory_space<vmem>> -> memref<128x32xbf16, #tpu.memory_space<vmem>>
        %dma_start3A_187 = arith.constant 0 : i32
        %dma_start3A_188 = tpu.memref_slice %arg11[%add3A_180, %dma_start3A_187] : memref<104x128xi32, #tpu.memory_space<vmem>> -> memref<1x128xi32, #tpu.memory_space<vmem>>
        %dma_start3A_189 = tpu.memref_squeeze %dma_start3A_188 : memref<1x128xi32, #tpu.memory_space<vmem>> -> memref<128xi32, #tpu.memory_space<vmem>>
        %dma_start3A_190 = arith.constant 0 : i32
        %dma_start3A_191 = arith.constant 0 : i32
        %dma_start3A_192 = tpu.memref_slice %arg2[%dma_start3A_190, %dma_start3A_191] : memref<10000x32xbf16, #tpu.memory_space<hbm>> -> memref<10000x32xbf16, #tpu.memory_space<hbm>>
        %dma_start3A_193 = tpu.memref_slice %arg13[%dma_start3A_182] : memref<2x!tpu.dma_semaphore, #tpu.memory_space<semaphore_mem>> -> memref<1x!tpu.dma_semaphore, #tpu.memory_space<semaphore_mem>>
        %dma_start3A_194 = tpu.memref_squeeze %dma_start3A_193 : memref<1x!tpu.dma_semaphore, #tpu.memory_space<semaphore_mem>> -> memref<!tpu.dma_semaphore, #tpu.memory_space<semaphore_mem>>
        tpu.enqueue_indirect_dma source(%dma_start3A_192 : memref<10000x32xbf16, #tpu.memory_space<hbm>>) target(%dma_start3A_186 : memref<128x32xbf16, #tpu.memory_space<vmem>>) offsets(%dma_start3A_189 : memref<128xi32, #tpu.memory_space<vmem>>) semaphore(%dma_start3A_194 : memref<!tpu.dma_semaphore, #tpu.memory_space<semaphore_mem>>)
        %dma_start3A_195 = arith.constant 0 : i32
        %dma_start3A_196 = arith.constant 0 : i32
        %dma_start3A_197 = arith.constant 0 : i32
        %dma_start3A_198 = arith.constant 0 : i32
        %dma_start3A_199 = tpu.memref_slice %arg9[%dma_start3A_195, %dma_start3A_197, %dma_start3A_198] : memref<2x128x16xf32, #tpu.memory_space<vmem>> -> memref<1x128x16xf32, #tpu.memory_space<vmem>>
        %dma_start3A_200 = tpu.memref_squeeze %dma_start3A_199 : memref<1x128x16xf32, #tpu.memory_space<vmem>> -> memref<128x16xf32, #tpu.memory_space<vmem>>
        %dma_start3A_201 = arith.constant 0 : i32
        %dma_start3A_202 = tpu.memref_slice %arg12[%add3A_180, %dma_start3A_201] : memref<104x128xi32, #tpu.memory_space<vmem>> -> memref<1x128xi32, #tpu.memory_space<vmem>>
        %dma_start3A_203 = tpu.memref_squeeze %dma_start3A_202 : memref<1x128xi32, #tpu.memory_space<vmem>> -> memref<128xi32, #tpu.memory_space<vmem>>
        %dma_start3A_204 = arith.constant 0 : i32
        %dma_start3A_205 = arith.constant 0 : i32
        %dma_start3A_206 = tpu.memref_slice %arg3[%dma_start3A_204, %dma_start3A_205] : memref<10000x16xf32, #tpu.memory_space<hbm>> -> memref<10000x16xf32, #tpu.memory_space<hbm>>
        %dma_start3A_207 = tpu.memref_slice %arg14[%dma_start3A_196] : memref<2x!tpu.dma_semaphore, #tpu.memory_space<semaphore_mem>> -> memref<1x!tpu.dma_semaphore, #tpu.memory_space<semaphore_mem>>
        %dma_start3A_208 = tpu.memref_squeeze %dma_start3A_207 : memref<1x!tpu.dma_semaphore, #tpu.memory_space<semaphore_mem>> -> memref<!tpu.dma_semaphore, #tpu.memory_space<semaphore_mem>>
        tpu.enqueue_indirect_dma source(%dma_start3A_206 : memref<10000x16xf32, #tpu.memory_space<hbm>>) target(%dma_start3A_200 : memref<128x16xf32, #tpu.memory_space<vmem>>) offsets(%dma_start3A_203 : memref<128xi32, #tpu.memory_space<vmem>>) semaphore(%dma_start3A_208 : memref<!tpu.dma_semaphore, #tpu.memory_space<semaphore_mem>>)
      } else {
      }
      %dma_wait3A_148 = arith.constant 1 : i32
      %dma_wait3A_149 = arith.constant 1 : i32
      %dma_wait3A_150 = arith.constant 0 : i32
      %dma_wait3A_151 = arith.constant 0 : i32
      %dma_wait3A_152 = tpu.memref_slice %arg8[%dma_wait3A_148, %dma_wait3A_150, %dma_wait3A_151] : memref<2x128x32xbf16, #tpu.memory_space<vmem>> -> memref<1x128x32xbf16, #tpu.memory_space<vmem>>
      %dma_wait3A_153 = tpu.memref_squeeze %dma_wait3A_152 : memref<1x128x32xbf16, #tpu.memory_space<vmem>> -> memref<128x32xbf16, #tpu.memory_space<vmem>>
      %dma_wait3A_154 = arith.constant 0 : i32
      %dma_wait3A_155 = tpu.memref_slice %arg11[%add3A_141, %dma_wait3A_154] : memref<104x128xi32, #tpu.memory_space<vmem>> -> memref<1x128xi32, #tpu.memory_space<vmem>>
      %dma_wait3A_156 = tpu.memref_squeeze %dma_wait3A_155 : memref<1x128xi32, #tpu.memory_space<vmem>> -> memref<128xi32, #tpu.memory_space<vmem>>
      %dma_wait3A_157 = arith.constant 0 : i32
      %dma_wait3A_158 = arith.constant 0 : i32
      %dma_wait3A_159 = tpu.memref_slice %arg2[%dma_wait3A_157, %dma_wait3A_158] : memref<10000x32xbf16, #tpu.memory_space<hbm>> -> memref<10000x32xbf16, #tpu.memory_space<hbm>>
      %dma_wait3A_160 = tpu.memref_slice %arg13[%dma_wait3A_149] : memref<2x!tpu.dma_semaphore, #tpu.memory_space<semaphore_mem>> -> memref<1x!tpu.dma_semaphore, #tpu.memory_space<semaphore_mem>>
      %dma_wait3A_161 = tpu.memref_squeeze %dma_wait3A_160 : memref<1x!tpu.dma_semaphore, #tpu.memory_space<semaphore_mem>> -> memref<!tpu.dma_semaphore, #tpu.memory_space<semaphore_mem>>
      tpu.wait_indirect_dma semaphore(%dma_wait3A_161 : memref<!tpu.dma_semaphore, #tpu.memory_space<semaphore_mem>>) src(%dma_wait3A_159 : memref<10000x32xbf16, #tpu.memory_space<hbm>>) dst(%dma_wait3A_153 : memref<128x32xbf16, #tpu.memory_space<vmem>>)
      %dma_wait3A_162 = arith.constant 1 : i32
      %dma_wait3A_163 = arith.constant 1 : i32
      %dma_wait3A_164 = arith.constant 0 : i32
      %dma_wait3A_165 = arith.constant 0 : i32
      %dma_wait3A_166 = tpu.memref_slice %arg9[%dma_wait3A_162, %dma_wait3A_164, %dma_wait3A_165] : memref<2x128x16xf32, #tpu.memory_space<vmem>> -> memref<1x128x16xf32, #tpu.memory_space<vmem>>
      %dma_wait3A_167 = tpu.memref_squeeze %dma_wait3A_166 : memref<1x128x16xf32, #tpu.memory_space<vmem>> -> memref<128x16xf32, #tpu.memory_space<vmem>>
      %dma_wait3A_168 = arith.constant 0 : i32
      %dma_wait3A_169 = tpu.memref_slice %arg12[%add3A_141, %dma_wait3A_168] : memref<104x128xi32, #tpu.memory_space<vmem>> -> memref<1x128xi32, #tpu.memory_space<vmem>>
      %dma_wait3A_170 = tpu.memref_squeeze %dma_wait3A_169 : memref<1x128xi32, #tpu.memory_space<vmem>> -> memref<128xi32, #tpu.memory_space<vmem>>
      %dma_wait3A_171 = arith.constant 0 : i32
      %dma_wait3A_172 = arith.constant 0 : i32
      %dma_wait3A_173 = tpu.memref_slice %arg3[%dma_wait3A_171, %dma_wait3A_172] : memref<10000x16xf32, #tpu.memory_space<hbm>> -> memref<10000x16xf32, #tpu.memory_space<hbm>>
      %dma_wait3A_174 = tpu.memref_slice %arg14[%dma_wait3A_163] : memref<2x!tpu.dma_semaphore, #tpu.memory_space<semaphore_mem>> -> memref<1x!tpu.dma_semaphore, #tpu.memory_space<semaphore_mem>>
      %dma_wait3A_175 = tpu.memref_squeeze %dma_wait3A_174 : memref<1x!tpu.dma_semaphore, #tpu.memory_space<semaphore_mem>> -> memref<!tpu.dma_semaphore, #tpu.memory_space<semaphore_mem>>
      tpu.wait_indirect_dma semaphore(%dma_wait3A_175 : memref<!tpu.dma_semaphore, #tpu.memory_space<semaphore_mem>>) src(%dma_wait3A_173 : memref<10000x16xf32, #tpu.memory_space<hbm>>) dst(%dma_wait3A_167 : memref<128x16xf32, #tpu.memory_space<vmem>>)
      %parallel_loop3A_176 = arith.constant 0 : i32
      %parallel_loop3A_177 = arith.constant 128 : i32
      %parallel_loop3A_178 = arith.constant 1 : i32
      scf.for %parallel_loop3A_179 = %parallel_loop3A_176 to %parallel_loop3A_177 step %parallel_loop3A_178  : i32 {
        %parallel_loop3A_180 = arith.constant 1 : i32
        %parallel_loop3A_181 = arith.index_cast %parallel_loop3A_180 : i32 to index
        %parallel_loop3A_182 = arith.index_cast %parallel_loop3A_179 : i32 to index
        %parallel_loop3A_183 = arith.constant 0 : index
        %parallel_loop3A_184 = tpu.vector_load %arg8[%parallel_loop3A_181, %parallel_loop3A_182, %parallel_loop3A_183] {strides = array<i32>} : memref<2x128x32xbf16, #tpu.memory_space<vmem>>, vector<32xbf16>,
        %parallel_loop3A_185 = tpu.unpack_subelements %parallel_loop3A_184, 0 {pack_format = #tpu.pack_format<interleaved>} : vector<32xbf16> -> vector<16xf32>
        %parallel_loop3A_186 = tpu.unpack_subelements %parallel_loop3A_184, 1 {pack_format = #tpu.pack_format<interleaved>} : vector<32xbf16> -> vector<16xf32>
        %parallel_loop3A_187 = arith.constant 1 : i32
        %parallel_loop3A_188 = arith.index_cast %parallel_loop3A_187 : i32 to index
        %parallel_loop3A_189 = arith.index_cast %parallel_loop3A_179 : i32 to index
        %parallel_loop3A_190 = arith.constant 0 : index
        %parallel_loop3A_191 = tpu.vector_load %arg9[%parallel_loop3A_188, %parallel_loop3A_189, %parallel_loop3A_190] {strides = array<i32>} : memref<2x128x16xf32, #tpu.memory_space<vmem>>, vector<16xf32>,
        %parallel_loop3A_192 = arith.addf %parallel_loop3A_186, %parallel_loop3A_191 : vector<16xf32>
        %parallel_loop3A_193 = arith.constant 2.000000e-01 : f32
        %parallel_loop3A_194 = vector.broadcast %parallel_loop3A_193 : f32 to vector<16xf32>
        %parallel_loop3A_195 = arith.mulf %parallel_loop3A_192, %parallel_loop3A_194 : vector<16xf32>
        %parallel_loop3A_196 = arith.maximumf %parallel_loop3A_192, %parallel_loop3A_195 : vector<16xf32>
        %parallel_loop3A_197 = math.exp %parallel_loop3A_196 : vector<16xf32>
        %parallel_loop3A_198 = arith.mulf %parallel_loop3A_197, %parallel_loop3A_185 : vector<16xf32>
        %parallel_loop3A_199 = arith.index_cast %parallel_loop3A_179 : i32 to index
        %parallel_loop3A_200 = arith.constant 0 : index
        %parallel_loop3A_201 = tpu.vector_load %arg10[%parallel_loop3A_199, %parallel_loop3A_200] {strides = array<i32>} : memref<128x32xf32, #tpu.memory_space<vmem>>, vector<16xf32>,
        tpu.vector_store %arg10[%parallel_loop3A_199, %parallel_loop3A_200], %parallel_loop3A_198 {strides = array<i32>} : memref<128x32xf32, #tpu.memory_space<vmem>>, vector<16xf32>,
        %parallel_loop3A_202 = arith.index_cast %parallel_loop3A_179 : i32 to index
        %parallel_loop3A_203 = arith.constant 16 : index
        %parallel_loop3A_204 = tpu.vector_load %arg10[%parallel_loop3A_202, %parallel_loop3A_203] {strides = array<i32>} : memref<128x32xf32, #tpu.memory_space<vmem>>, vector<16xf32>,
        tpu.vector_store %arg10[%parallel_loop3A_202, %parallel_loop3A_203], %parallel_loop3A_197 {strides = array<i32>} : memref<128x32xf32, #tpu.memory_space<vmem>>, vector<16xf32>,
      } {sc.loop_unroll_factor = 4 : i64, sc.parallel_access}
      "tpu.region"() ({
        %run_scoped3A = tpu.sem_alloc : memref<!tpu.dma_semaphore, #tpu.memory_space<semaphore_mem>>
        %dma_start3A_179 = arith.constant 0 : i32
        %dma_start3A_180 = tpu.memref_slice %arg12[%add3A_141, %dma_start3A_179] : memref<104x128xi32, #tpu.memory_space<vmem>> -> memref<1x128xi32, #tpu.memory_space<vmem>>
        %dma_start3A_181 = tpu.memref_squeeze %dma_start3A_180 : memref<1x128xi32, #tpu.memory_space<vmem>> -> memref<128xi32, #tpu.memory_space<vmem>>
        %dma_start3A_182 = arith.constant 0 : i32
        %dma_start3A_183 = arith.constant 0 : i32
        %dma_start3A_184 = tpu.memref_slice %arg7[%dma_start3A_182, %dma_start3A_183] : memref<10112x32xf32, #tpu.memory_space<vmem_shared>> -> memref<10112x32xf32, #tpu.memory_space<vmem_shared>>
        tpu.enqueue_indirect_dma source(%arg10 : memref<128x32xf32, #tpu.memory_space<vmem>>) target(%dma_start3A_184 : memref<10112x32xf32, #tpu.memory_space<vmem_shared>>) offsets(%dma_start3A_181 : memref<128xi32, #tpu.memory_space<vmem>>) semaphore(%run_scoped3A : memref<!tpu.dma_semaphore, #tpu.memory_space<semaphore_mem>>) {add = true}
        %dma_wait3A_185 = arith.constant 0 : i32
        %dma_wait3A_186 = tpu.memref_slice %arg12[%add3A_141, %dma_wait3A_185] : memref<104x128xi32, #tpu.memory_space<vmem>> -> memref<1x128xi32, #tpu.memory_space<vmem>>
        %dma_wait3A_187 = tpu.memref_squeeze %dma_wait3A_186 : memref<1x128xi32, #tpu.memory_space<vmem>> -> memref<128xi32, #tpu.memory_space<vmem>>
        %dma_wait3A_188 = arith.constant 0 : i32
        %dma_wait3A_189 = arith.constant 0 : i32
        %dma_wait3A_190 = tpu.memref_slice %arg7[%dma_wait3A_188, %dma_wait3A_189] : memref<10112x32xf32, #tpu.memory_space<vmem_shared>> -> memref<10112x32xf32, #tpu.memory_space<vmem_shared>>
        tpu.wait_indirect_dma semaphore(%run_scoped3A : memref<!tpu.dma_semaphore, #tpu.memory_space<semaphore_mem>>) src(%arg10 : memref<128x32xf32, #tpu.memory_space<vmem>>) dst(%dma_wait3A_190 : memref<10112x32xf32, #tpu.memory_space<vmem_shared>>)
        tpu.yield
      }) : () -> ()
    }
    %barrier3A_94 = arith.constant 0 : index
    tpu.barrier barrier_id(%barrier3A_94)
    %mul3A_95 = arith.constant 632 : i32
    %mul3A_96 = arith.muli %arg1, %mul3A_95 : i32
    %mul3A_97 = arith.constant 632 : i32
    %mul3A_98 = arith.muli %arg1, %mul3A_97 : i32
    "tpu.region"() ({
      %run_scoped3A = tpu.sem_alloc : memref<!tpu.dma_semaphore, #tpu.memory_space<semaphore_mem>>
      %dma_start3A_99 = arith.constant 0 : i32
      %dma_start3A_100 = tpu.memref_slice %arg6[%arg0, %mul3A_98, %dma_start3A_99] : memref<2x10112x32xf32, #tpu.memory_space<hbm>> -> memref<1x632x32xf32, #tpu.memory_space<hbm>>
      %dma_start3A_101 = tpu.memref_squeeze %dma_start3A_100 : memref<1x632x32xf32, #tpu.memory_space<hbm>> -> memref<632x32xf32, #tpu.memory_space<hbm>>
      %dma_start3A_102 = arith.constant 0 : i32
      %dma_start3A_103 = tpu.memref_slice %arg7[%mul3A_96, %dma_start3A_102] : memref<10112x32xf32, #tpu.memory_space<vmem_shared>> -> memref<632x32xf32, #tpu.memory_space<vmem_shared>>
      tpu.enqueue_dma source(%dma_start3A_103 : memref<632x32xf32, #tpu.memory_space<vmem_shared>>) target(%dma_start3A_101 : memref<632x32xf32, #tpu.memory_space<hbm>>) target_semaphore(%run_scoped3A : memref<!tpu.dma_semaphore, #tpu.memory_space<semaphore_mem>>)
      %dma_wait3A = arith.constant 0 : i32
      %dma_wait3A_104 = tpu.memref_slice %arg6[%arg0, %mul3A_98, %dma_wait3A] : memref<2x10112x32xf32, #tpu.memory_space<hbm>> -> memref<1x632x32xf32, #tpu.memory_space<hbm>>
      %dma_wait3A_105 = tpu.memref_squeeze %dma_wait3A_104 : memref<1x632x32xf32, #tpu.memory_space<hbm>> -> memref<632x32xf32, #tpu.memory_space<hbm>>
      %dma_wait3A_106 = arith.constant 0 : i32
      %dma_wait3A_107 = tpu.memref_slice %arg7[%mul3A_96, %dma_wait3A_106] : memref<10112x32xf32, #tpu.memory_space<vmem_shared>> -> memref<632x32xf32, #tpu.memory_space<vmem_shared>>
      tpu.wait_dma2 semaphore(%run_scoped3A : memref<!tpu.dma_semaphore, #tpu.memory_space<semaphore_mem>>) src(%dma_wait3A_107 : memref<632x32xf32, #tpu.memory_space<vmem_shared>>) dst(%dma_wait3A_105 : memref<632x32xf32, #tpu.memory_space<hbm>>)
      tpu.yield
    }) : () -> ()
    return
  }
}

#map = affine_map<(d0, d1) -> (0, 0)>
#map1 = affine_map<(d0, d1) -> (0, 0, 0)>
module attributes {stable_mosaic.version = 14 : i64} {
  func.func @run(%arg0: i32, %arg1: i32, %arg2: memref<10000x96xbf16, #tpu.memory_space<hbm>>, %arg3: memref<10000x16xf32, #tpu.memory_space<hbm>>, %arg4: memref<2560x128xi32, #tpu.memory_space<hbm>>, %arg5: memref<2560x128xi32, #tpu.memory_space<hbm>>, %arg6: memref<2x10112x80xf32, #tpu.memory_space<hbm>>, %arg7: memref<10112x80xf32, #tpu.memory_space<vmem_shared>>, %arg8: memref<2x128x96xbf16, #tpu.memory_space<vmem>>, %arg9: memref<2x128x16xf32, #tpu.memory_space<vmem>>, %arg10: memref<128x80xf32, #tpu.memory_space<vmem>>, %arg11: memref<124x128xi32, #tpu.memory_space<vmem>>, %arg12: memref<124x128xi32, #tpu.memory_space<vmem>>, %arg13: memref<2x!tpu.dma_semaphore, #tpu.memory_space<semaphore_mem>>, %arg14: memref<2x!tpu.dma_semaphore, #tpu.memory_space<semaphore_mem>>) attributes {dimension_semantics = [#tpu.dimension_semantics<core_parallel>, #tpu.dimension_semantics<subcore_parallel>], iteration_bounds = array<i64: 2, 16>, scalar_prefetch = 0 : i64, scratch_operands = 8 : i64, tpu.core_type = #tpu.core_type<sc_vector_subcore>, window_params = [{transform_indices = #map}, {transform_indices = #map}, {transform_indices = #map}, {transform_indices = #map}, {transform_indices = #map1}]} {
    %eq3A = arith.constant 0 : i32
    %eq3A_0 = arith.cmpi eq, %arg0, %eq3A : i32
    %jit3A = arith.constant 124 : i32
    %jit3A_1 = arith.constant 36 : i32
    %select_n3A = arith.select %eq3A_0, %jit3A, %jit3A_1 : i32
    %mul3A = arith.constant 124 : i32
    %mul3A_2 = arith.muli %arg1, %mul3A : i32
    %mul3A_3 = arith.constant 36 : i32
    %mul3A_4 = arith.muli %arg1, %mul3A_3 : i32
    %add3A = arith.constant 1984 : i32
    %add3A_5 = arith.addi %add3A, %mul3A_4 : i32
    %select_n3A_6 = arith.select %eq3A_0, %mul3A_2, %add3A_5 : i32
    %convert_element_type3A = arith.extui %eq3A_0 : i1 to i32
    %cond3A = arith.constant 0 : i32
    %cond3A_7 = arith.cmpi ne, %convert_element_type3A, %cond3A : i32
    scf.if %cond3A_7 {
      "tpu.region"() ({
        %run_scoped3A = tpu.sem_alloc : memref<!tpu.dma_semaphore, #tpu.memory_space<semaphore_mem>>
        %dma_start3A_99 = arith.constant 0 : i32
        %dma_start3A_100 = tpu.memref_slice %arg4[%select_n3A_6, %dma_start3A_99] : memref<2560x128xi32, #tpu.memory_space<hbm>> -> memref<124x128xi32, #tpu.memory_space<hbm>>
        %dma_start3A_101 = arith.constant 0 : i32
        %dma_start3A_102 = tpu.memref_slice %arg4[%select_n3A_6, %dma_start3A_101] : memref<2560x128xi32, #tpu.memory_space<hbm>> -> memref<124x128xi32, #tpu.memory_space<hbm>>
        tpu.enqueue_dma source(%dma_start3A_102 : memref<124x128xi32, #tpu.memory_space<hbm>>) target(%arg11 : memref<124x128xi32, #tpu.memory_space<vmem>>) target_semaphore(%run_scoped3A : memref<!tpu.dma_semaphore, #tpu.memory_space<semaphore_mem>>)
        %dma_wait3A = arith.constant 0 : i32
        %dma_wait3A_103 = tpu.memref_slice %arg4[%select_n3A_6, %dma_wait3A] : memref<2560x128xi32, #tpu.memory_space<hbm>> -> memref<124x128xi32, #tpu.memory_space<hbm>>
        %dma_wait3A_104 = arith.constant 0 : i32
        %dma_wait3A_105 = tpu.memref_slice %arg4[%select_n3A_6, %dma_wait3A_104] : memref<2560x128xi32, #tpu.memory_space<hbm>> -> memref<124x128xi32, #tpu.memory_space<hbm>>
        tpu.wait_dma2 semaphore(%run_scoped3A : memref<!tpu.dma_semaphore, #tpu.memory_space<semaphore_mem>>) src(%dma_wait3A_105 : memref<124x128xi32, #tpu.memory_space<hbm>>) dst(%arg11 : memref<124x128xi32, #tpu.memory_space<vmem>>)
        tpu.yield
      }) : () -> ()
      "tpu.region"() ({
        %run_scoped3A = tpu.sem_alloc : memref<!tpu.dma_semaphore, #tpu.memory_space<semaphore_mem>>
        %dma_start3A_99 = arith.constant 0 : i32
        %dma_start3A_100 = tpu.memref_slice %arg5[%select_n3A_6, %dma_start3A_99] : memref<2560x128xi32, #tpu.memory_space<hbm>> -> memref<124x128xi32, #tpu.memory_space<hbm>>
        %dma_start3A_101 = arith.constant 0 : i32
        %dma_start3A_102 = tpu.memref_slice %arg5[%select_n3A_6, %dma_start3A_101] : memref<2560x128xi32, #tpu.memory_space<hbm>> -> memref<124x128xi32, #tpu.memory_space<hbm>>
        tpu.enqueue_dma source(%dma_start3A_102 : memref<124x128xi32, #tpu.memory_space<hbm>>) target(%arg12 : memref<124x128xi32, #tpu.memory_space<vmem>>) target_semaphore(%run_scoped3A : memref<!tpu.dma_semaphore, #tpu.memory_space<semaphore_mem>>)
        %dma_wait3A = arith.constant 0 : i32
        %dma_wait3A_103 = tpu.memref_slice %arg5[%select_n3A_6, %dma_wait3A] : memref<2560x128xi32, #tpu.memory_space<hbm>> -> memref<124x128xi32, #tpu.memory_space<hbm>>
        %dma_wait3A_104 = arith.constant 0 : i32
        %dma_wait3A_105 = tpu.memref_slice %arg5[%select_n3A_6, %dma_wait3A_104] : memref<2560x128xi32, #tpu.memory_space<hbm>> -> memref<124x128xi32, #tpu.memory_space<hbm>>
        tpu.wait_dma2 semaphore(%run_scoped3A : memref<!tpu.dma_semaphore, #tpu.memory_space<semaphore_mem>>) src(%dma_wait3A_105 : memref<124x128xi32, #tpu.memory_space<hbm>>) dst(%arg12 : memref<124x128xi32, #tpu.memory_space<vmem>>)
        tpu.yield
      }) : () -> ()
    } else {
    }
    %not3A = arith.constant true
    %not3A_8 = arith.xori %eq3A_0, %not3A : i1
    %convert_element_type3A_9 = arith.extui %not3A_8 : i1 to i32
    %cond3A_10 = arith.constant 0 : i32
    %cond3A_11 = arith.cmpi ne, %convert_element_type3A_9, %cond3A_10 : i32
    scf.if %cond3A_11 {
      "tpu.region"() ({
        %run_scoped3A = tpu.sem_alloc : memref<!tpu.dma_semaphore, #tpu.memory_space<semaphore_mem>>
        %dma_start3A_99 = arith.constant 0 : i32
        %dma_start3A_100 = arith.constant 0 : i32
        %dma_start3A_101 = tpu.memref_slice %arg11[%dma_start3A_99, %dma_start3A_100] : memref<124x128xi32, #tpu.memory_space<vmem>> -> memref<36x128xi32, #tpu.memory_space<vmem>>
        %dma_start3A_102 = arith.constant 0 : i32
        %dma_start3A_103 = tpu.memref_slice %arg4[%select_n3A_6, %dma_start3A_102] : memref<2560x128xi32, #tpu.memory_space<hbm>> -> memref<36x128xi32, #tpu.memory_space<hbm>>
        %dma_start3A_104 = arith.constant 0 : i32
        %dma_start3A_105 = arith.constant 0 : i32
        %dma_start3A_106 = tpu.memref_slice %arg11[%dma_start3A_104, %dma_start3A_105] : memref<124x128xi32, #tpu.memory_space<vmem>> -> memref<36x128xi32, #tpu.memory_space<vmem>>
        %dma_start3A_107 = arith.constant 0 : i32
        %dma_start3A_108 = tpu.memref_slice %arg4[%select_n3A_6, %dma_start3A_107] : memref<2560x128xi32, #tpu.memory_space<hbm>> -> memref<36x128xi32, #tpu.memory_space<hbm>>
        tpu.enqueue_dma source(%dma_start3A_108 : memref<36x128xi32, #tpu.memory_space<hbm>>) target(%dma_start3A_106 : memref<36x128xi32, #tpu.memory_space<vmem>>) target_semaphore(%run_scoped3A : memref<!tpu.dma_semaphore, #tpu.memory_space<semaphore_mem>>)
        %dma_wait3A = arith.constant 0 : i32
        %dma_wait3A_109 = arith.constant 0 : i32
        %dma_wait3A_110 = tpu.memref_slice %arg11[%dma_wait3A, %dma_wait3A_109] : memref<124x128xi32, #tpu.memory_space<vmem>> -> memref<36x128xi32, #tpu.memory_space<vmem>>
        %dma_wait3A_111 = arith.constant 0 : i32
        %dma_wait3A_112 = tpu.memref_slice %arg4[%select_n3A_6, %dma_wait3A_111] : memref<2560x128xi32, #tpu.memory_space<hbm>> -> memref<36x128xi32, #tpu.memory_space<hbm>>
        %dma_wait3A_113 = arith.constant 0 : i32
        %dma_wait3A_114 = arith.constant 0 : i32
        %dma_wait3A_115 = tpu.memref_slice %arg11[%dma_wait3A_113, %dma_wait3A_114] : memref<124x128xi32, #tpu.memory_space<vmem>> -> memref<36x128xi32, #tpu.memory_space<vmem>>
        %dma_wait3A_116 = arith.constant 0 : i32
        %dma_wait3A_117 = tpu.memref_slice %arg4[%select_n3A_6, %dma_wait3A_116] : memref<2560x128xi32, #tpu.memory_space<hbm>> -> memref<36x128xi32, #tpu.memory_space<hbm>>
        tpu.wait_dma2 semaphore(%run_scoped3A : memref<!tpu.dma_semaphore, #tpu.memory_space<semaphore_mem>>) src(%dma_wait3A_117 : memref<36x128xi32, #tpu.memory_space<hbm>>) dst(%dma_wait3A_115 : memref<36x128xi32, #tpu.memory_space<vmem>>)
        tpu.yield
      }) : () -> ()
      "tpu.region"() ({
        %run_scoped3A = tpu.sem_alloc : memref<!tpu.dma_semaphore, #tpu.memory_space<semaphore_mem>>
        %dma_start3A_99 = arith.constant 0 : i32
        %dma_start3A_100 = arith.constant 0 : i32
        %dma_start3A_101 = tpu.memref_slice %arg12[%dma_start3A_99, %dma_start3A_100] : memref<124x128xi32, #tpu.memory_space<vmem>> -> memref<36x128xi32, #tpu.memory_space<vmem>>
        %dma_start3A_102 = arith.constant 0 : i32
        %dma_start3A_103 = tpu.memref_slice %arg5[%select_n3A_6, %dma_start3A_102] : memref<2560x128xi32, #tpu.memory_space<hbm>> -> memref<36x128xi32, #tpu.memory_space<hbm>>
        %dma_start3A_104 = arith.constant 0 : i32
        %dma_start3A_105 = arith.constant 0 : i32
        %dma_start3A_106 = tpu.memref_slice %arg12[%dma_start3A_104, %dma_start3A_105] : memref<124x128xi32, #tpu.memory_space<vmem>> -> memref<36x128xi32, #tpu.memory_space<vmem>>
        %dma_start3A_107 = arith.constant 0 : i32
        %dma_start3A_108 = tpu.memref_slice %arg5[%select_n3A_6, %dma_start3A_107] : memref<2560x128xi32, #tpu.memory_space<hbm>> -> memref<36x128xi32, #tpu.memory_space<hbm>>
        tpu.enqueue_dma source(%dma_start3A_108 : memref<36x128xi32, #tpu.memory_space<hbm>>) target(%dma_start3A_106 : memref<36x128xi32, #tpu.memory_space<vmem>>) target_semaphore(%run_scoped3A : memref<!tpu.dma_semaphore, #tpu.memory_space<semaphore_mem>>)
        %dma_wait3A = arith.constant 0 : i32
        %dma_wait3A_109 = arith.constant 0 : i32
        %dma_wait3A_110 = tpu.memref_slice %arg12[%dma_wait3A, %dma_wait3A_109] : memref<124x128xi32, #tpu.memory_space<vmem>> -> memref<36x128xi32, #tpu.memory_space<vmem>>
        %dma_wait3A_111 = arith.constant 0 : i32
        %dma_wait3A_112 = tpu.memref_slice %arg5[%select_n3A_6, %dma_wait3A_111] : memref<2560x128xi32, #tpu.memory_space<hbm>> -> memref<36x128xi32, #tpu.memory_space<hbm>>
        %dma_wait3A_113 = arith.constant 0 : i32
        %dma_wait3A_114 = arith.constant 0 : i32
        %dma_wait3A_115 = tpu.memref_slice %arg12[%dma_wait3A_113, %dma_wait3A_114] : memref<124x128xi32, #tpu.memory_space<vmem>> -> memref<36x128xi32, #tpu.memory_space<vmem>>
        %dma_wait3A_116 = arith.constant 0 : i32
        %dma_wait3A_117 = tpu.memref_slice %arg5[%select_n3A_6, %dma_wait3A_116] : memref<2560x128xi32, #tpu.memory_space<hbm>> -> memref<36x128xi32, #tpu.memory_space<hbm>>
        tpu.wait_dma2 semaphore(%run_scoped3A : memref<!tpu.dma_semaphore, #tpu.memory_space<semaphore_mem>>) src(%dma_wait3A_117 : memref<36x128xi32, #tpu.memory_space<hbm>>) dst(%dma_wait3A_115 : memref<36x128xi32, #tpu.memory_space<vmem>>)
        tpu.yield
      }) : () -> ()
    } else {
    }
    %dma_start3A = arith.constant 0 : i32
    %dma_start3A_12 = arith.constant 0 : i32
    %dma_start3A_13 = arith.constant 0 : i32
    %dma_start3A_14 = arith.constant 0 : i32
    %dma_start3A_15 = arith.constant 0 : i32
    %dma_start3A_16 = tpu.memref_slice %arg8[%dma_start3A_12, %dma_start3A_14, %dma_start3A_15] : memref<2x128x96xbf16, #tpu.memory_space<vmem>> -> memref<1x128x96xbf16, #tpu.memory_space<vmem>>
    %dma_start3A_17 = tpu.memref_squeeze %dma_start3A_16 : memref<1x128x96xbf16, #tpu.memory_space<vmem>> -> memref<128x96xbf16, #tpu.memory_space<vmem>>
    %dma_start3A_18 = arith.constant 0 : i32
    %dma_start3A_19 = tpu.memref_slice %arg11[%dma_start3A, %dma_start3A_18] : memref<124x128xi32, #tpu.memory_space<vmem>> -> memref<1x128xi32, #tpu.memory_space<vmem>>
    %dma_start3A_20 = tpu.memref_squeeze %dma_start3A_19 : memref<1x128xi32, #tpu.memory_space<vmem>> -> memref<128xi32, #tpu.memory_space<vmem>>
    %dma_start3A_21 = arith.constant 0 : i32
    %dma_start3A_22 = arith.constant 0 : i32
    %dma_start3A_23 = tpu.memref_slice %arg2[%dma_start3A_21, %dma_start3A_22] : memref<10000x96xbf16, #tpu.memory_space<hbm>> -> memref<10000x96xbf16, #tpu.memory_space<hbm>>
    %dma_start3A_24 = tpu.memref_slice %arg13[%dma_start3A_13] : memref<2x!tpu.dma_semaphore, #tpu.memory_space<semaphore_mem>> -> memref<1x!tpu.dma_semaphore, #tpu.memory_space<semaphore_mem>>
    %dma_start3A_25 = tpu.memref_squeeze %dma_start3A_24 : memref<1x!tpu.dma_semaphore, #tpu.memory_space<semaphore_mem>> -> memref<!tpu.dma_semaphore, #tpu.memory_space<semaphore_mem>>
    tpu.enqueue_indirect_dma source(%dma_start3A_23 : memref<10000x96xbf16, #tpu.memory_space<hbm>>) target(%dma_start3A_17 : memref<128x96xbf16, #tpu.memory_space<vmem>>) offsets(%dma_start3A_20 : memref<128xi32, #tpu.memory_space<vmem>>) semaphore(%dma_start3A_25 : memref<!tpu.dma_semaphore, #tpu.memory_space<semaphore_mem>>)
    %dma_start3A_26 = arith.constant 0 : i32
    %dma_start3A_27 = arith.constant 0 : i32
    %dma_start3A_28 = arith.constant 0 : i32
    %dma_start3A_29 = arith.constant 0 : i32
    %dma_start3A_30 = arith.constant 0 : i32
    %dma_start3A_31 = tpu.memref_slice %arg9[%dma_start3A_27, %dma_start3A_29, %dma_start3A_30] : memref<2x128x16xf32, #tpu.memory_space<vmem>> -> memref<1x128x16xf32, #tpu.memory_space<vmem>>
    %dma_start3A_32 = tpu.memref_squeeze %dma_start3A_31 : memref<1x128x16xf32, #tpu.memory_space<vmem>> -> memref<128x16xf32, #tpu.memory_space<vmem>>
    %dma_start3A_33 = arith.constant 0 : i32
    %dma_start3A_34 = tpu.memref_slice %arg12[%dma_start3A_26, %dma_start3A_33] : memref<124x128xi32, #tpu.memory_space<vmem>> -> memref<1x128xi32, #tpu.memory_space<vmem>>
    %dma_start3A_35 = tpu.memref_squeeze %dma_start3A_34 : memref<1x128xi32, #tpu.memory_space<vmem>> -> memref<128xi32, #tpu.memory_space<vmem>>
    %dma_start3A_36 = arith.constant 0 : i32
    %dma_start3A_37 = arith.constant 0 : i32
    %dma_start3A_38 = tpu.memref_slice %arg3[%dma_start3A_36, %dma_start3A_37] : memref<10000x16xf32, #tpu.memory_space<hbm>> -> memref<10000x16xf32, #tpu.memory_space<hbm>>
    %dma_start3A_39 = tpu.memref_slice %arg14[%dma_start3A_28] : memref<2x!tpu.dma_semaphore, #tpu.memory_space<semaphore_mem>> -> memref<1x!tpu.dma_semaphore, #tpu.memory_space<semaphore_mem>>
    %dma_start3A_40 = tpu.memref_squeeze %dma_start3A_39 : memref<1x!tpu.dma_semaphore, #tpu.memory_space<semaphore_mem>> -> memref<!tpu.dma_semaphore, #tpu.memory_space<semaphore_mem>>
    tpu.enqueue_indirect_dma source(%dma_start3A_38 : memref<10000x16xf32, #tpu.memory_space<hbm>>) target(%dma_start3A_32 : memref<128x16xf32, #tpu.memory_space<vmem>>) offsets(%dma_start3A_35 : memref<128xi32, #tpu.memory_space<vmem>>) semaphore(%dma_start3A_40 : memref<!tpu.dma_semaphore, #tpu.memory_space<semaphore_mem>>)
    %broadcast_in_dim3A = arith.constant 0.000000e+00 : f32
    %broadcast_in_dim3A_41 = vector.broadcast %broadcast_in_dim3A : f32 to vector<16xf32>
    %scan3A = arith.constant 0 : i32
    %scan3A_42 = arith.constant 0 : i32
    %scan3A_43 = arith.constant 128 : i32
    %scan3A_44 = arith.addi %scan3A_42, %scan3A_43 : i32
    %scan3A_45 = arith.constant 1 : i32
    scf.for %scan3A_99 = %scan3A_42 to %scan3A_44 step %scan3A_45  : i32 {
      %swap3A = arith.index_cast %scan3A_99 : i32 to index
      %swap3A_100 = arith.constant 0 : index
      %swap3A_101 = tpu.vector_load %arg10[%swap3A, %swap3A_100] {strides = array<i32>} : memref<128x80xf32, #tpu.memory_space<vmem>>, vector<16xf32>,
      tpu.vector_store %arg10[%swap3A, %swap3A_100], %broadcast_in_dim3A_41 {strides = array<i32>} : memref<128x80xf32, #tpu.memory_space<vmem>>, vector<16xf32>,
      %swap3A_102 = arith.index_cast %scan3A_99 : i32 to index
      %swap3A_103 = arith.constant 16 : index
      %swap3A_104 = tpu.vector_load %arg10[%swap3A_102, %swap3A_103] {strides = array<i32>} : memref<128x80xf32, #tpu.memory_space<vmem>>, vector<16xf32>,
      tpu.vector_store %arg10[%swap3A_102, %swap3A_103], %broadcast_in_dim3A_41 {strides = array<i32>} : memref<128x80xf32, #tpu.memory_space<vmem>>, vector<16xf32>,
      %swap3A_105 = arith.index_cast %scan3A_99 : i32 to index
      %swap3A_106 = arith.constant 32 : index
      %swap3A_107 = tpu.vector_load %arg10[%swap3A_105, %swap3A_106] {strides = array<i32>} : memref<128x80xf32, #tpu.memory_space<vmem>>, vector<16xf32>,
      tpu.vector_store %arg10[%swap3A_105, %swap3A_106], %broadcast_in_dim3A_41 {strides = array<i32>} : memref<128x80xf32, #tpu.memory_space<vmem>>, vector<16xf32>,
      %swap3A_108 = arith.index_cast %scan3A_99 : i32 to index
      %swap3A_109 = arith.constant 48 : index
      %swap3A_110 = tpu.vector_load %arg10[%swap3A_108, %swap3A_109] {strides = array<i32>} : memref<128x80xf32, #tpu.memory_space<vmem>>, vector<16xf32>,
      tpu.vector_store %arg10[%swap3A_108, %swap3A_109], %broadcast_in_dim3A_41 {strides = array<i32>} : memref<128x80xf32, #tpu.memory_space<vmem>>, vector<16xf32>,
      %swap3A_111 = arith.index_cast %scan3A_99 : i32 to index
      %swap3A_112 = arith.constant 64 : index
      %swap3A_113 = tpu.vector_load %arg10[%swap3A_111, %swap3A_112] {strides = array<i32>} : memref<128x80xf32, #tpu.memory_space<vmem>>, vector<16xf32>,
      tpu.vector_store %arg10[%swap3A_111, %swap3A_112], %broadcast_in_dim3A_41 {strides = array<i32>} : memref<128x80xf32, #tpu.memory_space<vmem>>, vector<16xf32>,
    }
    %scan3A_46 = arith.constant 128 : i32
    %mul3A_47 = arith.constant 632 : i32
    %mul3A_48 = arith.muli %arg1, %mul3A_47 : i32
    %add3A_49 = arith.constant 0 : i32
    %add3A_50 = arith.addi %mul3A_48, %add3A_49 : i32
    "tpu.region"() ({
      %run_scoped3A = tpu.sem_alloc : memref<!tpu.dma_semaphore, #tpu.memory_space<semaphore_mem>>
      %dma_start3A_99 = arith.constant 0 : i32
      %dma_start3A_100 = arith.constant 0 : i32
      %dma_start3A_101 = tpu.memref_slice %arg10[%dma_start3A_99, %dma_start3A_100] : memref<128x80xf32, #tpu.memory_space<vmem>> -> memref<128x80xf32, #tpu.memory_space<vmem>>
      %dma_start3A_102 = arith.constant 0 : i32
      %dma_start3A_103 = tpu.memref_slice %arg7[%add3A_50, %dma_start3A_102] : memref<10112x80xf32, #tpu.memory_space<vmem_shared>> -> memref<128x80xf32, #tpu.memory_space<vmem_shared>>
      %dma_start3A_104 = arith.constant 0 : i32
      %dma_start3A_105 = tpu.memref_slice %arg7[%add3A_50, %dma_start3A_104] : memref<10112x80xf32, #tpu.memory_space<vmem_shared>> -> memref<128x80xf32, #tpu.memory_space<vmem_shared>>
      %dma_start3A_106 = arith.constant 0 : i32
      %dma_start3A_107 = arith.constant 0 : i32
      %dma_start3A_108 = tpu.memref_slice %arg10[%dma_start3A_106, %dma_start3A_107] : memref<128x80xf32, #tpu.memory_space<vmem>> -> memref<128x80xf32, #tpu.memory_space<vmem>>
      tpu.enqueue_dma source(%dma_start3A_108 : memref<128x80xf32, #tpu.memory_space<vmem>>) target(%dma_start3A_105 : memref<128x80xf32, #tpu.memory_space<vmem_shared>>) target_semaphore(%run_scoped3A : memref<!tpu.dma_semaphore, #tpu.memory_space<semaphore_mem>>)
      %dma_wait3A = arith.constant 0 : i32
      %dma_wait3A_109 = arith.constant 0 : i32
      %dma_wait3A_110 = tpu.memref_slice %arg10[%dma_wait3A, %dma_wait3A_109] : memref<128x80xf32, #tpu.memory_space<vmem>> -> memref<128x80xf32, #tpu.memory_space<vmem>>
      %dma_wait3A_111 = arith.constant 0 : i32
      %dma_wait3A_112 = tpu.memref_slice %arg7[%add3A_50, %dma_wait3A_111] : memref<10112x80xf32, #tpu.memory_space<vmem_shared>> -> memref<128x80xf32, #tpu.memory_space<vmem_shared>>
      %dma_wait3A_113 = arith.constant 0 : i32
      %dma_wait3A_114 = tpu.memref_slice %arg7[%add3A_50, %dma_wait3A_113] : memref<10112x80xf32, #tpu.memory_space<vmem_shared>> -> memref<128x80xf32, #tpu.memory_space<vmem_shared>>
      %dma_wait3A_115 = arith.constant 0 : i32
      %dma_wait3A_116 = arith.constant 0 : i32
      %dma_wait3A_117 = tpu.memref_slice %arg10[%dma_wait3A_115, %dma_wait3A_116] : memref<128x80xf32, #tpu.memory_space<vmem>> -> memref<128x80xf32, #tpu.memory_space<vmem>>
      tpu.wait_dma2 semaphore(%run_scoped3A : memref<!tpu.dma_semaphore, #tpu.memory_space<semaphore_mem>>) src(%dma_wait3A_117 : memref<128x80xf32, #tpu.memory_space<vmem>>) dst(%dma_wait3A_114 : memref<128x80xf32, #tpu.memory_space<vmem_shared>>)
      tpu.yield
    }) : () -> ()
    %mul3A_51 = arith.constant 632 : i32
    %mul3A_52 = arith.muli %arg1, %mul3A_51 : i32
    %add3A_53 = arith.constant 128 : i32
    %add3A_54 = arith.addi %mul3A_52, %add3A_53 : i32
    "tpu.region"() ({
      %run_scoped3A = tpu.sem_alloc : memref<!tpu.dma_semaphore, #tpu.memory_space<semaphore_mem>>
      %dma_start3A_99 = arith.constant 0 : i32
      %dma_start3A_100 = arith.constant 0 : i32
      %dma_start3A_101 = tpu.memref_slice %arg10[%dma_start3A_99, %dma_start3A_100] : memref<128x80xf32, #tpu.memory_space<vmem>> -> memref<128x80xf32, #tpu.memory_space<vmem>>
      %dma_start3A_102 = arith.constant 0 : i32
      %dma_start3A_103 = tpu.memref_slice %arg7[%add3A_54, %dma_start3A_102] : memref<10112x80xf32, #tpu.memory_space<vmem_shared>> -> memref<128x80xf32, #tpu.memory_space<vmem_shared>>
      %dma_start3A_104 = arith.constant 0 : i32
      %dma_start3A_105 = tpu.memref_slice %arg7[%add3A_54, %dma_start3A_104] : memref<10112x80xf32, #tpu.memory_space<vmem_shared>> -> memref<128x80xf32, #tpu.memory_space<vmem_shared>>
      %dma_start3A_106 = arith.constant 0 : i32
      %dma_start3A_107 = arith.constant 0 : i32
      %dma_start3A_108 = tpu.memref_slice %arg10[%dma_start3A_106, %dma_start3A_107] : memref<128x80xf32, #tpu.memory_space<vmem>> -> memref<128x80xf32, #tpu.memory_space<vmem>>
      tpu.enqueue_dma source(%dma_start3A_108 : memref<128x80xf32, #tpu.memory_space<vmem>>) target(%dma_start3A_105 : memref<128x80xf32, #tpu.memory_space<vmem_shared>>) target_semaphore(%run_scoped3A : memref<!tpu.dma_semaphore, #tpu.memory_space<semaphore_mem>>)
      %dma_wait3A = arith.constant 0 : i32
      %dma_wait3A_109 = arith.constant 0 : i32
      %dma_wait3A_110 = tpu.memref_slice %arg10[%dma_wait3A, %dma_wait3A_109] : memref<128x80xf32, #tpu.memory_space<vmem>> -> memref<128x80xf32, #tpu.memory_space<vmem>>
      %dma_wait3A_111 = arith.constant 0 : i32
      %dma_wait3A_112 = tpu.memref_slice %arg7[%add3A_54, %dma_wait3A_111] : memref<10112x80xf32, #tpu.memory_space<vmem_shared>> -> memref<128x80xf32, #tpu.memory_space<vmem_shared>>
      %dma_wait3A_113 = arith.constant 0 : i32
      %dma_wait3A_114 = tpu.memref_slice %arg7[%add3A_54, %dma_wait3A_113] : memref<10112x80xf32, #tpu.memory_space<vmem_shared>> -> memref<128x80xf32, #tpu.memory_space<vmem_shared>>
      %dma_wait3A_115 = arith.constant 0 : i32
      %dma_wait3A_116 = arith.constant 0 : i32
      %dma_wait3A_117 = tpu.memref_slice %arg10[%dma_wait3A_115, %dma_wait3A_116] : memref<128x80xf32, #tpu.memory_space<vmem>> -> memref<128x80xf32, #tpu.memory_space<vmem>>
      tpu.wait_dma2 semaphore(%run_scoped3A : memref<!tpu.dma_semaphore, #tpu.memory_space<semaphore_mem>>) src(%dma_wait3A_117 : memref<128x80xf32, #tpu.memory_space<vmem>>) dst(%dma_wait3A_114 : memref<128x80xf32, #tpu.memory_space<vmem_shared>>)
      tpu.yield
    }) : () -> ()
    %mul3A_55 = arith.constant 632 : i32
    %mul3A_56 = arith.muli %arg1, %mul3A_55 : i32
    %add3A_57 = arith.constant 256 : i32
    %add3A_58 = arith.addi %mul3A_56, %add3A_57 : i32
    "tpu.region"() ({
      %run_scoped3A = tpu.sem_alloc : memref<!tpu.dma_semaphore, #tpu.memory_space<semaphore_mem>>
      %dma_start3A_99 = arith.constant 0 : i32
      %dma_start3A_100 = arith.constant 0 : i32
      %dma_start3A_101 = tpu.memref_slice %arg10[%dma_start3A_99, %dma_start3A_100] : memref<128x80xf32, #tpu.memory_space<vmem>> -> memref<128x80xf32, #tpu.memory_space<vmem>>
      %dma_start3A_102 = arith.constant 0 : i32
      %dma_start3A_103 = tpu.memref_slice %arg7[%add3A_58, %dma_start3A_102] : memref<10112x80xf32, #tpu.memory_space<vmem_shared>> -> memref<128x80xf32, #tpu.memory_space<vmem_shared>>
      %dma_start3A_104 = arith.constant 0 : i32
      %dma_start3A_105 = tpu.memref_slice %arg7[%add3A_58, %dma_start3A_104] : memref<10112x80xf32, #tpu.memory_space<vmem_shared>> -> memref<128x80xf32, #tpu.memory_space<vmem_shared>>
      %dma_start3A_106 = arith.constant 0 : i32
      %dma_start3A_107 = arith.constant 0 : i32
      %dma_start3A_108 = tpu.memref_slice %arg10[%dma_start3A_106, %dma_start3A_107] : memref<128x80xf32, #tpu.memory_space<vmem>> -> memref<128x80xf32, #tpu.memory_space<vmem>>
      tpu.enqueue_dma source(%dma_start3A_108 : memref<128x80xf32, #tpu.memory_space<vmem>>) target(%dma_start3A_105 : memref<128x80xf32, #tpu.memory_space<vmem_shared>>) target_semaphore(%run_scoped3A : memref<!tpu.dma_semaphore, #tpu.memory_space<semaphore_mem>>)
      %dma_wait3A = arith.constant 0 : i32
      %dma_wait3A_109 = arith.constant 0 : i32
      %dma_wait3A_110 = tpu.memref_slice %arg10[%dma_wait3A, %dma_wait3A_109] : memref<128x80xf32, #tpu.memory_space<vmem>> -> memref<128x80xf32, #tpu.memory_space<vmem>>
      %dma_wait3A_111 = arith.constant 0 : i32
      %dma_wait3A_112 = tpu.memref_slice %arg7[%add3A_58, %dma_wait3A_111] : memref<10112x80xf32, #tpu.memory_space<vmem_shared>> -> memref<128x80xf32, #tpu.memory_space<vmem_shared>>
      %dma_wait3A_113 = arith.constant 0 : i32
      %dma_wait3A_114 = tpu.memref_slice %arg7[%add3A_58, %dma_wait3A_113] : memref<10112x80xf32, #tpu.memory_space<vmem_shared>> -> memref<128x80xf32, #tpu.memory_space<vmem_shared>>
      %dma_wait3A_115 = arith.constant 0 : i32
      %dma_wait3A_116 = arith.constant 0 : i32
      %dma_wait3A_117 = tpu.memref_slice %arg10[%dma_wait3A_115, %dma_wait3A_116] : memref<128x80xf32, #tpu.memory_space<vmem>> -> memref<128x80xf32, #tpu.memory_space<vmem>>
      tpu.wait_dma2 semaphore(%run_scoped3A : memref<!tpu.dma_semaphore, #tpu.memory_space<semaphore_mem>>) src(%dma_wait3A_117 : memref<128x80xf32, #tpu.memory_space<vmem>>) dst(%dma_wait3A_114 : memref<128x80xf32, #tpu.memory_space<vmem_shared>>)
      tpu.yield
    }) : () -> ()
    %mul3A_59 = arith.constant 632 : i32
    %mul3A_60 = arith.muli %arg1, %mul3A_59 : i32
    %add3A_61 = arith.constant 384 : i32
    %add3A_62 = arith.addi %mul3A_60, %add3A_61 : i32
    "tpu.region"() ({
      %run_scoped3A = tpu.sem_alloc : memref<!tpu.dma_semaphore, #tpu.memory_space<semaphore_mem>>
      %dma_start3A_99 = arith.constant 0 : i32
      %dma_start3A_100 = arith.constant 0 : i32
      %dma_start3A_101 = tpu.memref_slice %arg10[%dma_start3A_99, %dma_start3A_100] : memref<128x80xf32, #tpu.memory_space<vmem>> -> memref<128x80xf32, #tpu.memory_space<vmem>>
      %dma_start3A_102 = arith.constant 0 : i32
      %dma_start3A_103 = tpu.memref_slice %arg7[%add3A_62, %dma_start3A_102] : memref<10112x80xf32, #tpu.memory_space<vmem_shared>> -> memref<128x80xf32, #tpu.memory_space<vmem_shared>>
      %dma_start3A_104 = arith.constant 0 : i32
      %dma_start3A_105 = tpu.memref_slice %arg7[%add3A_62, %dma_start3A_104] : memref<10112x80xf32, #tpu.memory_space<vmem_shared>> -> memref<128x80xf32, #tpu.memory_space<vmem_shared>>
      %dma_start3A_106 = arith.constant 0 : i32
      %dma_start3A_107 = arith.constant 0 : i32
      %dma_start3A_108 = tpu.memref_slice %arg10[%dma_start3A_106, %dma_start3A_107] : memref<128x80xf32, #tpu.memory_space<vmem>> -> memref<128x80xf32, #tpu.memory_space<vmem>>
      tpu.enqueue_dma source(%dma_start3A_108 : memref<128x80xf32, #tpu.memory_space<vmem>>) target(%dma_start3A_105 : memref<128x80xf32, #tpu.memory_space<vmem_shared>>) target_semaphore(%run_scoped3A : memref<!tpu.dma_semaphore, #tpu.memory_space<semaphore_mem>>)
      %dma_wait3A = arith.constant 0 : i32
      %dma_wait3A_109 = arith.constant 0 : i32
      %dma_wait3A_110 = tpu.memref_slice %arg10[%dma_wait3A, %dma_wait3A_109] : memref<128x80xf32, #tpu.memory_space<vmem>> -> memref<128x80xf32, #tpu.memory_space<vmem>>
      %dma_wait3A_111 = arith.constant 0 : i32
      %dma_wait3A_112 = tpu.memref_slice %arg7[%add3A_62, %dma_wait3A_111] : memref<10112x80xf32, #tpu.memory_space<vmem_shared>> -> memref<128x80xf32, #tpu.memory_space<vmem_shared>>
      %dma_wait3A_113 = arith.constant 0 : i32
      %dma_wait3A_114 = tpu.memref_slice %arg7[%add3A_62, %dma_wait3A_113] : memref<10112x80xf32, #tpu.memory_space<vmem_shared>> -> memref<128x80xf32, #tpu.memory_space<vmem_shared>>
      %dma_wait3A_115 = arith.constant 0 : i32
      %dma_wait3A_116 = arith.constant 0 : i32
      %dma_wait3A_117 = tpu.memref_slice %arg10[%dma_wait3A_115, %dma_wait3A_116] : memref<128x80xf32, #tpu.memory_space<vmem>> -> memref<128x80xf32, #tpu.memory_space<vmem>>
      tpu.wait_dma2 semaphore(%run_scoped3A : memref<!tpu.dma_semaphore, #tpu.memory_space<semaphore_mem>>) src(%dma_wait3A_117 : memref<128x80xf32, #tpu.memory_space<vmem>>) dst(%dma_wait3A_114 : memref<128x80xf32, #tpu.memory_space<vmem_shared>>)
      tpu.yield
    }) : () -> ()
    %mul3A_63 = arith.constant 632 : i32
    %mul3A_64 = arith.muli %arg1, %mul3A_63 : i32
    %add3A_65 = arith.constant 512 : i32
    %add3A_66 = arith.addi %mul3A_64, %add3A_65 : i32
    "tpu.region"() ({
      %run_scoped3A = tpu.sem_alloc : memref<!tpu.dma_semaphore, #tpu.memory_space<semaphore_mem>>
      %dma_start3A_99 = arith.constant 0 : i32
      %dma_start3A_100 = arith.constant 0 : i32
      %dma_start3A_101 = tpu.memref_slice %arg10[%dma_start3A_99, %dma_start3A_100] : memref<128x80xf32, #tpu.memory_space<vmem>> -> memref<120x80xf32, #tpu.memory_space<vmem>>
      %dma_start3A_102 = arith.constant 0 : i32
      %dma_start3A_103 = tpu.memref_slice %arg7[%add3A_66, %dma_start3A_102] : memref<10112x80xf32, #tpu.memory_space<vmem_shared>> -> memref<120x80xf32, #tpu.memory_space<vmem_shared>>
      %dma_start3A_104 = arith.constant 0 : i32
      %dma_start3A_105 = tpu.memref_slice %arg7[%add3A_66, %dma_start3A_104] : memref<10112x80xf32, #tpu.memory_space<vmem_shared>> -> memref<120x80xf32, #tpu.memory_space<vmem_shared>>
      %dma_start3A_106 = arith.constant 0 : i32
      %dma_start3A_107 = arith.constant 0 : i32
      %dma_start3A_108 = tpu.memref_slice %arg10[%dma_start3A_106, %dma_start3A_107] : memref<128x80xf32, #tpu.memory_space<vmem>> -> memref<120x80xf32, #tpu.memory_space<vmem>>
      tpu.enqueue_dma source(%dma_start3A_108 : memref<120x80xf32, #tpu.memory_space<vmem>>) target(%dma_start3A_105 : memref<120x80xf32, #tpu.memory_space<vmem_shared>>) target_semaphore(%run_scoped3A : memref<!tpu.dma_semaphore, #tpu.memory_space<semaphore_mem>>)
      %dma_wait3A = arith.constant 0 : i32
      %dma_wait3A_109 = arith.constant 0 : i32
      %dma_wait3A_110 = tpu.memref_slice %arg10[%dma_wait3A, %dma_wait3A_109] : memref<128x80xf32, #tpu.memory_space<vmem>> -> memref<120x80xf32, #tpu.memory_space<vmem>>
      %dma_wait3A_111 = arith.constant 0 : i32
      %dma_wait3A_112 = tpu.memref_slice %arg7[%add3A_66, %dma_wait3A_111] : memref<10112x80xf32, #tpu.memory_space<vmem_shared>> -> memref<120x80xf32, #tpu.memory_space<vmem_shared>>
      %dma_wait3A_113 = arith.constant 0 : i32
      %dma_wait3A_114 = tpu.memref_slice %arg7[%add3A_66, %dma_wait3A_113] : memref<10112x80xf32, #tpu.memory_space<vmem_shared>> -> memref<120x80xf32, #tpu.memory_space<vmem_shared>>
      %dma_wait3A_115 = arith.constant 0 : i32
      %dma_wait3A_116 = arith.constant 0 : i32
      %dma_wait3A_117 = tpu.memref_slice %arg10[%dma_wait3A_115, %dma_wait3A_116] : memref<128x80xf32, #tpu.memory_space<vmem>> -> memref<120x80xf32, #tpu.memory_space<vmem>>
      tpu.wait_dma2 semaphore(%run_scoped3A : memref<!tpu.dma_semaphore, #tpu.memory_space<semaphore_mem>>) src(%dma_wait3A_117 : memref<120x80xf32, #tpu.memory_space<vmem>>) dst(%dma_wait3A_114 : memref<120x80xf32, #tpu.memory_space<vmem_shared>>)
      tpu.yield
    }) : () -> ()
    %barrier3A = arith.constant 0 : index
    tpu.barrier barrier_id(%barrier3A)
    %jit3A_67 = arith.constant 2 : i32
    %div3A = arith.divsi %select_n3A, %jit3A_67 : i32
    %sign3A = arith.constant 0 : i32
    %sign3A_68 = arith.cmpi sgt, %select_n3A, %sign3A : i32
    %sign3A_69 = arith.extui %sign3A_68 : i1 to i32
    %sign3A_70 = arith.constant 0 : i32
    %sign3A_71 = arith.cmpi slt, %select_n3A, %sign3A_70 : i32
    %sign3A_72 = arith.extui %sign3A_71 : i1 to i32
    %sign3A_73 = arith.subi %sign3A_69, %sign3A_72 : i32
    %sign3A_74 = arith.constant 0 : i32
    %sign3A_75 = arith.cmpi sgt, %jit3A_67, %sign3A_74 : i32
    %sign3A_76 = arith.extui %sign3A_75 : i1 to i32
    %sign3A_77 = arith.constant 0 : i32
    %sign3A_78 = arith.cmpi slt, %jit3A_67, %sign3A_77 : i32
    %sign3A_79 = arith.extui %sign3A_78 : i1 to i32
    %sign3A_80 = arith.subi %sign3A_76, %sign3A_79 : i32
    %ne3A = arith.cmpi ne, %sign3A_73, %sign3A_80 : i32
    %rem3A = arith.remsi %select_n3A, %jit3A_67 : i32
    %ne3A_81 = arith.constant 0 : i32
    %ne3A_82 = arith.cmpi ne, %rem3A, %ne3A_81 : i32
    %and3A = arith.andi %ne3A, %ne3A_82 : i1
    %sub3A = arith.constant 1 : i32
    %sub3A_83 = arith.subi %div3A, %sub3A : i32
    %select_n3A_84 = arith.select %and3A, %sub3A_83, %div3A : i32
    %while3A = arith.constant 0 : i32
    %while3A_85 = arith.constant 0 : i32
    %while3A_86 = arith.subi %select_n3A_84, %while3A_85 : i32
    %while3A_87 = arith.addi %while3A_85, %while3A_86 : i32
    %while3A_88 = arith.constant 1 : i32
    %while3A_89 = arith.divsi %while3A_86, %while3A_88 : i32
    %while3A_90 = arith.muli %while3A_89, %while3A_88 : i32
    %while3A_91 = arith.addi %while3A_85, %while3A_90 : i32
    %while3A_92 = arith.constant 1 : i32
    scf.for %while3A_99 = %while3A_85 to %while3A_91 step %while3A_92  : i32 {
      %mul3A_100 = arith.constant 2 : i32
      %mul3A_101 = arith.muli %mul3A_100, %while3A_99 : i32
      %add3A_102 = arith.constant 0 : i32
      %add3A_103 = arith.addi %mul3A_101, %add3A_102 : i32
      %add3A_104 = arith.constant 1 : i32
      %add3A_105 = arith.addi %add3A_103, %add3A_104 : i32
      %lt3A = arith.cmpi slt, %add3A_105, %select_n3A : i32
      %convert_element_type3A_106 = arith.extui %lt3A : i1 to i32
      %cond3A_107 = arith.constant 0 : i32
      %cond3A_108 = arith.cmpi ne, %convert_element_type3A_106, %cond3A_107 : i32
      scf.if %cond3A_108 {
        %add3A_179 = arith.constant 1 : i32
        %add3A_180 = arith.addi %add3A_103, %add3A_179 : i32
        %dma_start3A_181 = arith.constant 1 : i32
        %dma_start3A_182 = arith.constant 1 : i32
        %dma_start3A_183 = arith.constant 0 : i32
        %dma_start3A_184 = arith.constant 0 : i32
        %dma_start3A_185 = tpu.memref_slice %arg8[%dma_start3A_181, %dma_start3A_183, %dma_start3A_184] : memref<2x128x96xbf16, #tpu.memory_space<vmem>> -> memref<1x128x96xbf16, #tpu.memory_space<vmem>>
        %dma_start3A_186 = tpu.memref_squeeze %dma_start3A_185 : memref<1x128x96xbf16, #tpu.memory_space<vmem>> -> memref<128x96xbf16, #tpu.memory_space<vmem>>
        %dma_start3A_187 = arith.constant 0 : i32
        %dma_start3A_188 = tpu.memref_slice %arg11[%add3A_180, %dma_start3A_187] : memref<124x128xi32, #tpu.memory_space<vmem>> -> memref<1x128xi32, #tpu.memory_space<vmem>>
        %dma_start3A_189 = tpu.memref_squeeze %dma_start3A_188 : memref<1x128xi32, #tpu.memory_space<vmem>> -> memref<128xi32, #tpu.memory_space<vmem>>
        %dma_start3A_190 = arith.constant 0 : i32
        %dma_start3A_191 = arith.constant 0 : i32
        %dma_start3A_192 = tpu.memref_slice %arg2[%dma_start3A_190, %dma_start3A_191] : memref<10000x96xbf16, #tpu.memory_space<hbm>> -> memref<10000x96xbf16, #tpu.memory_space<hbm>>
        %dma_start3A_193 = tpu.memref_slice %arg13[%dma_start3A_182] : memref<2x!tpu.dma_semaphore, #tpu.memory_space<semaphore_mem>> -> memref<1x!tpu.dma_semaphore, #tpu.memory_space<semaphore_mem>>
        %dma_start3A_194 = tpu.memref_squeeze %dma_start3A_193 : memref<1x!tpu.dma_semaphore, #tpu.memory_space<semaphore_mem>> -> memref<!tpu.dma_semaphore, #tpu.memory_space<semaphore_mem>>
        tpu.enqueue_indirect_dma source(%dma_start3A_192 : memref<10000x96xbf16, #tpu.memory_space<hbm>>) target(%dma_start3A_186 : memref<128x96xbf16, #tpu.memory_space<vmem>>) offsets(%dma_start3A_189 : memref<128xi32, #tpu.memory_space<vmem>>) semaphore(%dma_start3A_194 : memref<!tpu.dma_semaphore, #tpu.memory_space<semaphore_mem>>)
        %dma_start3A_195 = arith.constant 1 : i32
        %dma_start3A_196 = arith.constant 1 : i32
        %dma_start3A_197 = arith.constant 0 : i32
        %dma_start3A_198 = arith.constant 0 : i32
        %dma_start3A_199 = tpu.memref_slice %arg9[%dma_start3A_195, %dma_start3A_197, %dma_start3A_198] : memref<2x128x16xf32, #tpu.memory_space<vmem>> -> memref<1x128x16xf32, #tpu.memory_space<vmem>>
        %dma_start3A_200 = tpu.memref_squeeze %dma_start3A_199 : memref<1x128x16xf32, #tpu.memory_space<vmem>> -> memref<128x16xf32, #tpu.memory_space<vmem>>
        %dma_start3A_201 = arith.constant 0 : i32
        %dma_start3A_202 = tpu.memref_slice %arg12[%add3A_180, %dma_start3A_201] : memref<124x128xi32, #tpu.memory_space<vmem>> -> memref<1x128xi32, #tpu.memory_space<vmem>>
        %dma_start3A_203 = tpu.memref_squeeze %dma_start3A_202 : memref<1x128xi32, #tpu.memory_space<vmem>> -> memref<128xi32, #tpu.memory_space<vmem>>
        %dma_start3A_204 = arith.constant 0 : i32
        %dma_start3A_205 = arith.constant 0 : i32
        %dma_start3A_206 = tpu.memref_slice %arg3[%dma_start3A_204, %dma_start3A_205] : memref<10000x16xf32, #tpu.memory_space<hbm>> -> memref<10000x16xf32, #tpu.memory_space<hbm>>
        %dma_start3A_207 = tpu.memref_slice %arg14[%dma_start3A_196] : memref<2x!tpu.dma_semaphore, #tpu.memory_space<semaphore_mem>> -> memref<1x!tpu.dma_semaphore, #tpu.memory_space<semaphore_mem>>
        %dma_start3A_208 = tpu.memref_squeeze %dma_start3A_207 : memref<1x!tpu.dma_semaphore, #tpu.memory_space<semaphore_mem>> -> memref<!tpu.dma_semaphore, #tpu.memory_space<semaphore_mem>>
        tpu.enqueue_indirect_dma source(%dma_start3A_206 : memref<10000x16xf32, #tpu.memory_space<hbm>>) target(%dma_start3A_200 : memref<128x16xf32, #tpu.memory_space<vmem>>) offsets(%dma_start3A_203 : memref<128xi32, #tpu.memory_space<vmem>>) semaphore(%dma_start3A_208 : memref<!tpu.dma_semaphore, #tpu.memory_space<semaphore_mem>>)
      } else {
      }
      %dma_wait3A = arith.constant 0 : i32
      %dma_wait3A_109 = arith.constant 0 : i32
      %dma_wait3A_110 = arith.constant 0 : i32
      %dma_wait3A_111 = arith.constant 0 : i32
      %dma_wait3A_112 = tpu.memref_slice %arg8[%dma_wait3A, %dma_wait3A_110, %dma_wait3A_111] : memref<2x128x96xbf16, #tpu.memory_space<vmem>> -> memref<1x128x96xbf16, #tpu.memory_space<vmem>>
      %dma_wait3A_113 = tpu.memref_squeeze %dma_wait3A_112 : memref<1x128x96xbf16, #tpu.memory_space<vmem>> -> memref<128x96xbf16, #tpu.memory_space<vmem>>
      %dma_wait3A_114 = arith.constant 0 : i32
      %dma_wait3A_115 = tpu.memref_slice %arg11[%add3A_103, %dma_wait3A_114] : memref<124x128xi32, #tpu.memory_space<vmem>> -> memref<1x128xi32, #tpu.memory_space<vmem>>
      %dma_wait3A_116 = tpu.memref_squeeze %dma_wait3A_115 : memref<1x128xi32, #tpu.memory_space<vmem>> -> memref<128xi32, #tpu.memory_space<vmem>>
      %dma_wait3A_117 = arith.constant 0 : i32
      %dma_wait3A_118 = arith.constant 0 : i32
      %dma_wait3A_119 = tpu.memref_slice %arg2[%dma_wait3A_117, %dma_wait3A_118] : memref<10000x96xbf16, #tpu.memory_space<hbm>> -> memref<10000x96xbf16, #tpu.memory_space<hbm>>
      %dma_wait3A_120 = tpu.memref_slice %arg13[%dma_wait3A_109] : memref<2x!tpu.dma_semaphore, #tpu.memory_space<semaphore_mem>> -> memref<1x!tpu.dma_semaphore, #tpu.memory_space<semaphore_mem>>
      %dma_wait3A_121 = tpu.memref_squeeze %dma_wait3A_120 : memref<1x!tpu.dma_semaphore, #tpu.memory_space<semaphore_mem>> -> memref<!tpu.dma_semaphore, #tpu.memory_space<semaphore_mem>>
      tpu.wait_indirect_dma semaphore(%dma_wait3A_121 : memref<!tpu.dma_semaphore, #tpu.memory_space<semaphore_mem>>) src(%dma_wait3A_119 : memref<10000x96xbf16, #tpu.memory_space<hbm>>) dst(%dma_wait3A_113 : memref<128x96xbf16, #tpu.memory_space<vmem>>)
      %dma_wait3A_122 = arith.constant 0 : i32
      %dma_wait3A_123 = arith.constant 0 : i32
      %dma_wait3A_124 = arith.constant 0 : i32
      %dma_wait3A_125 = arith.constant 0 : i32
      %dma_wait3A_126 = tpu.memref_slice %arg9[%dma_wait3A_122, %dma_wait3A_124, %dma_wait3A_125] : memref<2x128x16xf32, #tpu.memory_space<vmem>> -> memref<1x128x16xf32, #tpu.memory_space<vmem>>
      %dma_wait3A_127 = tpu.memref_squeeze %dma_wait3A_126 : memref<1x128x16xf32, #tpu.memory_space<vmem>> -> memref<128x16xf32, #tpu.memory_space<vmem>>
      %dma_wait3A_128 = arith.constant 0 : i32
      %dma_wait3A_129 = tpu.memref_slice %arg12[%add3A_103, %dma_wait3A_128] : memref<124x128xi32, #tpu.memory_space<vmem>> -> memref<1x128xi32, #tpu.memory_space<vmem>>
      %dma_wait3A_130 = tpu.memref_squeeze %dma_wait3A_129 : memref<1x128xi32, #tpu.memory_space<vmem>> -> memref<128xi32, #tpu.memory_space<vmem>>
      %dma_wait3A_131 = arith.constant 0 : i32
      %dma_wait3A_132 = arith.constant 0 : i32
      %dma_wait3A_133 = tpu.memref_slice %arg3[%dma_wait3A_131, %dma_wait3A_132] : memref<10000x16xf32, #tpu.memory_space<hbm>> -> memref<10000x16xf32, #tpu.memory_space<hbm>>
      %dma_wait3A_134 = tpu.memref_slice %arg14[%dma_wait3A_123] : memref<2x!tpu.dma_semaphore, #tpu.memory_space<semaphore_mem>> -> memref<1x!tpu.dma_semaphore, #tpu.memory_space<semaphore_mem>>
      %dma_wait3A_135 = tpu.memref_squeeze %dma_wait3A_134 : memref<1x!tpu.dma_semaphore, #tpu.memory_space<semaphore_mem>> -> memref<!tpu.dma_semaphore, #tpu.memory_space<semaphore_mem>>
      tpu.wait_indirect_dma semaphore(%dma_wait3A_135 : memref<!tpu.dma_semaphore, #tpu.memory_space<semaphore_mem>>) src(%dma_wait3A_133 : memref<10000x16xf32, #tpu.memory_space<hbm>>) dst(%dma_wait3A_127 : memref<128x16xf32, #tpu.memory_space<vmem>>)
      %parallel_loop3A = arith.constant 0 : i32
      %parallel_loop3A_136 = arith.constant 128 : i32
      %parallel_loop3A_137 = arith.constant 1 : i32
      scf.for %parallel_loop3A_179 = %parallel_loop3A to %parallel_loop3A_136 step %parallel_loop3A_137  : i32 {
        %parallel_loop3A_180 = arith.constant 0 : i32
        %parallel_loop3A_181 = arith.index_cast %parallel_loop3A_180 : i32 to index
        %parallel_loop3A_182 = arith.index_cast %parallel_loop3A_179 : i32 to index
        %parallel_loop3A_183 = arith.constant 64 : index
        %parallel_loop3A_184 = tpu.vector_load %arg8[%parallel_loop3A_181, %parallel_loop3A_182, %parallel_loop3A_183] {strides = array<i32>} : memref<2x128x96xbf16, #tpu.memory_space<vmem>>, vector<32xbf16>,
        %parallel_loop3A_185 = tpu.unpack_subelements %parallel_loop3A_184, 0 {pack_format = #tpu.pack_format<interleaved>} : vector<32xbf16> -> vector<16xf32>
        %parallel_loop3A_186 = tpu.unpack_subelements %parallel_loop3A_184, 1 {pack_format = #tpu.pack_format<interleaved>} : vector<32xbf16> -> vector<16xf32>
        %parallel_loop3A_187 = arith.constant 0 : i32
        %parallel_loop3A_188 = arith.index_cast %parallel_loop3A_187 : i32 to index
        %parallel_loop3A_189 = arith.index_cast %parallel_loop3A_179 : i32 to index
        %parallel_loop3A_190 = arith.constant 0 : index
        %parallel_loop3A_191 = tpu.vector_load %arg9[%parallel_loop3A_188, %parallel_loop3A_189, %parallel_loop3A_190] {strides = array<i32>} : memref<2x128x16xf32, #tpu.memory_space<vmem>>, vector<16xf32>,
        %parallel_loop3A_192 = arith.addf %parallel_loop3A_185, %parallel_loop3A_191 : vector<16xf32>
        %parallel_loop3A_193 = arith.constant 2.000000e-01 : f32
        %parallel_loop3A_194 = vector.broadcast %parallel_loop3A_193 : f32 to vector<16xf32>
        %parallel_loop3A_195 = arith.mulf %parallel_loop3A_192, %parallel_loop3A_194 : vector<16xf32>
        %parallel_loop3A_196 = arith.maximumf %parallel_loop3A_192, %parallel_loop3A_195 : vector<16xf32>
        %parallel_loop3A_197 = math.exp %parallel_loop3A_196 : vector<16xf32>
        %parallel_loop3A_198 = arith.constant 0 : i32
        %parallel_loop3A_199 = arith.index_cast %parallel_loop3A_198 : i32 to index
        %parallel_loop3A_200 = arith.index_cast %parallel_loop3A_179 : i32 to index
        %parallel_loop3A_201 = arith.constant 0 : index
        %parallel_loop3A_202 = tpu.vector_load %arg8[%parallel_loop3A_199, %parallel_loop3A_200, %parallel_loop3A_201] {strides = array<i32>} : memref<2x128x96xbf16, #tpu.memory_space<vmem>>, vector<32xbf16>,
        %parallel_loop3A_203 = tpu.unpack_subelements %parallel_loop3A_202, 0 {pack_format = #tpu.pack_format<interleaved>} : vector<32xbf16> -> vector<16xf32>
        %parallel_loop3A_204 = tpu.unpack_subelements %parallel_loop3A_202, 1 {pack_format = #tpu.pack_format<interleaved>} : vector<32xbf16> -> vector<16xf32>
        %parallel_loop3A_205 = arith.mulf %parallel_loop3A_197, %parallel_loop3A_203 : vector<16xf32>
        %parallel_loop3A_206 = arith.index_cast %parallel_loop3A_179 : i32 to index
        %parallel_loop3A_207 = arith.constant 0 : index
        %parallel_loop3A_208 = tpu.vector_load %arg10[%parallel_loop3A_206, %parallel_loop3A_207] {strides = array<i32>} : memref<128x80xf32, #tpu.memory_space<vmem>>, vector<16xf32>,
        tpu.vector_store %arg10[%parallel_loop3A_206, %parallel_loop3A_207], %parallel_loop3A_205 {strides = array<i32>} : memref<128x80xf32, #tpu.memory_space<vmem>>, vector<16xf32>,
        %parallel_loop3A_209 = arith.mulf %parallel_loop3A_197, %parallel_loop3A_204 : vector<16xf32>
        %parallel_loop3A_210 = arith.index_cast %parallel_loop3A_179 : i32 to index
        %parallel_loop3A_211 = arith.constant 16 : index
        %parallel_loop3A_212 = tpu.vector_load %arg10[%parallel_loop3A_210, %parallel_loop3A_211] {strides = array<i32>} : memref<128x80xf32, #tpu.memory_space<vmem>>, vector<16xf32>,
        tpu.vector_store %arg10[%parallel_loop3A_210, %parallel_loop3A_211], %parallel_loop3A_209 {strides = array<i32>} : memref<128x80xf32, #tpu.memory_space<vmem>>, vector<16xf32>,
        %parallel_loop3A_213 = arith.constant 0 : i32
        %parallel_loop3A_214 = arith.index_cast %parallel_loop3A_213 : i32 to index
        %parallel_loop3A_215 = arith.index_cast %parallel_loop3A_179 : i32 to index
        %parallel_loop3A_216 = arith.constant 32 : index
        %parallel_loop3A_217 = tpu.vector_load %arg8[%parallel_loop3A_214, %parallel_loop3A_215, %parallel_loop3A_216] {strides = array<i32>} : memref<2x128x96xbf16, #tpu.memory_space<vmem>>, vector<32xbf16>,
        %parallel_loop3A_218 = tpu.unpack_subelements %parallel_loop3A_217, 0 {pack_format = #tpu.pack_format<interleaved>} : vector<32xbf16> -> vector<16xf32>
        %parallel_loop3A_219 = tpu.unpack_subelements %parallel_loop3A_217, 1 {pack_format = #tpu.pack_format<interleaved>} : vector<32xbf16> -> vector<16xf32>
        %parallel_loop3A_220 = arith.mulf %parallel_loop3A_197, %parallel_loop3A_218 : vector<16xf32>
        %parallel_loop3A_221 = arith.index_cast %parallel_loop3A_179 : i32 to index
        %parallel_loop3A_222 = arith.constant 32 : index
        %parallel_loop3A_223 = tpu.vector_load %arg10[%parallel_loop3A_221, %parallel_loop3A_222] {strides = array<i32>} : memref<128x80xf32, #tpu.memory_space<vmem>>, vector<16xf32>,
        tpu.vector_store %arg10[%parallel_loop3A_221, %parallel_loop3A_222], %parallel_loop3A_220 {strides = array<i32>} : memref<128x80xf32, #tpu.memory_space<vmem>>, vector<16xf32>,
        %parallel_loop3A_224 = arith.mulf %parallel_loop3A_197, %parallel_loop3A_219 : vector<16xf32>
        %parallel_loop3A_225 = arith.index_cast %parallel_loop3A_179 : i32 to index
        %parallel_loop3A_226 = arith.constant 48 : index
        %parallel_loop3A_227 = tpu.vector_load %arg10[%parallel_loop3A_225, %parallel_loop3A_226] {strides = array<i32>} : memref<128x80xf32, #tpu.memory_space<vmem>>, vector<16xf32>,
        tpu.vector_store %arg10[%parallel_loop3A_225, %parallel_loop3A_226], %parallel_loop3A_224 {strides = array<i32>} : memref<128x80xf32, #tpu.memory_space<vmem>>, vector<16xf32>,
        %parallel_loop3A_228 = arith.index_cast %parallel_loop3A_179 : i32 to index
        %parallel_loop3A_229 = arith.constant 64 : index
        %parallel_loop3A_230 = tpu.vector_load %arg10[%parallel_loop3A_228, %parallel_loop3A_229] {strides = array<i32>} : memref<128x80xf32, #tpu.memory_space<vmem>>, vector<16xf32>,
        tpu.vector_store %arg10[%parallel_loop3A_228, %parallel_loop3A_229], %parallel_loop3A_197 {strides = array<i32>} : memref<128x80xf32, #tpu.memory_space<vmem>>, vector<16xf32>,
      } {sc.loop_unroll_factor = 4 : i64, sc.parallel_access}
      "tpu.region"() ({
        %run_scoped3A = tpu.sem_alloc : memref<!tpu.dma_semaphore, #tpu.memory_space<semaphore_mem>>
        %dma_start3A_179 = arith.constant 0 : i32
        %dma_start3A_180 = tpu.memref_slice %arg12[%add3A_103, %dma_start3A_179] : memref<124x128xi32, #tpu.memory_space<vmem>> -> memref<1x128xi32, #tpu.memory_space<vmem>>
        %dma_start3A_181 = tpu.memref_squeeze %dma_start3A_180 : memref<1x128xi32, #tpu.memory_space<vmem>> -> memref<128xi32, #tpu.memory_space<vmem>>
        %dma_start3A_182 = arith.constant 0 : i32
        %dma_start3A_183 = arith.constant 0 : i32
        %dma_start3A_184 = tpu.memref_slice %arg7[%dma_start3A_182, %dma_start3A_183] : memref<10112x80xf32, #tpu.memory_space<vmem_shared>> -> memref<10112x80xf32, #tpu.memory_space<vmem_shared>>
        tpu.enqueue_indirect_dma source(%arg10 : memref<128x80xf32, #tpu.memory_space<vmem>>) target(%dma_start3A_184 : memref<10112x80xf32, #tpu.memory_space<vmem_shared>>) offsets(%dma_start3A_181 : memref<128xi32, #tpu.memory_space<vmem>>) semaphore(%run_scoped3A : memref<!tpu.dma_semaphore, #tpu.memory_space<semaphore_mem>>) {add = true}
        %dma_wait3A_185 = arith.constant 0 : i32
        %dma_wait3A_186 = tpu.memref_slice %arg12[%add3A_103, %dma_wait3A_185] : memref<124x128xi32, #tpu.memory_space<vmem>> -> memref<1x128xi32, #tpu.memory_space<vmem>>
        %dma_wait3A_187 = tpu.memref_squeeze %dma_wait3A_186 : memref<1x128xi32, #tpu.memory_space<vmem>> -> memref<128xi32, #tpu.memory_space<vmem>>
        %dma_wait3A_188 = arith.constant 0 : i32
        %dma_wait3A_189 = arith.constant 0 : i32
        %dma_wait3A_190 = tpu.memref_slice %arg7[%dma_wait3A_188, %dma_wait3A_189] : memref<10112x80xf32, #tpu.memory_space<vmem_shared>> -> memref<10112x80xf32, #tpu.memory_space<vmem_shared>>
        tpu.wait_indirect_dma semaphore(%run_scoped3A : memref<!tpu.dma_semaphore, #tpu.memory_space<semaphore_mem>>) src(%arg10 : memref<128x80xf32, #tpu.memory_space<vmem>>) dst(%dma_wait3A_190 : memref<10112x80xf32, #tpu.memory_space<vmem_shared>>)
        tpu.yield
      }) : () -> ()
      %mul3A_138 = arith.constant 2 : i32
      %mul3A_139 = arith.muli %mul3A_138, %while3A_99 : i32
      %add3A_140 = arith.constant 1 : i32
      %add3A_141 = arith.addi %mul3A_139, %add3A_140 : i32
      %add3A_142 = arith.constant 1 : i32
      %add3A_143 = arith.addi %add3A_141, %add3A_142 : i32
      %lt3A_144 = arith.cmpi slt, %add3A_143, %select_n3A : i32
      %convert_element_type3A_145 = arith.extui %lt3A_144 : i1 to i32
      %cond3A_146 = arith.constant 0 : i32
      %cond3A_147 = arith.cmpi ne, %convert_element_type3A_145, %cond3A_146 : i32
      scf.if %cond3A_147 {
        %add3A_179 = arith.constant 1 : i32
        %add3A_180 = arith.addi %add3A_141, %add3A_179 : i32
        %dma_start3A_181 = arith.constant 0 : i32
        %dma_start3A_182 = arith.constant 0 : i32
        %dma_start3A_183 = arith.constant 0 : i32
        %dma_start3A_184 = arith.constant 0 : i32
        %dma_start3A_185 = tpu.memref_slice %arg8[%dma_start3A_181, %dma_start3A_183, %dma_start3A_184] : memref<2x128x96xbf16, #tpu.memory_space<vmem>> -> memref<1x128x96xbf16, #tpu.memory_space<vmem>>
        %dma_start3A_186 = tpu.memref_squeeze %dma_start3A_185 : memref<1x128x96xbf16, #tpu.memory_space<vmem>> -> memref<128x96xbf16, #tpu.memory_space<vmem>>
        %dma_start3A_187 = arith.constant 0 : i32
        %dma_start3A_188 = tpu.memref_slice %arg11[%add3A_180, %dma_start3A_187] : memref<124x128xi32, #tpu.memory_space<vmem>> -> memref<1x128xi32, #tpu.memory_space<vmem>>
        %dma_start3A_189 = tpu.memref_squeeze %dma_start3A_188 : memref<1x128xi32, #tpu.memory_space<vmem>> -> memref<128xi32, #tpu.memory_space<vmem>>
        %dma_start3A_190 = arith.constant 0 : i32
        %dma_start3A_191 = arith.constant 0 : i32
        %dma_start3A_192 = tpu.memref_slice %arg2[%dma_start3A_190, %dma_start3A_191] : memref<10000x96xbf16, #tpu.memory_space<hbm>> -> memref<10000x96xbf16, #tpu.memory_space<hbm>>
        %dma_start3A_193 = tpu.memref_slice %arg13[%dma_start3A_182] : memref<2x!tpu.dma_semaphore, #tpu.memory_space<semaphore_mem>> -> memref<1x!tpu.dma_semaphore, #tpu.memory_space<semaphore_mem>>
        %dma_start3A_194 = tpu.memref_squeeze %dma_start3A_193 : memref<1x!tpu.dma_semaphore, #tpu.memory_space<semaphore_mem>> -> memref<!tpu.dma_semaphore, #tpu.memory_space<semaphore_mem>>
        tpu.enqueue_indirect_dma source(%dma_start3A_192 : memref<10000x96xbf16, #tpu.memory_space<hbm>>) target(%dma_start3A_186 : memref<128x96xbf16, #tpu.memory_space<vmem>>) offsets(%dma_start3A_189 : memref<128xi32, #tpu.memory_space<vmem>>) semaphore(%dma_start3A_194 : memref<!tpu.dma_semaphore, #tpu.memory_space<semaphore_mem>>)
        %dma_start3A_195 = arith.constant 0 : i32
        %dma_start3A_196 = arith.constant 0 : i32
        %dma_start3A_197 = arith.constant 0 : i32
        %dma_start3A_198 = arith.constant 0 : i32
        %dma_start3A_199 = tpu.memref_slice %arg9[%dma_start3A_195, %dma_start3A_197, %dma_start3A_198] : memref<2x128x16xf32, #tpu.memory_space<vmem>> -> memref<1x128x16xf32, #tpu.memory_space<vmem>>
        %dma_start3A_200 = tpu.memref_squeeze %dma_start3A_199 : memref<1x128x16xf32, #tpu.memory_space<vmem>> -> memref<128x16xf32, #tpu.memory_space<vmem>>
        %dma_start3A_201 = arith.constant 0 : i32
        %dma_start3A_202 = tpu.memref_slice %arg12[%add3A_180, %dma_start3A_201] : memref<124x128xi32, #tpu.memory_space<vmem>> -> memref<1x128xi32, #tpu.memory_space<vmem>>
        %dma_start3A_203 = tpu.memref_squeeze %dma_start3A_202 : memref<1x128xi32, #tpu.memory_space<vmem>> -> memref<128xi32, #tpu.memory_space<vmem>>
        %dma_start3A_204 = arith.constant 0 : i32
        %dma_start3A_205 = arith.constant 0 : i32
        %dma_start3A_206 = tpu.memref_slice %arg3[%dma_start3A_204, %dma_start3A_205] : memref<10000x16xf32, #tpu.memory_space<hbm>> -> memref<10000x16xf32, #tpu.memory_space<hbm>>
        %dma_start3A_207 = tpu.memref_slice %arg14[%dma_start3A_196] : memref<2x!tpu.dma_semaphore, #tpu.memory_space<semaphore_mem>> -> memref<1x!tpu.dma_semaphore, #tpu.memory_space<semaphore_mem>>
        %dma_start3A_208 = tpu.memref_squeeze %dma_start3A_207 : memref<1x!tpu.dma_semaphore, #tpu.memory_space<semaphore_mem>> -> memref<!tpu.dma_semaphore, #tpu.memory_space<semaphore_mem>>
        tpu.enqueue_indirect_dma source(%dma_start3A_206 : memref<10000x16xf32, #tpu.memory_space<hbm>>) target(%dma_start3A_200 : memref<128x16xf32, #tpu.memory_space<vmem>>) offsets(%dma_start3A_203 : memref<128xi32, #tpu.memory_space<vmem>>) semaphore(%dma_start3A_208 : memref<!tpu.dma_semaphore, #tpu.memory_space<semaphore_mem>>)
      } else {
      }
      %dma_wait3A_148 = arith.constant 1 : i32
      %dma_wait3A_149 = arith.constant 1 : i32
      %dma_wait3A_150 = arith.constant 0 : i32
      %dma_wait3A_151 = arith.constant 0 : i32
      %dma_wait3A_152 = tpu.memref_slice %arg8[%dma_wait3A_148, %dma_wait3A_150, %dma_wait3A_151] : memref<2x128x96xbf16, #tpu.memory_space<vmem>> -> memref<1x128x96xbf16, #tpu.memory_space<vmem>>
      %dma_wait3A_153 = tpu.memref_squeeze %dma_wait3A_152 : memref<1x128x96xbf16, #tpu.memory_space<vmem>> -> memref<128x96xbf16, #tpu.memory_space<vmem>>
      %dma_wait3A_154 = arith.constant 0 : i32
      %dma_wait3A_155 = tpu.memref_slice %arg11[%add3A_141, %dma_wait3A_154] : memref<124x128xi32, #tpu.memory_space<vmem>> -> memref<1x128xi32, #tpu.memory_space<vmem>>
      %dma_wait3A_156 = tpu.memref_squeeze %dma_wait3A_155 : memref<1x128xi32, #tpu.memory_space<vmem>> -> memref<128xi32, #tpu.memory_space<vmem>>
      %dma_wait3A_157 = arith.constant 0 : i32
      %dma_wait3A_158 = arith.constant 0 : i32
      %dma_wait3A_159 = tpu.memref_slice %arg2[%dma_wait3A_157, %dma_wait3A_158] : memref<10000x96xbf16, #tpu.memory_space<hbm>> -> memref<10000x96xbf16, #tpu.memory_space<hbm>>
      %dma_wait3A_160 = tpu.memref_slice %arg13[%dma_wait3A_149] : memref<2x!tpu.dma_semaphore, #tpu.memory_space<semaphore_mem>> -> memref<1x!tpu.dma_semaphore, #tpu.memory_space<semaphore_mem>>
      %dma_wait3A_161 = tpu.memref_squeeze %dma_wait3A_160 : memref<1x!tpu.dma_semaphore, #tpu.memory_space<semaphore_mem>> -> memref<!tpu.dma_semaphore, #tpu.memory_space<semaphore_mem>>
      tpu.wait_indirect_dma semaphore(%dma_wait3A_161 : memref<!tpu.dma_semaphore, #tpu.memory_space<semaphore_mem>>) src(%dma_wait3A_159 : memref<10000x96xbf16, #tpu.memory_space<hbm>>) dst(%dma_wait3A_153 : memref<128x96xbf16, #tpu.memory_space<vmem>>)
      %dma_wait3A_162 = arith.constant 1 : i32
      %dma_wait3A_163 = arith.constant 1 : i32
      %dma_wait3A_164 = arith.constant 0 : i32
      %dma_wait3A_165 = arith.constant 0 : i32
      %dma_wait3A_166 = tpu.memref_slice %arg9[%dma_wait3A_162, %dma_wait3A_164, %dma_wait3A_165] : memref<2x128x16xf32, #tpu.memory_space<vmem>> -> memref<1x128x16xf32, #tpu.memory_space<vmem>>
      %dma_wait3A_167 = tpu.memref_squeeze %dma_wait3A_166 : memref<1x128x16xf32, #tpu.memory_space<vmem>> -> memref<128x16xf32, #tpu.memory_space<vmem>>
      %dma_wait3A_168 = arith.constant 0 : i32
      %dma_wait3A_169 = tpu.memref_slice %arg12[%add3A_141, %dma_wait3A_168] : memref<124x128xi32, #tpu.memory_space<vmem>> -> memref<1x128xi32, #tpu.memory_space<vmem>>
      %dma_wait3A_170 = tpu.memref_squeeze %dma_wait3A_169 : memref<1x128xi32, #tpu.memory_space<vmem>> -> memref<128xi32, #tpu.memory_space<vmem>>
      %dma_wait3A_171 = arith.constant 0 : i32
      %dma_wait3A_172 = arith.constant 0 : i32
      %dma_wait3A_173 = tpu.memref_slice %arg3[%dma_wait3A_171, %dma_wait3A_172] : memref<10000x16xf32, #tpu.memory_space<hbm>> -> memref<10000x16xf32, #tpu.memory_space<hbm>>
      %dma_wait3A_174 = tpu.memref_slice %arg14[%dma_wait3A_163] : memref<2x!tpu.dma_semaphore, #tpu.memory_space<semaphore_mem>> -> memref<1x!tpu.dma_semaphore, #tpu.memory_space<semaphore_mem>>
      %dma_wait3A_175 = tpu.memref_squeeze %dma_wait3A_174 : memref<1x!tpu.dma_semaphore, #tpu.memory_space<semaphore_mem>> -> memref<!tpu.dma_semaphore, #tpu.memory_space<semaphore_mem>>
      tpu.wait_indirect_dma semaphore(%dma_wait3A_175 : memref<!tpu.dma_semaphore, #tpu.memory_space<semaphore_mem>>) src(%dma_wait3A_173 : memref<10000x16xf32, #tpu.memory_space<hbm>>) dst(%dma_wait3A_167 : memref<128x16xf32, #tpu.memory_space<vmem>>)
      %parallel_loop3A_176 = arith.constant 0 : i32
      %parallel_loop3A_177 = arith.constant 128 : i32
      %parallel_loop3A_178 = arith.constant 1 : i32
      scf.for %parallel_loop3A_179 = %parallel_loop3A_176 to %parallel_loop3A_177 step %parallel_loop3A_178  : i32 {
        %parallel_loop3A_180 = arith.constant 1 : i32
        %parallel_loop3A_181 = arith.index_cast %parallel_loop3A_180 : i32 to index
        %parallel_loop3A_182 = arith.index_cast %parallel_loop3A_179 : i32 to index
        %parallel_loop3A_183 = arith.constant 64 : index
        %parallel_loop3A_184 = tpu.vector_load %arg8[%parallel_loop3A_181, %parallel_loop3A_182, %parallel_loop3A_183] {strides = array<i32>} : memref<2x128x96xbf16, #tpu.memory_space<vmem>>, vector<32xbf16>,
        %parallel_loop3A_185 = tpu.unpack_subelements %parallel_loop3A_184, 0 {pack_format = #tpu.pack_format<interleaved>} : vector<32xbf16> -> vector<16xf32>
        %parallel_loop3A_186 = tpu.unpack_subelements %parallel_loop3A_184, 1 {pack_format = #tpu.pack_format<interleaved>} : vector<32xbf16> -> vector<16xf32>
        %parallel_loop3A_187 = arith.constant 1 : i32
        %parallel_loop3A_188 = arith.index_cast %parallel_loop3A_187 : i32 to index
        %parallel_loop3A_189 = arith.index_cast %parallel_loop3A_179 : i32 to index
        %parallel_loop3A_190 = arith.constant 0 : index
        %parallel_loop3A_191 = tpu.vector_load %arg9[%parallel_loop3A_188, %parallel_loop3A_189, %parallel_loop3A_190] {strides = array<i32>} : memref<2x128x16xf32, #tpu.memory_space<vmem>>, vector<16xf32>,
        %parallel_loop3A_192 = arith.addf %parallel_loop3A_185, %parallel_loop3A_191 : vector<16xf32>
        %parallel_loop3A_193 = arith.constant 2.000000e-01 : f32
        %parallel_loop3A_194 = vector.broadcast %parallel_loop3A_193 : f32 to vector<16xf32>
        %parallel_loop3A_195 = arith.mulf %parallel_loop3A_192, %parallel_loop3A_194 : vector<16xf32>
        %parallel_loop3A_196 = arith.maximumf %parallel_loop3A_192, %parallel_loop3A_195 : vector<16xf32>
        %parallel_loop3A_197 = math.exp %parallel_loop3A_196 : vector<16xf32>
        %parallel_loop3A_198 = arith.constant 1 : i32
        %parallel_loop3A_199 = arith.index_cast %parallel_loop3A_198 : i32 to index
        %parallel_loop3A_200 = arith.index_cast %parallel_loop3A_179 : i32 to index
        %parallel_loop3A_201 = arith.constant 0 : index
        %parallel_loop3A_202 = tpu.vector_load %arg8[%parallel_loop3A_199, %parallel_loop3A_200, %parallel_loop3A_201] {strides = array<i32>} : memref<2x128x96xbf16, #tpu.memory_space<vmem>>, vector<32xbf16>,
        %parallel_loop3A_203 = tpu.unpack_subelements %parallel_loop3A_202, 0 {pack_format = #tpu.pack_format<interleaved>} : vector<32xbf16> -> vector<16xf32>
        %parallel_loop3A_204 = tpu.unpack_subelements %parallel_loop3A_202, 1 {pack_format = #tpu.pack_format<interleaved>} : vector<32xbf16> -> vector<16xf32>
        %parallel_loop3A_205 = arith.mulf %parallel_loop3A_197, %parallel_loop3A_203 : vector<16xf32>
        %parallel_loop3A_206 = arith.index_cast %parallel_loop3A_179 : i32 to index
        %parallel_loop3A_207 = arith.constant 0 : index
        %parallel_loop3A_208 = tpu.vector_load %arg10[%parallel_loop3A_206, %parallel_loop3A_207] {strides = array<i32>} : memref<128x80xf32, #tpu.memory_space<vmem>>, vector<16xf32>,
        tpu.vector_store %arg10[%parallel_loop3A_206, %parallel_loop3A_207], %parallel_loop3A_205 {strides = array<i32>} : memref<128x80xf32, #tpu.memory_space<vmem>>, vector<16xf32>,
        %parallel_loop3A_209 = arith.mulf %parallel_loop3A_197, %parallel_loop3A_204 : vector<16xf32>
        %parallel_loop3A_210 = arith.index_cast %parallel_loop3A_179 : i32 to index
        %parallel_loop3A_211 = arith.constant 16 : index
        %parallel_loop3A_212 = tpu.vector_load %arg10[%parallel_loop3A_210, %parallel_loop3A_211] {strides = array<i32>} : memref<128x80xf32, #tpu.memory_space<vmem>>, vector<16xf32>,
        tpu.vector_store %arg10[%parallel_loop3A_210, %parallel_loop3A_211], %parallel_loop3A_209 {strides = array<i32>} : memref<128x80xf32, #tpu.memory_space<vmem>>, vector<16xf32>,
        %parallel_loop3A_213 = arith.constant 1 : i32
        %parallel_loop3A_214 = arith.index_cast %parallel_loop3A_213 : i32 to index
        %parallel_loop3A_215 = arith.index_cast %parallel_loop3A_179 : i32 to index
        %parallel_loop3A_216 = arith.constant 32 : index
        %parallel_loop3A_217 = tpu.vector_load %arg8[%parallel_loop3A_214, %parallel_loop3A_215, %parallel_loop3A_216] {strides = array<i32>} : memref<2x128x96xbf16, #tpu.memory_space<vmem>>, vector<32xbf16>,
        %parallel_loop3A_218 = tpu.unpack_subelements %parallel_loop3A_217, 0 {pack_format = #tpu.pack_format<interleaved>} : vector<32xbf16> -> vector<16xf32>
        %parallel_loop3A_219 = tpu.unpack_subelements %parallel_loop3A_217, 1 {pack_format = #tpu.pack_format<interleaved>} : vector<32xbf16> -> vector<16xf32>
        %parallel_loop3A_220 = arith.mulf %parallel_loop3A_197, %parallel_loop3A_218 : vector<16xf32>
        %parallel_loop3A_221 = arith.index_cast %parallel_loop3A_179 : i32 to index
        %parallel_loop3A_222 = arith.constant 32 : index
        %parallel_loop3A_223 = tpu.vector_load %arg10[%parallel_loop3A_221, %parallel_loop3A_222] {strides = array<i32>} : memref<128x80xf32, #tpu.memory_space<vmem>>, vector<16xf32>,
        tpu.vector_store %arg10[%parallel_loop3A_221, %parallel_loop3A_222], %parallel_loop3A_220 {strides = array<i32>} : memref<128x80xf32, #tpu.memory_space<vmem>>, vector<16xf32>,
        %parallel_loop3A_224 = arith.mulf %parallel_loop3A_197, %parallel_loop3A_219 : vector<16xf32>
        %parallel_loop3A_225 = arith.index_cast %parallel_loop3A_179 : i32 to index
        %parallel_loop3A_226 = arith.constant 48 : index
        %parallel_loop3A_227 = tpu.vector_load %arg10[%parallel_loop3A_225, %parallel_loop3A_226] {strides = array<i32>} : memref<128x80xf32, #tpu.memory_space<vmem>>, vector<16xf32>,
        tpu.vector_store %arg10[%parallel_loop3A_225, %parallel_loop3A_226], %parallel_loop3A_224 {strides = array<i32>} : memref<128x80xf32, #tpu.memory_space<vmem>>, vector<16xf32>,
        %parallel_loop3A_228 = arith.index_cast %parallel_loop3A_179 : i32 to index
        %parallel_loop3A_229 = arith.constant 64 : index
        %parallel_loop3A_230 = tpu.vector_load %arg10[%parallel_loop3A_228, %parallel_loop3A_229] {strides = array<i32>} : memref<128x80xf32, #tpu.memory_space<vmem>>, vector<16xf32>,
        tpu.vector_store %arg10[%parallel_loop3A_228, %parallel_loop3A_229], %parallel_loop3A_197 {strides = array<i32>} : memref<128x80xf32, #tpu.memory_space<vmem>>, vector<16xf32>,
      } {sc.loop_unroll_factor = 4 : i64, sc.parallel_access}
      "tpu.region"() ({
        %run_scoped3A = tpu.sem_alloc : memref<!tpu.dma_semaphore, #tpu.memory_space<semaphore_mem>>
        %dma_start3A_179 = arith.constant 0 : i32
        %dma_start3A_180 = tpu.memref_slice %arg12[%add3A_141, %dma_start3A_179] : memref<124x128xi32, #tpu.memory_space<vmem>> -> memref<1x128xi32, #tpu.memory_space<vmem>>
        %dma_start3A_181 = tpu.memref_squeeze %dma_start3A_180 : memref<1x128xi32, #tpu.memory_space<vmem>> -> memref<128xi32, #tpu.memory_space<vmem>>
        %dma_start3A_182 = arith.constant 0 : i32
        %dma_start3A_183 = arith.constant 0 : i32
        %dma_start3A_184 = tpu.memref_slice %arg7[%dma_start3A_182, %dma_start3A_183] : memref<10112x80xf32, #tpu.memory_space<vmem_shared>> -> memref<10112x80xf32, #tpu.memory_space<vmem_shared>>
        tpu.enqueue_indirect_dma source(%arg10 : memref<128x80xf32, #tpu.memory_space<vmem>>) target(%dma_start3A_184 : memref<10112x80xf32, #tpu.memory_space<vmem_shared>>) offsets(%dma_start3A_181 : memref<128xi32, #tpu.memory_space<vmem>>) semaphore(%run_scoped3A : memref<!tpu.dma_semaphore, #tpu.memory_space<semaphore_mem>>) {add = true}
        %dma_wait3A_185 = arith.constant 0 : i32
        %dma_wait3A_186 = tpu.memref_slice %arg12[%add3A_141, %dma_wait3A_185] : memref<124x128xi32, #tpu.memory_space<vmem>> -> memref<1x128xi32, #tpu.memory_space<vmem>>
        %dma_wait3A_187 = tpu.memref_squeeze %dma_wait3A_186 : memref<1x128xi32, #tpu.memory_space<vmem>> -> memref<128xi32, #tpu.memory_space<vmem>>
        %dma_wait3A_188 = arith.constant 0 : i32
        %dma_wait3A_189 = arith.constant 0 : i32
        %dma_wait3A_190 = tpu.memref_slice %arg7[%dma_wait3A_188, %dma_wait3A_189] : memref<10112x80xf32, #tpu.memory_space<vmem_shared>> -> memref<10112x80xf32, #tpu.memory_space<vmem_shared>>
        tpu.wait_indirect_dma semaphore(%run_scoped3A : memref<!tpu.dma_semaphore, #tpu.memory_space<semaphore_mem>>) src(%arg10 : memref<128x80xf32, #tpu.memory_space<vmem>>) dst(%dma_wait3A_190 : memref<10112x80xf32, #tpu.memory_space<vmem_shared>>)
        tpu.yield
      }) : () -> ()
    }
    %while3A_93 = arith.constant 1 : i32
    scf.for %while3A_99 = %while3A_91 to %while3A_87 step %while3A_93  : i32 {
      %mul3A_100 = arith.constant 2 : i32
      %mul3A_101 = arith.muli %mul3A_100, %while3A_99 : i32
      %add3A_102 = arith.constant 0 : i32
      %add3A_103 = arith.addi %mul3A_101, %add3A_102 : i32
      %add3A_104 = arith.constant 1 : i32
      %add3A_105 = arith.addi %add3A_103, %add3A_104 : i32
      %lt3A = arith.cmpi slt, %add3A_105, %select_n3A : i32
      %convert_element_type3A_106 = arith.extui %lt3A : i1 to i32
      %cond3A_107 = arith.constant 0 : i32
      %cond3A_108 = arith.cmpi ne, %convert_element_type3A_106, %cond3A_107 : i32
      scf.if %cond3A_108 {
        %add3A_179 = arith.constant 1 : i32
        %add3A_180 = arith.addi %add3A_103, %add3A_179 : i32
        %dma_start3A_181 = arith.constant 1 : i32
        %dma_start3A_182 = arith.constant 1 : i32
        %dma_start3A_183 = arith.constant 0 : i32
        %dma_start3A_184 = arith.constant 0 : i32
        %dma_start3A_185 = tpu.memref_slice %arg8[%dma_start3A_181, %dma_start3A_183, %dma_start3A_184] : memref<2x128x96xbf16, #tpu.memory_space<vmem>> -> memref<1x128x96xbf16, #tpu.memory_space<vmem>>
        %dma_start3A_186 = tpu.memref_squeeze %dma_start3A_185 : memref<1x128x96xbf16, #tpu.memory_space<vmem>> -> memref<128x96xbf16, #tpu.memory_space<vmem>>
        %dma_start3A_187 = arith.constant 0 : i32
        %dma_start3A_188 = tpu.memref_slice %arg11[%add3A_180, %dma_start3A_187] : memref<124x128xi32, #tpu.memory_space<vmem>> -> memref<1x128xi32, #tpu.memory_space<vmem>>
        %dma_start3A_189 = tpu.memref_squeeze %dma_start3A_188 : memref<1x128xi32, #tpu.memory_space<vmem>> -> memref<128xi32, #tpu.memory_space<vmem>>
        %dma_start3A_190 = arith.constant 0 : i32
        %dma_start3A_191 = arith.constant 0 : i32
        %dma_start3A_192 = tpu.memref_slice %arg2[%dma_start3A_190, %dma_start3A_191] : memref<10000x96xbf16, #tpu.memory_space<hbm>> -> memref<10000x96xbf16, #tpu.memory_space<hbm>>
        %dma_start3A_193 = tpu.memref_slice %arg13[%dma_start3A_182] : memref<2x!tpu.dma_semaphore, #tpu.memory_space<semaphore_mem>> -> memref<1x!tpu.dma_semaphore, #tpu.memory_space<semaphore_mem>>
        %dma_start3A_194 = tpu.memref_squeeze %dma_start3A_193 : memref<1x!tpu.dma_semaphore, #tpu.memory_space<semaphore_mem>> -> memref<!tpu.dma_semaphore, #tpu.memory_space<semaphore_mem>>
        tpu.enqueue_indirect_dma source(%dma_start3A_192 : memref<10000x96xbf16, #tpu.memory_space<hbm>>) target(%dma_start3A_186 : memref<128x96xbf16, #tpu.memory_space<vmem>>) offsets(%dma_start3A_189 : memref<128xi32, #tpu.memory_space<vmem>>) semaphore(%dma_start3A_194 : memref<!tpu.dma_semaphore, #tpu.memory_space<semaphore_mem>>)
        %dma_start3A_195 = arith.constant 1 : i32
        %dma_start3A_196 = arith.constant 1 : i32
        %dma_start3A_197 = arith.constant 0 : i32
        %dma_start3A_198 = arith.constant 0 : i32
        %dma_start3A_199 = tpu.memref_slice %arg9[%dma_start3A_195, %dma_start3A_197, %dma_start3A_198] : memref<2x128x16xf32, #tpu.memory_space<vmem>> -> memref<1x128x16xf32, #tpu.memory_space<vmem>>
        %dma_start3A_200 = tpu.memref_squeeze %dma_start3A_199 : memref<1x128x16xf32, #tpu.memory_space<vmem>> -> memref<128x16xf32, #tpu.memory_space<vmem>>
        %dma_start3A_201 = arith.constant 0 : i32
        %dma_start3A_202 = tpu.memref_slice %arg12[%add3A_180, %dma_start3A_201] : memref<124x128xi32, #tpu.memory_space<vmem>> -> memref<1x128xi32, #tpu.memory_space<vmem>>
        %dma_start3A_203 = tpu.memref_squeeze %dma_start3A_202 : memref<1x128xi32, #tpu.memory_space<vmem>> -> memref<128xi32, #tpu.memory_space<vmem>>
        %dma_start3A_204 = arith.constant 0 : i32
        %dma_start3A_205 = arith.constant 0 : i32
        %dma_start3A_206 = tpu.memref_slice %arg3[%dma_start3A_204, %dma_start3A_205] : memref<10000x16xf32, #tpu.memory_space<hbm>> -> memref<10000x16xf32, #tpu.memory_space<hbm>>
        %dma_start3A_207 = tpu.memref_slice %arg14[%dma_start3A_196] : memref<2x!tpu.dma_semaphore, #tpu.memory_space<semaphore_mem>> -> memref<1x!tpu.dma_semaphore, #tpu.memory_space<semaphore_mem>>
        %dma_start3A_208 = tpu.memref_squeeze %dma_start3A_207 : memref<1x!tpu.dma_semaphore, #tpu.memory_space<semaphore_mem>> -> memref<!tpu.dma_semaphore, #tpu.memory_space<semaphore_mem>>
        tpu.enqueue_indirect_dma source(%dma_start3A_206 : memref<10000x16xf32, #tpu.memory_space<hbm>>) target(%dma_start3A_200 : memref<128x16xf32, #tpu.memory_space<vmem>>) offsets(%dma_start3A_203 : memref<128xi32, #tpu.memory_space<vmem>>) semaphore(%dma_start3A_208 : memref<!tpu.dma_semaphore, #tpu.memory_space<semaphore_mem>>)
      } else {
      }
      %dma_wait3A = arith.constant 0 : i32
      %dma_wait3A_109 = arith.constant 0 : i32
      %dma_wait3A_110 = arith.constant 0 : i32
      %dma_wait3A_111 = arith.constant 0 : i32
      %dma_wait3A_112 = tpu.memref_slice %arg8[%dma_wait3A, %dma_wait3A_110, %dma_wait3A_111] : memref<2x128x96xbf16, #tpu.memory_space<vmem>> -> memref<1x128x96xbf16, #tpu.memory_space<vmem>>
      %dma_wait3A_113 = tpu.memref_squeeze %dma_wait3A_112 : memref<1x128x96xbf16, #tpu.memory_space<vmem>> -> memref<128x96xbf16, #tpu.memory_space<vmem>>
      %dma_wait3A_114 = arith.constant 0 : i32
      %dma_wait3A_115 = tpu.memref_slice %arg11[%add3A_103, %dma_wait3A_114] : memref<124x128xi32, #tpu.memory_space<vmem>> -> memref<1x128xi32, #tpu.memory_space<vmem>>
      %dma_wait3A_116 = tpu.memref_squeeze %dma_wait3A_115 : memref<1x128xi32, #tpu.memory_space<vmem>> -> memref<128xi32, #tpu.memory_space<vmem>>
      %dma_wait3A_117 = arith.constant 0 : i32
      %dma_wait3A_118 = arith.constant 0 : i32
      %dma_wait3A_119 = tpu.memref_slice %arg2[%dma_wait3A_117, %dma_wait3A_118] : memref<10000x96xbf16, #tpu.memory_space<hbm>> -> memref<10000x96xbf16, #tpu.memory_space<hbm>>
      %dma_wait3A_120 = tpu.memref_slice %arg13[%dma_wait3A_109] : memref<2x!tpu.dma_semaphore, #tpu.memory_space<semaphore_mem>> -> memref<1x!tpu.dma_semaphore, #tpu.memory_space<semaphore_mem>>
      %dma_wait3A_121 = tpu.memref_squeeze %dma_wait3A_120 : memref<1x!tpu.dma_semaphore, #tpu.memory_space<semaphore_mem>> -> memref<!tpu.dma_semaphore, #tpu.memory_space<semaphore_mem>>
      tpu.wait_indirect_dma semaphore(%dma_wait3A_121 : memref<!tpu.dma_semaphore, #tpu.memory_space<semaphore_mem>>) src(%dma_wait3A_119 : memref<10000x96xbf16, #tpu.memory_space<hbm>>) dst(%dma_wait3A_113 : memref<128x96xbf16, #tpu.memory_space<vmem>>)
      %dma_wait3A_122 = arith.constant 0 : i32
      %dma_wait3A_123 = arith.constant 0 : i32
      %dma_wait3A_124 = arith.constant 0 : i32
      %dma_wait3A_125 = arith.constant 0 : i32
      %dma_wait3A_126 = tpu.memref_slice %arg9[%dma_wait3A_122, %dma_wait3A_124, %dma_wait3A_125] : memref<2x128x16xf32, #tpu.memory_space<vmem>> -> memref<1x128x16xf32, #tpu.memory_space<vmem>>
      %dma_wait3A_127 = tpu.memref_squeeze %dma_wait3A_126 : memref<1x128x16xf32, #tpu.memory_space<vmem>> -> memref<128x16xf32, #tpu.memory_space<vmem>>
      %dma_wait3A_128 = arith.constant 0 : i32
      %dma_wait3A_129 = tpu.memref_slice %arg12[%add3A_103, %dma_wait3A_128] : memref<124x128xi32, #tpu.memory_space<vmem>> -> memref<1x128xi32, #tpu.memory_space<vmem>>
      %dma_wait3A_130 = tpu.memref_squeeze %dma_wait3A_129 : memref<1x128xi32, #tpu.memory_space<vmem>> -> memref<128xi32, #tpu.memory_space<vmem>>
      %dma_wait3A_131 = arith.constant 0 : i32
      %dma_wait3A_132 = arith.constant 0 : i32
      %dma_wait3A_133 = tpu.memref_slice %arg3[%dma_wait3A_131, %dma_wait3A_132] : memref<10000x16xf32, #tpu.memory_space<hbm>> -> memref<10000x16xf32, #tpu.memory_space<hbm>>
      %dma_wait3A_134 = tpu.memref_slice %arg14[%dma_wait3A_123] : memref<2x!tpu.dma_semaphore, #tpu.memory_space<semaphore_mem>> -> memref<1x!tpu.dma_semaphore, #tpu.memory_space<semaphore_mem>>
      %dma_wait3A_135 = tpu.memref_squeeze %dma_wait3A_134 : memref<1x!tpu.dma_semaphore, #tpu.memory_space<semaphore_mem>> -> memref<!tpu.dma_semaphore, #tpu.memory_space<semaphore_mem>>
      tpu.wait_indirect_dma semaphore(%dma_wait3A_135 : memref<!tpu.dma_semaphore, #tpu.memory_space<semaphore_mem>>) src(%dma_wait3A_133 : memref<10000x16xf32, #tpu.memory_space<hbm>>) dst(%dma_wait3A_127 : memref<128x16xf32, #tpu.memory_space<vmem>>)
      %parallel_loop3A = arith.constant 0 : i32
      %parallel_loop3A_136 = arith.constant 128 : i32
      %parallel_loop3A_137 = arith.constant 1 : i32
      scf.for %parallel_loop3A_179 = %parallel_loop3A to %parallel_loop3A_136 step %parallel_loop3A_137  : i32 {
        %parallel_loop3A_180 = arith.constant 0 : i32
        %parallel_loop3A_181 = arith.index_cast %parallel_loop3A_180 : i32 to index
        %parallel_loop3A_182 = arith.index_cast %parallel_loop3A_179 : i32 to index
        %parallel_loop3A_183 = arith.constant 64 : index
        %parallel_loop3A_184 = tpu.vector_load %arg8[%parallel_loop3A_181, %parallel_loop3A_182, %parallel_loop3A_183] {strides = array<i32>} : memref<2x128x96xbf16, #tpu.memory_space<vmem>>, vector<32xbf16>,
        %parallel_loop3A_185 = tpu.unpack_subelements %parallel_loop3A_184, 0 {pack_format = #tpu.pack_format<interleaved>} : vector<32xbf16> -> vector<16xf32>
        %parallel_loop3A_186 = tpu.unpack_subelements %parallel_loop3A_184, 1 {pack_format = #tpu.pack_format<interleaved>} : vector<32xbf16> -> vector<16xf32>
        %parallel_loop3A_187 = arith.constant 0 : i32
        %parallel_loop3A_188 = arith.index_cast %parallel_loop3A_187 : i32 to index
        %parallel_loop3A_189 = arith.index_cast %parallel_loop3A_179 : i32 to index
        %parallel_loop3A_190 = arith.constant 0 : index
        %parallel_loop3A_191 = tpu.vector_load %arg9[%parallel_loop3A_188, %parallel_loop3A_189, %parallel_loop3A_190] {strides = array<i32>} : memref<2x128x16xf32, #tpu.memory_space<vmem>>, vector<16xf32>,
        %parallel_loop3A_192 = arith.addf %parallel_loop3A_185, %parallel_loop3A_191 : vector<16xf32>
        %parallel_loop3A_193 = arith.constant 2.000000e-01 : f32
        %parallel_loop3A_194 = vector.broadcast %parallel_loop3A_193 : f32 to vector<16xf32>
        %parallel_loop3A_195 = arith.mulf %parallel_loop3A_192, %parallel_loop3A_194 : vector<16xf32>
        %parallel_loop3A_196 = arith.maximumf %parallel_loop3A_192, %parallel_loop3A_195 : vector<16xf32>
        %parallel_loop3A_197 = math.exp %parallel_loop3A_196 : vector<16xf32>
        %parallel_loop3A_198 = arith.constant 0 : i32
        %parallel_loop3A_199 = arith.index_cast %parallel_loop3A_198 : i32 to index
        %parallel_loop3A_200 = arith.index_cast %parallel_loop3A_179 : i32 to index
        %parallel_loop3A_201 = arith.constant 0 : index
        %parallel_loop3A_202 = tpu.vector_load %arg8[%parallel_loop3A_199, %parallel_loop3A_200, %parallel_loop3A_201] {strides = array<i32>} : memref<2x128x96xbf16, #tpu.memory_space<vmem>>, vector<32xbf16>,
        %parallel_loop3A_203 = tpu.unpack_subelements %parallel_loop3A_202, 0 {pack_format = #tpu.pack_format<interleaved>} : vector<32xbf16> -> vector<16xf32>
        %parallel_loop3A_204 = tpu.unpack_subelements %parallel_loop3A_202, 1 {pack_format = #tpu.pack_format<interleaved>} : vector<32xbf16> -> vector<16xf32>
        %parallel_loop3A_205 = arith.mulf %parallel_loop3A_197, %parallel_loop3A_203 : vector<16xf32>
        %parallel_loop3A_206 = arith.index_cast %parallel_loop3A_179 : i32 to index
        %parallel_loop3A_207 = arith.constant 0 : index
        %parallel_loop3A_208 = tpu.vector_load %arg10[%parallel_loop3A_206, %parallel_loop3A_207] {strides = array<i32>} : memref<128x80xf32, #tpu.memory_space<vmem>>, vector<16xf32>,
        tpu.vector_store %arg10[%parallel_loop3A_206, %parallel_loop3A_207], %parallel_loop3A_205 {strides = array<i32>} : memref<128x80xf32, #tpu.memory_space<vmem>>, vector<16xf32>,
        %parallel_loop3A_209 = arith.mulf %parallel_loop3A_197, %parallel_loop3A_204 : vector<16xf32>
        %parallel_loop3A_210 = arith.index_cast %parallel_loop3A_179 : i32 to index
        %parallel_loop3A_211 = arith.constant 16 : index
        %parallel_loop3A_212 = tpu.vector_load %arg10[%parallel_loop3A_210, %parallel_loop3A_211] {strides = array<i32>} : memref<128x80xf32, #tpu.memory_space<vmem>>, vector<16xf32>,
        tpu.vector_store %arg10[%parallel_loop3A_210, %parallel_loop3A_211], %parallel_loop3A_209 {strides = array<i32>} : memref<128x80xf32, #tpu.memory_space<vmem>>, vector<16xf32>,
        %parallel_loop3A_213 = arith.constant 0 : i32
        %parallel_loop3A_214 = arith.index_cast %parallel_loop3A_213 : i32 to index
        %parallel_loop3A_215 = arith.index_cast %parallel_loop3A_179 : i32 to index
        %parallel_loop3A_216 = arith.constant 32 : index
        %parallel_loop3A_217 = tpu.vector_load %arg8[%parallel_loop3A_214, %parallel_loop3A_215, %parallel_loop3A_216] {strides = array<i32>} : memref<2x128x96xbf16, #tpu.memory_space<vmem>>, vector<32xbf16>,
        %parallel_loop3A_218 = tpu.unpack_subelements %parallel_loop3A_217, 0 {pack_format = #tpu.pack_format<interleaved>} : vector<32xbf16> -> vector<16xf32>
        %parallel_loop3A_219 = tpu.unpack_subelements %parallel_loop3A_217, 1 {pack_format = #tpu.pack_format<interleaved>} : vector<32xbf16> -> vector<16xf32>
        %parallel_loop3A_220 = arith.mulf %parallel_loop3A_197, %parallel_loop3A_218 : vector<16xf32>
        %parallel_loop3A_221 = arith.index_cast %parallel_loop3A_179 : i32 to index
        %parallel_loop3A_222 = arith.constant 32 : index
        %parallel_loop3A_223 = tpu.vector_load %arg10[%parallel_loop3A_221, %parallel_loop3A_222] {strides = array<i32>} : memref<128x80xf32, #tpu.memory_space<vmem>>, vector<16xf32>,
        tpu.vector_store %arg10[%parallel_loop3A_221, %parallel_loop3A_222], %parallel_loop3A_220 {strides = array<i32>} : memref<128x80xf32, #tpu.memory_space<vmem>>, vector<16xf32>,
        %parallel_loop3A_224 = arith.mulf %parallel_loop3A_197, %parallel_loop3A_219 : vector<16xf32>
        %parallel_loop3A_225 = arith.index_cast %parallel_loop3A_179 : i32 to index
        %parallel_loop3A_226 = arith.constant 48 : index
        %parallel_loop3A_227 = tpu.vector_load %arg10[%parallel_loop3A_225, %parallel_loop3A_226] {strides = array<i32>} : memref<128x80xf32, #tpu.memory_space<vmem>>, vector<16xf32>,
        tpu.vector_store %arg10[%parallel_loop3A_225, %parallel_loop3A_226], %parallel_loop3A_224 {strides = array<i32>} : memref<128x80xf32, #tpu.memory_space<vmem>>, vector<16xf32>,
        %parallel_loop3A_228 = arith.index_cast %parallel_loop3A_179 : i32 to index
        %parallel_loop3A_229 = arith.constant 64 : index
        %parallel_loop3A_230 = tpu.vector_load %arg10[%parallel_loop3A_228, %parallel_loop3A_229] {strides = array<i32>} : memref<128x80xf32, #tpu.memory_space<vmem>>, vector<16xf32>,
        tpu.vector_store %arg10[%parallel_loop3A_228, %parallel_loop3A_229], %parallel_loop3A_197 {strides = array<i32>} : memref<128x80xf32, #tpu.memory_space<vmem>>, vector<16xf32>,
      } {sc.loop_unroll_factor = 4 : i64, sc.parallel_access}
      "tpu.region"() ({
        %run_scoped3A = tpu.sem_alloc : memref<!tpu.dma_semaphore, #tpu.memory_space<semaphore_mem>>
        %dma_start3A_179 = arith.constant 0 : i32
        %dma_start3A_180 = tpu.memref_slice %arg12[%add3A_103, %dma_start3A_179] : memref<124x128xi32, #tpu.memory_space<vmem>> -> memref<1x128xi32, #tpu.memory_space<vmem>>
        %dma_start3A_181 = tpu.memref_squeeze %dma_start3A_180 : memref<1x128xi32, #tpu.memory_space<vmem>> -> memref<128xi32, #tpu.memory_space<vmem>>
        %dma_start3A_182 = arith.constant 0 : i32
        %dma_start3A_183 = arith.constant 0 : i32
        %dma_start3A_184 = tpu.memref_slice %arg7[%dma_start3A_182, %dma_start3A_183] : memref<10112x80xf32, #tpu.memory_space<vmem_shared>> -> memref<10112x80xf32, #tpu.memory_space<vmem_shared>>
        tpu.enqueue_indirect_dma source(%arg10 : memref<128x80xf32, #tpu.memory_space<vmem>>) target(%dma_start3A_184 : memref<10112x80xf32, #tpu.memory_space<vmem_shared>>) offsets(%dma_start3A_181 : memref<128xi32, #tpu.memory_space<vmem>>) semaphore(%run_scoped3A : memref<!tpu.dma_semaphore, #tpu.memory_space<semaphore_mem>>) {add = true}
        %dma_wait3A_185 = arith.constant 0 : i32
        %dma_wait3A_186 = tpu.memref_slice %arg12[%add3A_103, %dma_wait3A_185] : memref<124x128xi32, #tpu.memory_space<vmem>> -> memref<1x128xi32, #tpu.memory_space<vmem>>
        %dma_wait3A_187 = tpu.memref_squeeze %dma_wait3A_186 : memref<1x128xi32, #tpu.memory_space<vmem>> -> memref<128xi32, #tpu.memory_space<vmem>>
        %dma_wait3A_188 = arith.constant 0 : i32
        %dma_wait3A_189 = arith.constant 0 : i32
        %dma_wait3A_190 = tpu.memref_slice %arg7[%dma_wait3A_188, %dma_wait3A_189] : memref<10112x80xf32, #tpu.memory_space<vmem_shared>> -> memref<10112x80xf32, #tpu.memory_space<vmem_shared>>
        tpu.wait_indirect_dma semaphore(%run_scoped3A : memref<!tpu.dma_semaphore, #tpu.memory_space<semaphore_mem>>) src(%arg10 : memref<128x80xf32, #tpu.memory_space<vmem>>) dst(%dma_wait3A_190 : memref<10112x80xf32, #tpu.memory_space<vmem_shared>>)
        tpu.yield
      }) : () -> ()
      %mul3A_138 = arith.constant 2 : i32
      %mul3A_139 = arith.muli %mul3A_138, %while3A_99 : i32
      %add3A_140 = arith.constant 1 : i32
      %add3A_141 = arith.addi %mul3A_139, %add3A_140 : i32
      %add3A_142 = arith.constant 1 : i32
      %add3A_143 = arith.addi %add3A_141, %add3A_142 : i32
      %lt3A_144 = arith.cmpi slt, %add3A_143, %select_n3A : i32
      %convert_element_type3A_145 = arith.extui %lt3A_144 : i1 to i32
      %cond3A_146 = arith.constant 0 : i32
      %cond3A_147 = arith.cmpi ne, %convert_element_type3A_145, %cond3A_146 : i32
      scf.if %cond3A_147 {
        %add3A_179 = arith.constant 1 : i32
        %add3A_180 = arith.addi %add3A_141, %add3A_179 : i32
        %dma_start3A_181 = arith.constant 0 : i32
        %dma_start3A_182 = arith.constant 0 : i32
        %dma_start3A_183 = arith.constant 0 : i32
        %dma_start3A_184 = arith.constant 0 : i32
        %dma_start3A_185 = tpu.memref_slice %arg8[%dma_start3A_181, %dma_start3A_183, %dma_start3A_184] : memref<2x128x96xbf16, #tpu.memory_space<vmem>> -> memref<1x128x96xbf16, #tpu.memory_space<vmem>>
        %dma_start3A_186 = tpu.memref_squeeze %dma_start3A_185 : memref<1x128x96xbf16, #tpu.memory_space<vmem>> -> memref<128x96xbf16, #tpu.memory_space<vmem>>
        %dma_start3A_187 = arith.constant 0 : i32
        %dma_start3A_188 = tpu.memref_slice %arg11[%add3A_180, %dma_start3A_187] : memref<124x128xi32, #tpu.memory_space<vmem>> -> memref<1x128xi32, #tpu.memory_space<vmem>>
        %dma_start3A_189 = tpu.memref_squeeze %dma_start3A_188 : memref<1x128xi32, #tpu.memory_space<vmem>> -> memref<128xi32, #tpu.memory_space<vmem>>
        %dma_start3A_190 = arith.constant 0 : i32
        %dma_start3A_191 = arith.constant 0 : i32
        %dma_start3A_192 = tpu.memref_slice %arg2[%dma_start3A_190, %dma_start3A_191] : memref<10000x96xbf16, #tpu.memory_space<hbm>> -> memref<10000x96xbf16, #tpu.memory_space<hbm>>
        %dma_start3A_193 = tpu.memref_slice %arg13[%dma_start3A_182] : memref<2x!tpu.dma_semaphore, #tpu.memory_space<semaphore_mem>> -> memref<1x!tpu.dma_semaphore, #tpu.memory_space<semaphore_mem>>
        %dma_start3A_194 = tpu.memref_squeeze %dma_start3A_193 : memref<1x!tpu.dma_semaphore, #tpu.memory_space<semaphore_mem>> -> memref<!tpu.dma_semaphore, #tpu.memory_space<semaphore_mem>>
        tpu.enqueue_indirect_dma source(%dma_start3A_192 : memref<10000x96xbf16, #tpu.memory_space<hbm>>) target(%dma_start3A_186 : memref<128x96xbf16, #tpu.memory_space<vmem>>) offsets(%dma_start3A_189 : memref<128xi32, #tpu.memory_space<vmem>>) semaphore(%dma_start3A_194 : memref<!tpu.dma_semaphore, #tpu.memory_space<semaphore_mem>>)
        %dma_start3A_195 = arith.constant 0 : i32
        %dma_start3A_196 = arith.constant 0 : i32
        %dma_start3A_197 = arith.constant 0 : i32
        %dma_start3A_198 = arith.constant 0 : i32
        %dma_start3A_199 = tpu.memref_slice %arg9[%dma_start3A_195, %dma_start3A_197, %dma_start3A_198] : memref<2x128x16xf32, #tpu.memory_space<vmem>> -> memref<1x128x16xf32, #tpu.memory_space<vmem>>
        %dma_start3A_200 = tpu.memref_squeeze %dma_start3A_199 : memref<1x128x16xf32, #tpu.memory_space<vmem>> -> memref<128x16xf32, #tpu.memory_space<vmem>>
        %dma_start3A_201 = arith.constant 0 : i32
        %dma_start3A_202 = tpu.memref_slice %arg12[%add3A_180, %dma_start3A_201] : memref<124x128xi32, #tpu.memory_space<vmem>> -> memref<1x128xi32, #tpu.memory_space<vmem>>
        %dma_start3A_203 = tpu.memref_squeeze %dma_start3A_202 : memref<1x128xi32, #tpu.memory_space<vmem>> -> memref<128xi32, #tpu.memory_space<vmem>>
        %dma_start3A_204 = arith.constant 0 : i32
        %dma_start3A_205 = arith.constant 0 : i32
        %dma_start3A_206 = tpu.memref_slice %arg3[%dma_start3A_204, %dma_start3A_205] : memref<10000x16xf32, #tpu.memory_space<hbm>> -> memref<10000x16xf32, #tpu.memory_space<hbm>>
        %dma_start3A_207 = tpu.memref_slice %arg14[%dma_start3A_196] : memref<2x!tpu.dma_semaphore, #tpu.memory_space<semaphore_mem>> -> memref<1x!tpu.dma_semaphore, #tpu.memory_space<semaphore_mem>>
        %dma_start3A_208 = tpu.memref_squeeze %dma_start3A_207 : memref<1x!tpu.dma_semaphore, #tpu.memory_space<semaphore_mem>> -> memref<!tpu.dma_semaphore, #tpu.memory_space<semaphore_mem>>
        tpu.enqueue_indirect_dma source(%dma_start3A_206 : memref<10000x16xf32, #tpu.memory_space<hbm>>) target(%dma_start3A_200 : memref<128x16xf32, #tpu.memory_space<vmem>>) offsets(%dma_start3A_203 : memref<128xi32, #tpu.memory_space<vmem>>) semaphore(%dma_start3A_208 : memref<!tpu.dma_semaphore, #tpu.memory_space<semaphore_mem>>)
      } else {
      }
      %dma_wait3A_148 = arith.constant 1 : i32
      %dma_wait3A_149 = arith.constant 1 : i32
      %dma_wait3A_150 = arith.constant 0 : i32
      %dma_wait3A_151 = arith.constant 0 : i32
      %dma_wait3A_152 = tpu.memref_slice %arg8[%dma_wait3A_148, %dma_wait3A_150, %dma_wait3A_151] : memref<2x128x96xbf16, #tpu.memory_space<vmem>> -> memref<1x128x96xbf16, #tpu.memory_space<vmem>>
      %dma_wait3A_153 = tpu.memref_squeeze %dma_wait3A_152 : memref<1x128x96xbf16, #tpu.memory_space<vmem>> -> memref<128x96xbf16, #tpu.memory_space<vmem>>
      %dma_wait3A_154 = arith.constant 0 : i32
      %dma_wait3A_155 = tpu.memref_slice %arg11[%add3A_141, %dma_wait3A_154] : memref<124x128xi32, #tpu.memory_space<vmem>> -> memref<1x128xi32, #tpu.memory_space<vmem>>
      %dma_wait3A_156 = tpu.memref_squeeze %dma_wait3A_155 : memref<1x128xi32, #tpu.memory_space<vmem>> -> memref<128xi32, #tpu.memory_space<vmem>>
      %dma_wait3A_157 = arith.constant 0 : i32
      %dma_wait3A_158 = arith.constant 0 : i32
      %dma_wait3A_159 = tpu.memref_slice %arg2[%dma_wait3A_157, %dma_wait3A_158] : memref<10000x96xbf16, #tpu.memory_space<hbm>> -> memref<10000x96xbf16, #tpu.memory_space<hbm>>
      %dma_wait3A_160 = tpu.memref_slice %arg13[%dma_wait3A_149] : memref<2x!tpu.dma_semaphore, #tpu.memory_space<semaphore_mem>> -> memref<1x!tpu.dma_semaphore, #tpu.memory_space<semaphore_mem>>
      %dma_wait3A_161 = tpu.memref_squeeze %dma_wait3A_160 : memref<1x!tpu.dma_semaphore, #tpu.memory_space<semaphore_mem>> -> memref<!tpu.dma_semaphore, #tpu.memory_space<semaphore_mem>>
      tpu.wait_indirect_dma semaphore(%dma_wait3A_161 : memref<!tpu.dma_semaphore, #tpu.memory_space<semaphore_mem>>) src(%dma_wait3A_159 : memref<10000x96xbf16, #tpu.memory_space<hbm>>) dst(%dma_wait3A_153 : memref<128x96xbf16, #tpu.memory_space<vmem>>)
      %dma_wait3A_162 = arith.constant 1 : i32
      %dma_wait3A_163 = arith.constant 1 : i32
      %dma_wait3A_164 = arith.constant 0 : i32
      %dma_wait3A_165 = arith.constant 0 : i32
      %dma_wait3A_166 = tpu.memref_slice %arg9[%dma_wait3A_162, %dma_wait3A_164, %dma_wait3A_165] : memref<2x128x16xf32, #tpu.memory_space<vmem>> -> memref<1x128x16xf32, #tpu.memory_space<vmem>>
      %dma_wait3A_167 = tpu.memref_squeeze %dma_wait3A_166 : memref<1x128x16xf32, #tpu.memory_space<vmem>> -> memref<128x16xf32, #tpu.memory_space<vmem>>
      %dma_wait3A_168 = arith.constant 0 : i32
      %dma_wait3A_169 = tpu.memref_slice %arg12[%add3A_141, %dma_wait3A_168] : memref<124x128xi32, #tpu.memory_space<vmem>> -> memref<1x128xi32, #tpu.memory_space<vmem>>
      %dma_wait3A_170 = tpu.memref_squeeze %dma_wait3A_169 : memref<1x128xi32, #tpu.memory_space<vmem>> -> memref<128xi32, #tpu.memory_space<vmem>>
      %dma_wait3A_171 = arith.constant 0 : i32
      %dma_wait3A_172 = arith.constant 0 : i32
      %dma_wait3A_173 = tpu.memref_slice %arg3[%dma_wait3A_171, %dma_wait3A_172] : memref<10000x16xf32, #tpu.memory_space<hbm>> -> memref<10000x16xf32, #tpu.memory_space<hbm>>
      %dma_wait3A_174 = tpu.memref_slice %arg14[%dma_wait3A_163] : memref<2x!tpu.dma_semaphore, #tpu.memory_space<semaphore_mem>> -> memref<1x!tpu.dma_semaphore, #tpu.memory_space<semaphore_mem>>
      %dma_wait3A_175 = tpu.memref_squeeze %dma_wait3A_174 : memref<1x!tpu.dma_semaphore, #tpu.memory_space<semaphore_mem>> -> memref<!tpu.dma_semaphore, #tpu.memory_space<semaphore_mem>>
      tpu.wait_indirect_dma semaphore(%dma_wait3A_175 : memref<!tpu.dma_semaphore, #tpu.memory_space<semaphore_mem>>) src(%dma_wait3A_173 : memref<10000x16xf32, #tpu.memory_space<hbm>>) dst(%dma_wait3A_167 : memref<128x16xf32, #tpu.memory_space<vmem>>)
      %parallel_loop3A_176 = arith.constant 0 : i32
      %parallel_loop3A_177 = arith.constant 128 : i32
      %parallel_loop3A_178 = arith.constant 1 : i32
      scf.for %parallel_loop3A_179 = %parallel_loop3A_176 to %parallel_loop3A_177 step %parallel_loop3A_178  : i32 {
        %parallel_loop3A_180 = arith.constant 1 : i32
        %parallel_loop3A_181 = arith.index_cast %parallel_loop3A_180 : i32 to index
        %parallel_loop3A_182 = arith.index_cast %parallel_loop3A_179 : i32 to index
        %parallel_loop3A_183 = arith.constant 64 : index
        %parallel_loop3A_184 = tpu.vector_load %arg8[%parallel_loop3A_181, %parallel_loop3A_182, %parallel_loop3A_183] {strides = array<i32>} : memref<2x128x96xbf16, #tpu.memory_space<vmem>>, vector<32xbf16>,
        %parallel_loop3A_185 = tpu.unpack_subelements %parallel_loop3A_184, 0 {pack_format = #tpu.pack_format<interleaved>} : vector<32xbf16> -> vector<16xf32>
        %parallel_loop3A_186 = tpu.unpack_subelements %parallel_loop3A_184, 1 {pack_format = #tpu.pack_format<interleaved>} : vector<32xbf16> -> vector<16xf32>
        %parallel_loop3A_187 = arith.constant 1 : i32
        %parallel_loop3A_188 = arith.index_cast %parallel_loop3A_187 : i32 to index
        %parallel_loop3A_189 = arith.index_cast %parallel_loop3A_179 : i32 to index
        %parallel_loop3A_190 = arith.constant 0 : index
        %parallel_loop3A_191 = tpu.vector_load %arg9[%parallel_loop3A_188, %parallel_loop3A_189, %parallel_loop3A_190] {strides = array<i32>} : memref<2x128x16xf32, #tpu.memory_space<vmem>>, vector<16xf32>,
        %parallel_loop3A_192 = arith.addf %parallel_loop3A_185, %parallel_loop3A_191 : vector<16xf32>
        %parallel_loop3A_193 = arith.constant 2.000000e-01 : f32
        %parallel_loop3A_194 = vector.broadcast %parallel_loop3A_193 : f32 to vector<16xf32>
        %parallel_loop3A_195 = arith.mulf %parallel_loop3A_192, %parallel_loop3A_194 : vector<16xf32>
        %parallel_loop3A_196 = arith.maximumf %parallel_loop3A_192, %parallel_loop3A_195 : vector<16xf32>
        %parallel_loop3A_197 = math.exp %parallel_loop3A_196 : vector<16xf32>
        %parallel_loop3A_198 = arith.constant 1 : i32
        %parallel_loop3A_199 = arith.index_cast %parallel_loop3A_198 : i32 to index
        %parallel_loop3A_200 = arith.index_cast %parallel_loop3A_179 : i32 to index
        %parallel_loop3A_201 = arith.constant 0 : index
        %parallel_loop3A_202 = tpu.vector_load %arg8[%parallel_loop3A_199, %parallel_loop3A_200, %parallel_loop3A_201] {strides = array<i32>} : memref<2x128x96xbf16, #tpu.memory_space<vmem>>, vector<32xbf16>,
        %parallel_loop3A_203 = tpu.unpack_subelements %parallel_loop3A_202, 0 {pack_format = #tpu.pack_format<interleaved>} : vector<32xbf16> -> vector<16xf32>
        %parallel_loop3A_204 = tpu.unpack_subelements %parallel_loop3A_202, 1 {pack_format = #tpu.pack_format<interleaved>} : vector<32xbf16> -> vector<16xf32>
        %parallel_loop3A_205 = arith.mulf %parallel_loop3A_197, %parallel_loop3A_203 : vector<16xf32>
        %parallel_loop3A_206 = arith.index_cast %parallel_loop3A_179 : i32 to index
        %parallel_loop3A_207 = arith.constant 0 : index
        %parallel_loop3A_208 = tpu.vector_load %arg10[%parallel_loop3A_206, %parallel_loop3A_207] {strides = array<i32>} : memref<128x80xf32, #tpu.memory_space<vmem>>, vector<16xf32>,
        tpu.vector_store %arg10[%parallel_loop3A_206, %parallel_loop3A_207], %parallel_loop3A_205 {strides = array<i32>} : memref<128x80xf32, #tpu.memory_space<vmem>>, vector<16xf32>,
        %parallel_loop3A_209 = arith.mulf %parallel_loop3A_197, %parallel_loop3A_204 : vector<16xf32>
        %parallel_loop3A_210 = arith.index_cast %parallel_loop3A_179 : i32 to index
        %parallel_loop3A_211 = arith.constant 16 : index
        %parallel_loop3A_212 = tpu.vector_load %arg10[%parallel_loop3A_210, %parallel_loop3A_211] {strides = array<i32>} : memref<128x80xf32, #tpu.memory_space<vmem>>, vector<16xf32>,
        tpu.vector_store %arg10[%parallel_loop3A_210, %parallel_loop3A_211], %parallel_loop3A_209 {strides = array<i32>} : memref<128x80xf32, #tpu.memory_space<vmem>>, vector<16xf32>,
        %parallel_loop3A_213 = arith.constant 1 : i32
        %parallel_loop3A_214 = arith.index_cast %parallel_loop3A_213 : i32 to index
        %parallel_loop3A_215 = arith.index_cast %parallel_loop3A_179 : i32 to index
        %parallel_loop3A_216 = arith.constant 32 : index
        %parallel_loop3A_217 = tpu.vector_load %arg8[%parallel_loop3A_214, %parallel_loop3A_215, %parallel_loop3A_216] {strides = array<i32>} : memref<2x128x96xbf16, #tpu.memory_space<vmem>>, vector<32xbf16>,
        %parallel_loop3A_218 = tpu.unpack_subelements %parallel_loop3A_217, 0 {pack_format = #tpu.pack_format<interleaved>} : vector<32xbf16> -> vector<16xf32>
        %parallel_loop3A_219 = tpu.unpack_subelements %parallel_loop3A_217, 1 {pack_format = #tpu.pack_format<interleaved>} : vector<32xbf16> -> vector<16xf32>
        %parallel_loop3A_220 = arith.mulf %parallel_loop3A_197, %parallel_loop3A_218 : vector<16xf32>
        %parallel_loop3A_221 = arith.index_cast %parallel_loop3A_179 : i32 to index
        %parallel_loop3A_222 = arith.constant 32 : index
        %parallel_loop3A_223 = tpu.vector_load %arg10[%parallel_loop3A_221, %parallel_loop3A_222] {strides = array<i32>} : memref<128x80xf32, #tpu.memory_space<vmem>>, vector<16xf32>,
        tpu.vector_store %arg10[%parallel_loop3A_221, %parallel_loop3A_222], %parallel_loop3A_220 {strides = array<i32>} : memref<128x80xf32, #tpu.memory_space<vmem>>, vector<16xf32>,
        %parallel_loop3A_224 = arith.mulf %parallel_loop3A_197, %parallel_loop3A_219 : vector<16xf32>
        %parallel_loop3A_225 = arith.index_cast %parallel_loop3A_179 : i32 to index
        %parallel_loop3A_226 = arith.constant 48 : index
        %parallel_loop3A_227 = tpu.vector_load %arg10[%parallel_loop3A_225, %parallel_loop3A_226] {strides = array<i32>} : memref<128x80xf32, #tpu.memory_space<vmem>>, vector<16xf32>,
        tpu.vector_store %arg10[%parallel_loop3A_225, %parallel_loop3A_226], %parallel_loop3A_224 {strides = array<i32>} : memref<128x80xf32, #tpu.memory_space<vmem>>, vector<16xf32>,
        %parallel_loop3A_228 = arith.index_cast %parallel_loop3A_179 : i32 to index
        %parallel_loop3A_229 = arith.constant 64 : index
        %parallel_loop3A_230 = tpu.vector_load %arg10[%parallel_loop3A_228, %parallel_loop3A_229] {strides = array<i32>} : memref<128x80xf32, #tpu.memory_space<vmem>>, vector<16xf32>,
        tpu.vector_store %arg10[%parallel_loop3A_228, %parallel_loop3A_229], %parallel_loop3A_197 {strides = array<i32>} : memref<128x80xf32, #tpu.memory_space<vmem>>, vector<16xf32>,
      } {sc.loop_unroll_factor = 4 : i64, sc.parallel_access}
      "tpu.region"() ({
        %run_scoped3A = tpu.sem_alloc : memref<!tpu.dma_semaphore, #tpu.memory_space<semaphore_mem>>
        %dma_start3A_179 = arith.constant 0 : i32
        %dma_start3A_180 = tpu.memref_slice %arg12[%add3A_141, %dma_start3A_179] : memref<124x128xi32, #tpu.memory_space<vmem>> -> memref<1x128xi32, #tpu.memory_space<vmem>>
        %dma_start3A_181 = tpu.memref_squeeze %dma_start3A_180 : memref<1x128xi32, #tpu.memory_space<vmem>> -> memref<128xi32, #tpu.memory_space<vmem>>
        %dma_start3A_182 = arith.constant 0 : i32
        %dma_start3A_183 = arith.constant 0 : i32
        %dma_start3A_184 = tpu.memref_slice %arg7[%dma_start3A_182, %dma_start3A_183] : memref<10112x80xf32, #tpu.memory_space<vmem_shared>> -> memref<10112x80xf32, #tpu.memory_space<vmem_shared>>
        tpu.enqueue_indirect_dma source(%arg10 : memref<128x80xf32, #tpu.memory_space<vmem>>) target(%dma_start3A_184 : memref<10112x80xf32, #tpu.memory_space<vmem_shared>>) offsets(%dma_start3A_181 : memref<128xi32, #tpu.memory_space<vmem>>) semaphore(%run_scoped3A : memref<!tpu.dma_semaphore, #tpu.memory_space<semaphore_mem>>) {add = true}
        %dma_wait3A_185 = arith.constant 0 : i32
        %dma_wait3A_186 = tpu.memref_slice %arg12[%add3A_141, %dma_wait3A_185] : memref<124x128xi32, #tpu.memory_space<vmem>> -> memref<1x128xi32, #tpu.memory_space<vmem>>
        %dma_wait3A_187 = tpu.memref_squeeze %dma_wait3A_186 : memref<1x128xi32, #tpu.memory_space<vmem>> -> memref<128xi32, #tpu.memory_space<vmem>>
        %dma_wait3A_188 = arith.constant 0 : i32
        %dma_wait3A_189 = arith.constant 0 : i32
        %dma_wait3A_190 = tpu.memref_slice %arg7[%dma_wait3A_188, %dma_wait3A_189] : memref<10112x80xf32, #tpu.memory_space<vmem_shared>> -> memref<10112x80xf32, #tpu.memory_space<vmem_shared>>
        tpu.wait_indirect_dma semaphore(%run_scoped3A : memref<!tpu.dma_semaphore, #tpu.memory_space<semaphore_mem>>) src(%arg10 : memref<128x80xf32, #tpu.memory_space<vmem>>) dst(%dma_wait3A_190 : memref<10112x80xf32, #tpu.memory_space<vmem_shared>>)
        tpu.yield
      }) : () -> ()
    }
    %barrier3A_94 = arith.constant 0 : index
    tpu.barrier barrier_id(%barrier3A_94)
    %mul3A_95 = arith.constant 632 : i32
    %mul3A_96 = arith.muli %arg1, %mul3A_95 : i32
    %mul3A_97 = arith.constant 632 : i32
    %mul3A_98 = arith.muli %arg1, %mul3A_97 : i32
    "tpu.region"() ({
      %run_scoped3A = tpu.sem_alloc : memref<!tpu.dma_semaphore, #tpu.memory_space<semaphore_mem>>
      %dma_start3A_99 = arith.constant 0 : i32
      %dma_start3A_100 = tpu.memref_slice %arg6[%arg0, %mul3A_98, %dma_start3A_99] : memref<2x10112x80xf32, #tpu.memory_space<hbm>> -> memref<1x632x80xf32, #tpu.memory_space<hbm>>
      %dma_start3A_101 = tpu.memref_squeeze %dma_start3A_100 : memref<1x632x80xf32, #tpu.memory_space<hbm>> -> memref<632x80xf32, #tpu.memory_space<hbm>>
      %dma_start3A_102 = arith.constant 0 : i32
      %dma_start3A_103 = tpu.memref_slice %arg7[%mul3A_96, %dma_start3A_102] : memref<10112x80xf32, #tpu.memory_space<vmem_shared>> -> memref<632x80xf32, #tpu.memory_space<vmem_shared>>
      tpu.enqueue_dma source(%dma_start3A_103 : memref<632x80xf32, #tpu.memory_space<vmem_shared>>) target(%dma_start3A_101 : memref<632x80xf32, #tpu.memory_space<hbm>>) target_semaphore(%run_scoped3A : memref<!tpu.dma_semaphore, #tpu.memory_space<semaphore_mem>>)
      %dma_wait3A = arith.constant 0 : i32
      %dma_wait3A_104 = tpu.memref_slice %arg6[%arg0, %mul3A_98, %dma_wait3A] : memref<2x10112x80xf32, #tpu.memory_space<hbm>> -> memref<1x632x80xf32, #tpu.memory_space<hbm>>
      %dma_wait3A_105 = tpu.memref_squeeze %dma_wait3A_104 : memref<1x632x80xf32, #tpu.memory_space<hbm>> -> memref<632x80xf32, #tpu.memory_space<hbm>>
      %dma_wait3A_106 = arith.constant 0 : i32
      %dma_wait3A_107 = tpu.memref_slice %arg7[%mul3A_96, %dma_wait3A_106] : memref<10112x80xf32, #tpu.memory_space<vmem_shared>> -> memref<632x80xf32, #tpu.memory_space<vmem_shared>>
      tpu.wait_dma2 semaphore(%run_scoped3A : memref<!tpu.dma_semaphore, #tpu.memory_space<semaphore_mem>>) src(%dma_wait3A_107 : memref<632x80xf32, #tpu.memory_space<vmem_shared>>) dst(%dma_wait3A_105 : memref<632x80xf32, #tpu.memory_space<hbm>>)
      tpu.yield
    }) : () -> ()
    return
  }
}

module attributes {stable_mosaic.version = 14 : i64} {
  func.func @body(%arg0: memref<10000x128xf32, #tpu.memory_space<vmem>>, %arg1: memref<128x64xf32, #tpu.memory_space<vmem>>, %arg2: memref<64xf32, #tpu.memory_space<vmem>>, %arg3: memref<64xf32, #tpu.memory_space<vmem>>, %arg4: memref<64x16xf32, #tpu.memory_space<vmem>>, %arg5: memref<80x96xf32, #tpu.memory_space<vmem>>, %arg6: memref<10000x96xbf16, #tpu.memory_space<vmem>>, %arg7: memref<10000x16xf32, #tpu.memory_space<vmem>>) attributes {dimension_semantics = [], scalar_prefetch = 0 : i64, scratch_operands = 0 : i64, tpu.core_type = #tpu.core_type<tc>} {
    %get3A = arith.constant 0 : index
    %get3A_0 = arith.constant 0 : index
    %get3A_1 = vector.load %arg0[%get3A, %get3A_0] : memref<10000x128xf32, #tpu.memory_space<vmem>>, vector<10000x128xf32>
    %get3A_2 = arith.constant 0 : index
    %get3A_3 = arith.constant 0 : index
    %get3A_4 = vector.load %arg1[%get3A_2, %get3A_3] : memref<128x64xf32, #tpu.memory_space<vmem>>, vector<128x64xf32>
    %dot_general3A = arith.constant dense<0.000000e+00> : vector<10000x64xf32>
    %dot_general3A_5 = tpu.matmul %get3A_1, %get3A_4, %dot_general3A {dimension_numbers = #tpu.dot_dimension_numbers<[1], [0], [0], [1], [0, 0, 1, 1], [], []>, transpose_lhs_hint = false} : vector<10000x128xf32>, vector<128x64xf32>, vector<10000x64xf32> -> vector<10000x64xf32>
    %get3A_6 = arith.constant 0 : index
    %get3A_7 = vector.load %arg2[%get3A_6] : memref<64xf32, #tpu.memory_space<vmem>>, vector<64xf32>
    %broadcast_in_dim3A = vector.shape_cast %get3A_7 : vector<64xf32> to vector<1x64xf32>
    %mul3A = vector.broadcast %broadcast_in_dim3A : vector<1x64xf32> to vector<10000x64xf32>
    %mul3A_8 = arith.mulf %dot_general3A_5, %mul3A : vector<10000x64xf32>
    %get3A_9 = arith.constant 0 : index
    %get3A_10 = arith.constant 0 : index
    %get3A_11 = vector.load %arg4[%get3A_9, %get3A_10] : memref<64x16xf32, #tpu.memory_space<vmem>>, vector<64x16xf32>
    %dot_general3A_12 = arith.constant dense<0.000000e+00> : vector<10000x16xf32>
    %dot_general3A_13 = tpu.matmul %mul3A_8, %get3A_11, %dot_general3A_12 {dimension_numbers = #tpu.dot_dimension_numbers<[1], [0], [0], [1], [0, 0, 1, 1], [], []>, transpose_lhs_hint = false} : vector<10000x64xf32>, vector<64x16xf32>, vector<10000x16xf32> -> vector<10000x16xf32>
    %get3A_14 = arith.constant 0 : index
    %get3A_15 = vector.load %arg3[%get3A_14] : memref<64xf32, #tpu.memory_space<vmem>>, vector<64xf32>
    %broadcast_in_dim3A_16 = vector.shape_cast %get3A_15 : vector<64xf32> to vector<1x64xf32>
    %mul3A_17 = vector.broadcast %broadcast_in_dim3A_16 : vector<1x64xf32> to vector<10000x64xf32>
    %mul3A_18 = arith.mulf %dot_general3A_5, %mul3A_17 : vector<10000x64xf32>
    %get3A_19 = arith.constant 0 : index
    %get3A_20 = arith.constant 0 : index
    %get3A_21 = vector.load %arg4[%get3A_19, %get3A_20] : memref<64x16xf32, #tpu.memory_space<vmem>>, vector<64x16xf32>
    %dot_general3A_22 = arith.constant dense<0.000000e+00> : vector<10000x16xf32>
    %dot_general3A_23 = tpu.matmul %mul3A_18, %get3A_21, %dot_general3A_22 {dimension_numbers = #tpu.dot_dimension_numbers<[1], [0], [0], [1], [0, 0, 1, 1], [], []>, transpose_lhs_hint = false} : vector<10000x64xf32>, vector<64x16xf32>, vector<10000x16xf32> -> vector<10000x16xf32>
    %concatenate3A = tpu.concatenate %dot_general3A_5, %dot_general3A_13 in 1 : vector<10000x64xf32>, vector<10000x16xf32> -> vector<10000x80xf32>
    %get3A_24 = arith.constant 0 : index
    %get3A_25 = arith.constant 0 : index
    %get3A_26 = vector.load %arg5[%get3A_24, %get3A_25] : memref<80x96xf32, #tpu.memory_space<vmem>>, vector<80x96xf32>
    %dot_general3A_27 = arith.constant dense<0.000000e+00> : vector<10000x96xf32>
    %dot_general3A_28 = tpu.matmul %concatenate3A, %get3A_26, %dot_general3A_27 {dimension_numbers = #tpu.dot_dimension_numbers<[1], [0], [0], [1], [0, 0, 1, 1], [], []>, transpose_lhs_hint = false} : vector<10000x80xf32>, vector<80x96xf32>, vector<10000x96xf32> -> vector<10000x96xf32>
    %convert_element_type3A = arith.truncf %dot_general3A_28 : vector<10000x96xf32> to vector<10000x96xbf16>
    %swap3A = arith.constant 0 : index
    %swap3A_29 = arith.constant 0 : index
    %swap3A_30 = vector.load %arg6[%swap3A, %swap3A_29] : memref<10000x96xbf16, #tpu.memory_space<vmem>>, vector<10000x96xbf16>
    tpu.vector_store %arg6[%swap3A, %swap3A_29], %convert_element_type3A {strides = array<i32>} : memref<10000x96xbf16, #tpu.memory_space<vmem>>, vector<10000x96xbf16>,
    %swap3A_31 = arith.constant 0 : index
    %swap3A_32 = arith.constant 0 : index
    %swap3A_33 = vector.load %arg7[%swap3A_31, %swap3A_32] : memref<10000x16xf32, #tpu.memory_space<vmem>>, vector<10000x16xf32>
    tpu.vector_store %arg7[%swap3A_31, %swap3A_32], %dot_general3A_23 {strides = array<i32>} : memref<10000x16xf32, #tpu.memory_space<vmem>>, vector<10000x16xf32>,
    return
  }
}

module attributes {stable_mosaic.version = 14 : i64} {
  func.func @body(%arg0: memref<2x10112x80xf32, #tpu.memory_space<vmem>>, %arg1: memref<64x16xf32, #tpu.memory_space<vmem>>, %arg2: memref<64xf32, #tpu.memory_space<vmem>>, %arg3: memref<1x16xf32, #tpu.memory_space<vmem>>, %arg4: memref<1x16xf32, #tpu.memory_space<vmem>>, %arg5: memref<32x32xf32, #tpu.memory_space<vmem>>, %arg6: memref<10000x32xbf16, #tpu.memory_space<vmem>>, %arg7: memref<10000x16xf32, #tpu.memory_space<vmem>>) attributes {dimension_semantics = [], scalar_prefetch = 0 : i64, scratch_operands = 0 : i64, tpu.core_type = #tpu.core_type<tc>} {
    %get3A = arith.constant 0 : index
    %get3A_0 = arith.constant 0 : index
    %get3A_1 = arith.constant 0 : index
    %get3A_2 = vector.load %arg0[%get3A, %get3A_0, %get3A_1] : memref<2x10112x80xf32, #tpu.memory_space<vmem>>, vector<1x10000x80xf32>
    %get3A_3 = vector.shape_cast %get3A_2 : vector<1x10000x80xf32> to vector<10000x80xf32>
    %get3A_4 = arith.constant 1 : index
    %get3A_5 = arith.constant 0 : index
    %get3A_6 = arith.constant 0 : index
    %get3A_7 = vector.load %arg0[%get3A_4, %get3A_5, %get3A_6] : memref<2x10112x80xf32, #tpu.memory_space<vmem>>, vector<1x10000x80xf32>
    %get3A_8 = vector.shape_cast %get3A_7 : vector<1x10000x80xf32> to vector<10000x80xf32>
    %add3A = arith.addf %get3A_3, %get3A_8 : vector<10000x80xf32>
    %slice3A = vector.extract_strided_slice %add3A {offsets = [0, 0], sizes = [10000, 64], strides = [1, 1]} : vector<10000x80xf32> to vector<10000x64xf32>
    %slice3A_9 = vector.extract_strided_slice %add3A {offsets = [0, 64], sizes = [10000, 16], strides = [1, 1]} : vector<10000x80xf32> to vector<10000x16xf32>
    %add3A_10 = arith.constant 9.99999971E-10 : f32
    %add3A_11 = vector.broadcast %add3A_10 : f32 to vector<10000x16xf32>
    %add3A_12 = arith.addf %slice3A_9, %add3A_11 : vector<10000x16xf32>
    %concatenate3A = tpu.concatenate %add3A_12, %add3A_12, %add3A_12, %add3A_12 in 1 : vector<10000x16xf32>, vector<10000x16xf32>, vector<10000x16xf32>, vector<10000x16xf32> -> vector<10000x64xf32>
    %div3A = arith.divf %slice3A, %concatenate3A : vector<10000x64xf32>
    %get3A_13 = arith.constant 0 : index
    %get3A_14 = vector.load %arg2[%get3A_13] : memref<64xf32, #tpu.memory_space<vmem>>, vector<64xf32>
    %broadcast_in_dim3A = vector.shape_cast %get3A_14 : vector<64xf32> to vector<1x64xf32>
    %add3A_15 = vector.broadcast %broadcast_in_dim3A : vector<1x64xf32> to vector<10000x64xf32>
    %add3A_16 = arith.addf %div3A, %add3A_15 : vector<10000x64xf32>
    %gt3A = arith.constant 0.000000e+00 : f32
    %gt3A_17 = vector.broadcast %gt3A : f32 to vector<10000x64xf32>
    %gt3A_18 = arith.cmpf ogt, %add3A_16, %gt3A_17 : vector<10000x64xf32>
    %min3A = arith.constant 0.000000e+00 : f32
    %min3A_19 = vector.broadcast %min3A : f32 to vector<10000x64xf32>
    %min3A_20 = arith.minimumf %add3A_16, %min3A_19 : vector<10000x64xf32>
    %exp3A = math.exp %min3A_20 : vector<10000x64xf32>
    %sub3A = arith.constant 1.000000e+00 : f32
    %sub3A_21 = vector.broadcast %sub3A : f32 to vector<10000x64xf32>
    %sub3A_22 = arith.subf %exp3A, %sub3A_21 : vector<10000x64xf32>
    %select_n3A = arith.select %gt3A_18, %add3A_16, %sub3A_22 : vector<10000x64xi1>, vector<10000x64xf32>
    %get3A_23 = arith.constant 0 : index
    %get3A_24 = arith.constant 0 : index
    %get3A_25 = vector.load %arg1[%get3A_23, %get3A_24] : memref<64x16xf32, #tpu.memory_space<vmem>>, vector<64x16xf32>
    %dot_general3A = arith.constant dense<0.000000e+00> : vector<10000x16xf32>
    %dot_general3A_26 = tpu.matmul %select_n3A, %get3A_25, %dot_general3A {dimension_numbers = #tpu.dot_dimension_numbers<[1], [0], [0], [1], [0, 0, 1, 1], [], []>, transpose_lhs_hint = false} : vector<10000x64xf32>, vector<64x16xf32>, vector<10000x16xf32> -> vector<10000x16xf32>
    %get3A_27 = arith.constant 0 : index
    %get3A_28 = arith.constant 0 : index
    %get3A_29 = vector.load %arg3[%get3A_27, %get3A_28] : memref<1x16xf32, #tpu.memory_space<vmem>>, vector<1x16xf32>
    %transpose3A = tpu.transpose %get3A_29, [1, 0] : vector<1x16xf32> -> vector<16x1xf32>
    %dot_general3A_30 = arith.constant dense<0.000000e+00> : vector<10000x1xf32>
    %dot_general3A_31 = tpu.matmul %dot_general3A_26, %transpose3A, %dot_general3A_30 {dimension_numbers = #tpu.dot_dimension_numbers<[1], [0], [0], [1], [0, 0, 1, 1], [], []>, transpose_lhs_hint = false} : vector<10000x16xf32>, vector<16x1xf32>, vector<10000x1xf32> -> vector<10000x1xf32>
    %get3A_32 = arith.constant 0 : index
    %get3A_33 = arith.constant 0 : index
    %get3A_34 = vector.load %arg4[%get3A_32, %get3A_33] : memref<1x16xf32, #tpu.memory_space<vmem>>, vector<1x16xf32>
    %transpose3A_35 = tpu.transpose %get3A_34, [1, 0] : vector<1x16xf32> -> vector<16x1xf32>
    %dot_general3A_36 = arith.constant dense<0.000000e+00> : vector<10000x1xf32>
    %dot_general3A_37 = tpu.matmul %dot_general3A_26, %transpose3A_35, %dot_general3A_36 {dimension_numbers = #tpu.dot_dimension_numbers<[1], [0], [0], [1], [0, 0, 1, 1], [], []>, transpose_lhs_hint = false} : vector<10000x16xf32>, vector<16x1xf32>, vector<10000x1xf32> -> vector<10000x1xf32>
    %broadcast_in_dim3A_38 = vector.shape_cast %dot_general3A_31 : vector<10000x1xf32> to vector<10000x1xf32>
    %broadcast_in_dim3A_39 = vector.broadcast %broadcast_in_dim3A_38 : vector<10000x1xf32> to vector<10000x16xf32>
    %concatenate3A_40 = tpu.concatenate %dot_general3A_26, %broadcast_in_dim3A_39 in 1 : vector<10000x16xf32>, vector<10000x16xf32> -> vector<10000x32xf32>
    %get3A_41 = arith.constant 0 : index
    %get3A_42 = arith.constant 0 : index
    %get3A_43 = vector.load %arg5[%get3A_41, %get3A_42] : memref<32x32xf32, #tpu.memory_space<vmem>>, vector<32x32xf32>
    %dot_general3A_44 = arith.constant dense<0.000000e+00> : vector<10000x32xf32>
    %dot_general3A_45 = tpu.matmul %concatenate3A_40, %get3A_43, %dot_general3A_44 {dimension_numbers = #tpu.dot_dimension_numbers<[1], [0], [0], [1], [0, 0, 1, 1], [], []>, transpose_lhs_hint = false} : vector<10000x32xf32>, vector<32x32xf32>, vector<10000x32xf32> -> vector<10000x32xf32>
    %convert_element_type3A = arith.truncf %dot_general3A_45 : vector<10000x32xf32> to vector<10000x32xbf16>
    %swap3A = arith.constant 0 : index
    %swap3A_46 = arith.constant 0 : index
    %swap3A_47 = vector.load %arg6[%swap3A, %swap3A_46] : memref<10000x32xbf16, #tpu.memory_space<vmem>>, vector<10000x32xbf16>
    tpu.vector_store %arg6[%swap3A, %swap3A_46], %convert_element_type3A {strides = array<i32>} : memref<10000x32xbf16, #tpu.memory_space<vmem>>, vector<10000x32xbf16>,
    %broadcast_in_dim3A_48 = vector.shape_cast %dot_general3A_37 : vector<10000x1xf32> to vector<10000x1xf32>
    %broadcast_in_dim3A_49 = vector.broadcast %broadcast_in_dim3A_48 : vector<10000x1xf32> to vector<10000x16xf32>
    %swap3A_50 = arith.constant 0 : index
    %swap3A_51 = arith.constant 0 : index
    %swap3A_52 = vector.load %arg7[%swap3A_50, %swap3A_51] : memref<10000x16xf32, #tpu.memory_space<vmem>>, vector<10000x16xf32>
    tpu.vector_store %arg7[%swap3A_50, %swap3A_51], %broadcast_in_dim3A_49 {strides = array<i32>} : memref<10000x16xf32, #tpu.memory_space<vmem>>, vector<10000x16xf32>,
    return
  }
}

module attributes {stable_mosaic.version = 14 : i64} {
  func.func @body(%arg0: memref<2x10112x32xf32, #tpu.memory_space<vmem>>, %arg1: memref<10000x16xf32, #tpu.memory_space<vmem>>) attributes {dimension_semantics = [], scalar_prefetch = 0 : i64, scratch_operands = 0 : i64, tpu.core_type = #tpu.core_type<tc>} {
    %get3A = arith.constant 0 : index
    %get3A_0 = arith.constant 0 : index
    %get3A_1 = arith.constant 0 : index
    %get3A_2 = vector.load %arg0[%get3A, %get3A_0, %get3A_1] : memref<2x10112x32xf32, #tpu.memory_space<vmem>>, vector<1x10000x32xf32>
    %get3A_3 = vector.shape_cast %get3A_2 : vector<1x10000x32xf32> to vector<10000x32xf32>
    %get3A_4 = arith.constant 1 : index
    %get3A_5 = arith.constant 0 : index
    %get3A_6 = arith.constant 0 : index
    %get3A_7 = vector.load %arg0[%get3A_4, %get3A_5, %get3A_6] : memref<2x10112x32xf32, #tpu.memory_space<vmem>>, vector<1x10000x32xf32>
    %get3A_8 = vector.shape_cast %get3A_7 : vector<1x10000x32xf32> to vector<10000x32xf32>
    %add3A = arith.addf %get3A_3, %get3A_8 : vector<10000x32xf32>
    %slice3A = vector.extract_strided_slice %add3A {offsets = [0, 0], sizes = [10000, 16], strides = [1, 1]} : vector<10000x32xf32> to vector<10000x16xf32>
    %slice3A_9 = vector.extract_strided_slice %add3A {offsets = [0, 16], sizes = [10000, 16], strides = [1, 1]} : vector<10000x32xf32> to vector<10000x16xf32>
    %add3A_10 = arith.constant 9.99999971E-10 : f32
    %add3A_11 = vector.broadcast %add3A_10 : f32 to vector<10000x16xf32>
    %add3A_12 = arith.addf %slice3A_9, %add3A_11 : vector<10000x16xf32>
    %div3A = arith.divf %slice3A, %add3A_12 : vector<10000x16xf32>
    %swap3A = arith.constant 0 : index
    %swap3A_13 = arith.constant 0 : index
    %swap3A_14 = vector.load %arg1[%swap3A, %swap3A_13] : memref<10000x16xf32, #tpu.memory_space<vmem>>, vector<10000x16xf32>
    tpu.vector_store %arg1[%swap3A, %swap3A_13], %div3A {strides = array<i32>} : memref<10000x16xf32, #tpu.memory_space<vmem>>, vector<10000x16xf32>,
    return
  }
}

</mosaic_0001>

<sc_bundles>
// kernel: kernel.10.cloned.1.call-start
scs
__scs_entry_jumppad:
0x0: {  	(pc) =	sbr.rel $0x88, $3  }
0x1: {  	(tag) =	ssettag $0x0;
	lr =	simm.s32 $0x1  }
0x2: {  	[smem:$0x3F98] =	sst lr;
	_ =	strace $0xD0000000  }
0x3: {  	_ = 	snop  }
0x4: {  	_ = 	snop  }
0x5: {  	_ = 	snop  }
0x6: {  	_ = 	snop  }
0x7: {  	_ = 	snop  }
__scs_overlays_trampoline_lowered:
0x8: {  	[smem:$0x3FA7] =	sst s0  }
0x9: {  	[smem:$0x3FA8] =	sst s1  }
0xa: {  	[smem:$0x3FA9] =	sst s2  }
0xb: {  	[smem:$0x3FAA] =	sst s3  }
0xc: {  	[smem:$0x3FAB] =	sst s4  }
0xd: {  	[smem:$0x3FAC] =	sst s5  }
0xe: {  	[smem:$0x3FAD] =	sst s6  }
0xf: {  	[smem:$0x3FAE] =	sst s7  }
0x10: {  	[smem:$0x3FAF] =	sst s8  }
0x11: {  	[smem:$0x3FB0] =	sst s9;
	s0 =	simm.s32 @!p0 $0x0  }
0x12: {  	s1 =	sld [smem:$0x3F96];
	s0 =	simm.s32 @p0 $0x1  }
0x13: {  	[smem:$0x3FB1] =	sst s0;
	s0 =	simm.s32 @!p1 $0x0  }
0x14: {  	s2 =	sld [smem:$0x3F95];
	s0 =	simm.s32 @p1 $0x1  }
0x15: {  	[smem:$0x3FB2] =	sst s0;
	s0 =	simm.s32 @!p2 $0x0  }
0x16: {  	s3 =	sld [smem:$0x3FDB];
	s0 =	simm.s32 @p2 $0x1  }
0x17: {  	s4 =	simm.s32 $0x1BF5;
	[smem:$0x3FB4] =	sst s0  }
0x18: {  	s0 =	sld [smem:$0x3F97];
	_ =	swait.ge [sflag:s4], $0x0  }
0x19: {  	s7 =	sld [smem:$0x3F98]  }
0x1a: {  	s8 =	sadd.s32 $0xFFFFE003, lr  }
0x1b: {  	s9 =	sadd.s32 $0xFFFFFEF7, lr;
	s5 =	simm.s32 $0xFFFFFFFF;
	p2 =	slt.u32 s8, $0xFFFFF086  }
0x1c: {  	p1 =	slt.u32 s9, $0xF7A;
	s5 =	simm.s32 @!p2 $0x0  }
0x1d: {  	s5 =	simm.s32 @p1 $0x1;
	p0 =	seq.s32 s7, s2  }
0x1e: {  	s7 =	smul.u32 @!p0 $0xF7A, s2;
	p2 =	seq.s32 @!p0 s5, $0x0  }
0x1f: {  	s9 =	smul.u32 $0xF7A, s1;
	s8 =	simm.s32 @!p0 $0x1BF5;
	p2 =	por !p2, p0  }
0x20: {  	[sflag:s8] =	ssyncset.s32 @!p0 $0xFFFFF086;
	s6 =	sadd.s32 @!p0 s3, s7;
	s7 =	simm.s32 @!p0 $0x108  }
0x21: {  	s3 =	sadd.s32 s3, s9;
	s6 =	sadd.s32 @!p0 $0x88, s6;
	s7 =	simm.s32 @p2 $0x1082  }
0x22: {  	[simem:s7], [sflag:s8] =	dma.local @!p0 [hbm:s6], $0xF7A  }
0x23: {  	s9 =	sor.u32 $0xD0000000, s2;
	s6 =	simm.s32 $0x108;
	_ =	swait.ge @!p0 [sflag:s8], $0x0  }
0x24: {  	s3 =	sadd.s32 $0x88, s3;
	s6 =	simm.s32 @!p1 $0x1082;
	[sflag:s4] =	ssyncset.s32 $0xFFFFF086  }
0x25: {  	[simem:s6], [sflag:s4] =	dma.local [hbm:s3], $0xF7A  }
0x26: {  	[smem:$0x3F98] =	sst s1;
	(tag) =	ssettag s2;
	_ =	strace s9  }
0x27: {  	s1 =	sld [smem:$0x3FA8]  }
0x28: {  	s2 =	sld [smem:$0x3FA9]  }
0x29: {  	s4 =	sld [smem:$0x3FAB]  }
0x2a: {  	p0 =	seq.s32 s5, $0x0;
	s5 =	sld [smem:$0x3FAC]  }
0x2b: {  	s6 =	sld [smem:$0x3FAD]  }
0x2c: {  	s7 =	sld [smem:$0x3FAE]  }
0x2d: {  	s3 =	simm.s32 $0x108;
	s8 =	sld [smem:$0x3FAF]  }
0x2e: {  	s3 =	simm.s32 @!p0 $0x1082;
	s9 =	sld [smem:$0x3FB0]  }
0x2f: {  	lr =	sadd.s32 s0, s3;
	s0 =	sld [smem:$0x3FA7]  }
0x30: {  	s3 =	sld [smem:$0x3FAA]  }
0x31: {  	[smem:$0x3FB3] =	sst s10  }
0x32: {  	s10 =	sld [smem:$0x3FB1];
	_ =	sdelay $0x3  }
0x33: {  	p0 =	seq.s32 s10, $0x1;
	s10 =	sld [smem:$0x3FB3];
	_ =	sdelay $0x3  }
0x34: {  	[smem:$0x3FB3] =	sst s10  }
0x35: {  	s10 =	sld [smem:$0x3FB2];
	_ =	sdelay $0x3  }
0x36: {  	p1 =	seq.s32 s10, $0x1;
	s10 =	sld [smem:$0x3FB3];
	_ =	sdelay $0x3  }
0x37: {  	[smem:$0x3FB3] =	sst s10  }
0x38: {  	s10 =	sld [smem:$0x3FB4]  }
0x39: {  	_ = 	snop;
	(pc) =	sbr.ind lr, $3  }
0x3a: {  	_ = 	snop  }
0x3b: {  	_ = 	snop  }
0x3c: {  	p2 =	seq.s32 s10, $0x1;
	s10 =	sld [smem:$0x3FB3]  }
0x3d: {  	_ =	shalt  }
0x3e: {  	_ =	shalt  }
0x3f: {  	_ =	shalt  }
0x40: {  	_ =	shalt  }
0x41: {  	_ =	shalt  }
0x42: {  	_ =	shalt  }
0x43: {  	_ =	shalt  }
0x44: {  	_ =	shalt  }
0x45: {  	_ =	shalt  }
0x46: {  	_ =	shalt  }
0x47: {  	_ =	shalt  }
0x48: {  	_ =	shalt  }
0x49: {  	_ =	shalt  }
0x4a: {  	_ =	shalt  }
0x4b: {  	_ =	shalt  }
0x4c: {  	_ =	shalt  }
0x4d: {  	_ =	shalt  }
0x4e: {  	_ =	shalt  }
0x4f: {  	_ =	shalt  }
0x50: {  	_ =	shalt  }
0x51: {  	_ =	shalt  }
0x52: {  	_ =	shalt  }
0x53: {  	_ =	shalt  }
0x54: {  	_ =	shalt  }
0x55: {  	_ =	shalt  }
0x56: {  	_ =	shalt  }
0x57: {  	_ =	shalt  }
0x58: {  	_ =	shalt  }
0x59: {  	_ =	shalt  }
0x5a: {  	_ =	shalt  }
0x5b: {  	_ =	shalt  }
0x5c: {  	_ =	shalt  }
0x5d: {  	_ =	shalt  }
0x5e: {  	_ =	shalt  }
0x5f: {  	_ =	shalt  }
0x60: {  	_ =	shalt  }
0x61: {  	_ =	shalt  }
0x62: {  	_ =	shalt  }
0x63: {  	_ =	shalt  }
0x64: {  	_ =	shalt  }
0x65: {  	_ =	shalt  }
0x66: {  	_ =	shalt  }
0x67: {  	_ =	shalt  }
0x68: {  	_ =	shalt  }
0x69: {  	_ =	shalt  }
0x6a: {  	_ =	shalt  }
0x6b: {  	_ =	shalt  }
0x6c: {  	_ =	shalt  }
0x6d: {  	_ =	shalt  }
0x6e: {  	_ =	shalt  }
0x6f: {  	_ =	shalt  }
0x70: {  	_ =	shalt  }
0x71: {  	_ =	shalt  }
0x72: {  	_ =	shalt  }
0x73: {  	_ =	shalt  }
0x74: {  	_ =	shalt  }
0x75: {  	_ =	shalt  }
0x76: {  	_ =	shalt  }
0x77: {  	_ =	shalt  }
0x78: {  	_ =	shalt  }
0x79: {  	_ =	shalt  }
0x7a: {  	_ =	shalt  }
0x7b: {  	_ =	shalt  }
0x7c: {  	_ =	shalt  }
0x7d: {  	_ =	shalt  }
0x7e: {  	_ =	shalt  }
0x7f: {  	_ =	shalt  }
0x80: {  	_ =	shalt  }
0x81: {  	_ =	shalt  }
0x82: {  	_ =	shalt  }
0x83: {  	_ =	shalt  }
0x84: {  	_ =	shalt  }
0x85: {  	_ =	shalt  }
0x86: {  	_ =	shalt  }
0x87: {  	_ =	shalt  }
.Lfunc_end0:
.L_simem_size_0:
called_computation.1_lowered:
.L_overlay_start_0:
0x88: {  	s2 =	sld [smem:$0x3FD9]  }
0x89: {  	s3 =	sld [smem:$0x3FFE];
	_ =	sdelay $0x1  }
0x8a: {  	s1 =	srdreg.scid  }
0x8b: {  	s0 =	sand.u32 $0x1, s1  }
0x8c: {  	s17 =	sshll.u32 s0, $0xA;
	s2 =	sadd.s32 s3, s2  }
0x8d: {  	s2 =	sadd.s32 s2, s17  }
0x8e: {  	[smem:$0x3FBF] =	sst s2  }
0x8f: {  	_ = 	snop  }
0x90: {  	s2 =	sld [smem:$0x3FD0];
	(tm) =	ssettm $0x1  }
0x91: {  	s18 =	sld [smem:$0x3FFB];
	_ =	sdelay $0x3  }
0x92: {  	_ =	strace s18  }
0x93: {  	s3 =	sld [smem:$0x3FFC];
	_ =	sdelay $0x3  }
0x94: {  	_ =	strace s3  }
0x95: {  	s3 =	sld [smem:$0x3FFD];
	_ =	sdelay $0x3  }
0x96: {  	_ =	strace s3  }
0x97: {  	_ =	strace $0x8FFFFFFF  }
0x98: {  	s19 =	sld [smem:$0x3FDB];
	_ =	sdelay $0x1  }
0x99: {  	s4 =	simm.s32 $_scs_section_size  }
0x9a: {  	s5 =	simm.s32 $_size__tile_overlayer_lowered;
	s6 =	simm.s32 $_tile_overlayer_lowered  }
0x9b: {  	s22 =	simm.s32 $0x1BFF;
	s21 =	sshll.u32 s6, $0x1;
	s3 =	sadd.s32 s4, s19  }
0x9c: {  	s7 =	simm.s32 $0x0;
	s20 =	sshll.u32 s5, $0x1;
	s5 =	sadd.s32 s21, s3  }
0x9d: {  	[timem:s7], [sflag:s22] =	dma.local [hbm:s5], s20  }
0x9e: {  	_ =	swait.ge [sflag:s22], s20  }
0x9f: {  	s4 =	ssub.s32 $0x0, s20;
	[sflag:s22] =	ssyncset.done $0x0  }
0xa0: {  	[sflag:s22] =	ssyncadd.s32 s4;
	_ =	sdelay $0x1  }
0xa1: {  	s23 =	simm.s32 $0x1B8B  }
0xa2: {  	_ =	swait.ge [sflag:s23], $0x1  }
0xa3: {  	[sflag:s23] =	ssyncset.done $0x0  }
0xa4: {  	s25 =	simm.s32 $0x1B8E;
	s24 =	sld [smem:$0x3FFE];
	[sflag:s23] =	ssyncadd.s32 $0xFFFFFFFF  }
0xa5: {  	s26 =	simm.s32 $execute0_lowered;
	[smem:$0x3FD2] =	sst s25  }
0xa6: {  	s5 =	sshll.u32 s26, $0x1;
	_ =	strace $0x80000049;
	[dreg:$0x1] =	wrdreg $0xFFFFFFFF  }
0xa7: {  	s28 =	simm.s32 $_size_execute0_lowered;
	s3 =	sadd.s32 s3, s5;
	[dreg:$0x0] =	wrdreg $0x0  }
0xa8: {  	s5 =	sshll.u32 s28, $0x1;
	[dreg:$0x2] =	wrdreg s3  }
0xa9: {  	[dreg:$0x3] =	wrdreg s5  }
0xaa: {  	[dreg:$0x4] =	wrdreg $0xC0  }
0xab: {  	_ =	task [dreg:s7], $0x5FFFF  }
0xac: {  	[dreg:$0x1] =	wrdreg $0xFFFFFFFF  }
0xad: {  	[dreg:$0x0] =	wrdreg $0x60  }
0xae: {  	[dreg:$0x2] =	wrdreg s24  }
0xaf: {  	[dreg:$0x3] =	wrdreg s2  }
0xb0: {  	[dreg:$0x4] =	wrdreg $0x0  }
0xb1: {  	[dreg:$0x5] =	wrdreg $0x9  }
0xb2: {  	_ =	task.clear_ibuf [dreg:s7], $0x6FFFF;
	_ =	strace $0x90000049  }
0xb3: {  	s29 =	simm.s32 $0x9;
	_ =	strace $0x8000004B  }
0xb4: {  	_ =	swait.ge [sflag:s29], $0x1  }
0xb5: {  	[sflag:s29] =	ssyncadd.s32 $0xFFFFFFFF  }
0xb6: {  	_ =	strace $0x9000004B  }
0xb7: {  	_ =	sfence  }
0xb8: {  	s30 =	sld [smem:$0x0];
	_ =	sdelay $0x2  }
0xb9: {  	s31 =	sshll.u32 s1, $0xD;
	s1 =	sshrl.u32 s1, $0x2  }
0xba: {  	s3 =	sand.u32 $0x4000, s31;
	s1 =	sadd.s32 s1, s30  }
0xbb: {  	s0 =	sor.u32 s3, s0;
	s1 =	sshll.u32 s1, $0x11  }
0xbc: {  	s0 =	sor.u32 s1, s0  }
0xbd: {  	s0 =	sadd.s32 $0x8F2B, s0  }
0xbe: {  	[sflag:s0] =	ssyncadd.remote.s32 $0x1  }
0xbf: {  	_ =	sfence.sel $0xFFFF  }
0xc0: {  	[dreg:$0x0] =	wrdreg $0xFFFFFFFF;
	(pc) =	sbr.abs _section_cstart, $3  }
0xc1: {  	[dreg:$0x1] =	wrdreg $0xFFFFFFFF  }
0xc2: {  	_ =	task.clear_ibuf [dreg:s7], $0x2FFFF;
	_ =	strace $0x9FFFFFFF  }
0xc3: {  	(tm) =	ssettm $0x7FFFFFFF  }
tec
execute0_lowered:
.L_overlay_start_1:
0x0: {  	(tag) =	ssettag $0x1  }
0x1: {  	s0 =	rddreg [dreg:$0x0]  }
0x2: {  	s2 =	rddreg [dreg:$0x1]  }
0x3: {  	s3 =	rddreg [dreg:$0x2]  }
0x4: {  	s1 =	srdreg.scid;
	s12 =	stileid.u32  }
0x5: {  	s4 =	simm.s32 $0x0;
	s19 =	simm.s32 $0x80;
	s24 =	simm.s32 $0x6F00  }
0x6: {  	s28 =	simm.s32 $0x3;
	s29 =	simm.s32 $0x2;
	s7 =	smul.u32 $0x4F00, s12  }
0x7: {  	s30 =	simm.s32 $0x4;
	s1 =	sand.u32 $0x1, s1;
	s11 =	smul.u32 $0x380, s12  }
0x8: {  	[smem:$0x7FF] =	sst s4;
	s5 =	sadd.s32 $0x1000, s0;
	s26 =	smul.u32 $0x13C00, s12  }
0x9: {  	s9 =	sadd.s32 $0x19C00, s0;
	s10 =	sadd.s32 $0xFC00, s0;
	s12 =	smul.u32 $0x680, s12  }
0xa: {  	s6 =	smul.u32 $0x4F000, s1;
	_ =	strace $0x8000004A;
	s8 =	ssub.s32 $0x2, s1  }
0xb: {  	p0 =	seq.s32 s1, $0x0;
	s25 =	sshrl.u32 s8, $0x1;
	s11 =	sadd.s32 $0x6800, s11  }
0xc: {  	s31 =	sshrl.u32 s26, $0x2;
	s26 =	simm.s32 $0x1;
	s6 =	sadd.s32 s7, s6  }
0xd: {  	s18 =	ssub.s32 s8, s25;
	s13 =	sadd.s32 s9, s11;
	s8 =	sadd.s32 s10, s11  }
0xe: {  	s9 =	sadd.s32 s9, s12;
	s15 =	sadd.s32 s31, s3;
	s10 =	sadd.s32 s10, s12  }
0xf: {  	s11 =	sadd.s32 s7, s3;
	s25 =	simm.s32 $0x5;
	s6 =	sshrl.u32 s6, $0x3  }
0x10: {  	[dreg:$0x4] =	wrdreg s13;
	s12 =	sadd.s32 $0x1000, s15;
	s13 =	sadd.s32 $0x2000, s15  }
0x11: {  	s14 =	sadd.s32 $0x3000, s15;
	s0 =	sadd.s32 s6, s0;
	s6 =	simm.s32 $0x68  }
0x12: {  	s15 =	sadd.s32 $0x4000, s15;
	s18 =	smax.u32 s18, $0x1;
	s6 =	simm.s32 @!p0 $0x38  }
0x13: {  	v0 =	vimm.f32 $0.0e+00;
	s17 =	sadd.s32 $0x23C00, s0;
	p0 =	sne.s32 s1, $0x0;
	s16 =	sshrl.u32 s6, $0x1  }
.LBB2_1:
0x14: {  	s0 =	simm.s32 @p0 $0x0;
	s1 =	simm.s32 @p0 $0x7F00;
	s7 =	rddreg [dreg:$0x4]  }
0x15: {  	[tilespmem:s1], [sflag:$0x5] =	stream.linear.gather @p0 [hbm4b:s7+s0], $0x1C00, $0x38;
	[tilespmem:$0xE700] =	vst v63  }
0x16: {  	s1 =	simm.s32 @p0 $0x5  }
0x17: {  	_ =	swait.ge @p0 [sflag:s1], $0x1C00  }
0x18: {  	[sflag:s1] =	ssyncset.done @p0 $0x0  }
0x19: {  	s7 =	simm.s32 @p0 $0xB300;
	[sflag:s1] =	ssyncadd.s32 @p0 $0xFFFFE400  }
0x1a: {  	[tilespmem:s7], [sflag:$0x5] =	stream.linear.gather @p0 [hbm4b:s8+s0], $0x1C00, $0x38;
	[tilespmem:$0xE700] =	vst v63  }
0x1b: {  	_ =	swait.ge @p0 [sflag:s1], $0x1C00  }
0x1c: {  	[sflag:s1] =	ssyncset.done @p0 $0x0  }
0x1d: {  	s0 =	simm.s32 @!p0 $0x0;
	[sflag:s1] =	ssyncadd.s32 @p0 $0xFFFFE400;
	s1 =	simm.s32 @!p0 $0x7F00  }
0x1e: {  	[tilespmem:s1], [sflag:$0x5] =	stream.linear.gather @!p0 [hbm4b:s9+s0], $0x3400, $0x38;
	[tilespmem:$0xE700] =	vst v63  }
0x1f: {  	s1 =	simm.s32 @!p0 $0x5  }
0x20: {  	_ =	swait.ge @!p0 [sflag:s1], $0x3400  }
0x21: {  	[sflag:s1] =	ssyncset.done @!p0 $0x0  }
0x22: {  	s7 =	simm.s32 @!p0 $0xB300;
	[sflag:s1] =	ssyncadd.s32 @!p0 $0xFFFFCC00  }
0x23: {  	[tilespmem:s7], [sflag:$0x5] =	stream.linear.gather @!p0 [hbm4b:s10+s0], $0x3400, $0x38;
	[tilespmem:$0xE700] =	vst v63  }
0x24: {  	_ =	swait.ge @!p0 [sflag:s1], $0x3400  }
0x25: {  	s21 =	simm.s32 $0x7F00;
	[sflag:s1] =	ssyncset.done @!p0 $0x0  }
0x26: {  	s22 =	simm.s32 $0x4F00;
	s23 =	simm.s32 $0xB300;
	[sflag:s1] =	ssyncadd.s32 @!p0 $0xFFFFCC00  }
0x27: {  	[tilespmem:s22], [sflag:$0x1] =	stream.indirect.gather [hbm4b:s5+s19], $0x10, s21, s19, $0xb8;
	[tilespmem:$0xE700] =	vst v63  }
0x28: {  	s31 =	simm.s32 $0x5F00;
	s0 =	simm.s32 $0x80;
	s1 =	simm.s32 $0x0  }
0x29: {  	[tilespmem:s31], [sflag:$0x3] =	stream.indirect.gather [hbm4b:s2+s19], $0x10, s23, s19, $0xb8;
	[tilespmem:$0xE700] =	vst v63  }
.LBB2_2:
0x2a: {  	p1 =	sne.s32 s0, $0x3F80;
	[tilespmem:s1+$0x6F00] =	vst v0;
	s7 =	smov.u32 s0;
	s0 =	sadd.s32 $0x80, s0  }
.Ltmp0:
0x2b: {  	[tilespmem:s1+$0x6F10] =	vst v0;
	(pc) =	sbr.rel @p1 .LBB2_2-.Ltmp0, $2  }
0x2c: {  	_ =	sdelay $0x2  }
0x2d: {  	s1 =	sshra.s32 s7, $0x2  }
0x2e: {  	[tilespmem:s1+$0x6F00] =	vst v0  }
0x2f: {  	[tilespmem:s1+$0x6F10] =	vst v0  }
0x30: {  	[spmem:s11] =	stream.linear.scatter [tilespmem:s24], [sflag:$0x5], $0x1000, $0x38;
	[tilespmem:$0xE700] =	vst v63  }
0x31: {  	_ =	swait.ge [sflag:s25], $0x1000  }
0x32: {  	[sflag:s25] =	ssyncset.done $0x0  }
0x33: {  	[sflag:s25] =	ssyncadd.s32 $0xFFFFF000  }
0x34: {  	[spmem:s12] =	stream.linear.scatter [tilespmem:s24], [sflag:$0x5], $0x1000, $0x38;
	[tilespmem:$0xE700] =	vst v63  }
0x35: {  	_ =	swait.ge [sflag:s25], $0x1000  }
0x36: {  	[sflag:s25] =	ssyncset.done $0x0  }
0x37: {  	[sflag:s25] =	ssyncadd.s32 $0xFFFFF000  }
0x38: {  	[spmem:s13] =	stream.linear.scatter [tilespmem:s24], [sflag:$0x5], $0x1000, $0x38;
	[tilespmem:$0xE700] =	vst v63  }
0x39: {  	_ =	swait.ge [sflag:s25], $0x1000  }
0x3a: {  	[sflag:s25] =	ssyncset.done $0x0  }
0x3b: {  	[sflag:s25] =	ssyncadd.s32 $0xFFFFF000  }
0x3c: {  	[spmem:s14] =	stream.linear.scatter [tilespmem:s24], [sflag:$0x5], $0x1000, $0x38;
	[tilespmem:$0xE700] =	vst v63  }
0x3d: {  	_ =	swait.ge [sflag:s25], $0x1000  }
0x3e: {  	[sflag:s25] =	ssyncset.done $0x0  }
0x3f: {  	[sflag:s25] =	ssyncadd.s32 $0xFFFFF000  }
0x40: {  	[spmem:s15] =	stream.linear.scatter [tilespmem:s24], [sflag:$0x5], $0xF00, $0x38;
	[tilespmem:$0xE700] =	vst v63  }
0x41: {  	_ =	swait.ge [sflag:s25], $0xF00  }
0x42: {  	[sflag:s25] =	ssyncset.done $0x0  }
0x43: {  	[sflag:s25] =	ssyncadd.s32 $0xFFFFF100  }
0x44: {  	s31 =	simm.s32 $0x0;
	[bflag:$0x0] =	sbarrier.arrive $0xFFFF  }
.LBB2_4:
0x45: {  	s0 =	sshllo.u32 s31, $0x1  }
0x46: {  	p1 =	sge.u32 s0, s6  }
0x47: {  	s1 =	sshll.u32 @!p1 s0, $0x7  }
0x48: {  	s20 =	simm.s32 @!p1 $0x80;
	s21 =	simm.s32 @!p1 $0x5700;
	s7 =	sadd.s32 @!p1 $0x7F00, s1  }
0x49: {  	[tilespmem:s21], [sflag:$0x2] =	stream.indirect.gather @!p1 [hbm4b:s5+s20], $0x10, s7, s20, $0xb8;
	[tilespmem:$0xE700] =	vst v63  }
0x4a: {  	s1 =	sadd.s32 @!p1 $0xB300, s1;
	s7 =	simm.s32 @!p1 $0x6700  }
0x4b: {  	[tilespmem:s7], [sflag:$0x4] =	stream.indirect.gather @!p1 [hbm4b:s2+s20], $0x10, s1, s20, $0xb8;
	[tilespmem:$0xE700] =	vst v63  }
0x4c: {  	_ =	swait.ge [sflag:s26], $0x800  }
0x4d: {  	[sflag:s26] =	ssyncset.done $0x0  }
0x4e: {  	[sflag:s26] =	ssyncadd.s32 $0xFFFFF800  }
0x4f: {  	_ =	swait.ge [sflag:s28], $0x800  }
0x50: {  	[sflag:s28] =	ssyncset.done $0x0  }
0x51: {  	s7 =	simm.s32 $0x4F20;
	[sflag:s28] =	ssyncadd.s32 $0xFFFFF800  }
0x52: {  	s20 =	simm.s32 $0x5F20;
	v6 =	vld [tilespmem:s7+$0x10]  }
0x53: {  	v1 =	vld [tilespmem:s20+$0x10]  }
0x54: {  	v2 =	vld [tilespmem:s7+$0xFFFFFFF0]  }
0x55: {  	v4 =	vld [tilespmem:s7+$0x0]  }
0x56: {  	v5 =	vld [tilespmem:s7+$0xFFFFFFE0]  }
0x57: {  	v3 =	vld [tilespmem:s20+$0xFFFFFFE0]  }
0x58: {  	v8 =	vld [tilespmem:s20+$0xFFFFFFF0];
	v7 =	vunpack.i.u.bf16.f32 v6  }
0x59: {  	v1 =	vadd.f32 v1, v7;
	v7 =	vld [tilespmem:s20+$0x0];
	_ =	sdelay $0x1  }
0x5a: {  	s21 =	simm.s32 $0x4F60;
	v10 =	vunpack.i.u.bf16.f32 v5;
	v9 =	vmul.f32 $2.000000030e-01, v1  }
0x5b: {  	v14 =	vld [tilespmem:s21+$0xFFFFFFF0];
	v11 =	vunpack.i.u.bf16.f32 v2;
	v10 =	vadd.f32 v3, v10  }
0x5c: {  	s22 =	simm.s32 $0x5F60;
	v12 =	vunpack.i.u.bf16.f32 v4;
	v3 =	vld [tilespmem:s21+$0x10];
	v8 =	vadd.f32 v8, v11;
	v1 =	vmax.f32 v1, v9  }
0x5d: {  	v13 =	vmul.f32 $2.000000030e-01, v10;
	v9 =	vld [tilespmem:s22+$0x10];
	v11 =	vmul.f32 $1.442695020e+00, v1;
	v12 =	vadd.f32 v7, v12  }
0x5e: {  	v15 =	vld [tilespmem:s21+$0x0];
	v1 =	vunpack.i.l.bf16.f32 v2;
	v2 =	vmul.f32 $2.000000030e-01, v8  }
0x5f: {  	v10 =	vmax.f32 v10, v13;
	v13 =	vld [tilespmem:s21+$0xFFFFFFE0];
	(erf) = vpow2.f32 v11;
	v11 =	vmul.f32 $2.000000030e-01, v12  }
0x60: {  	v18 =	vunpack.i.l.bf16.f32 v5;
	v7 =	vunpack.i.l.bf16.f32 v4;
	v4 =	vmul.f32 $1.442695020e+00, v10;
	v10 =	vld [tilespmem:s22+$0xFFFFFFE0]  }
0x61: {  	v5 =	vunpack.i.u.bf16.f32 v3;
	v2 =	vmax.f32 v8, v2;
	v8 =	vmax.f32 v12, v11;
	v11 =	vld [tilespmem:s22+$0xFFFFFFF0]  }
0x62: {  	v16 =	vld [tilespmem:s22+$0x0];
	v17 =	vunpack.i.u.bf16.f32 v14;
	v2 =	vmul.f32 $1.442695020e+00, v2;
	v12 =	vadd.f32 v9, v5  }
0x63: {  	(erf) = vpow2.f32 v4;
	v5 =	vunpack.i.l.bf16.f32 v14;
	v8 =	vmul.f32 $1.442695020e+00, v8  }
0x64: {  	(erf) = vpow2.f32 v2;
	v2 =	vunpack.i.u.bf16.f32 v13;
	v19 =	vmul.f32 $2.000000030e-01, v12  }
0x65: {  	s23 =	simm.s32 $0x4FA0;
	v14 =	vunpack.i.u.bf16.f32 v15;
	(erf) = vpow2.f32 v8;
	v8 =	vadd.f32 v10, v2  }
0x66: {  	s21 =	simm.s32 $0x5FA0;
	v4 =	vunpack.i.l.bf16.f32 v13;
	v9 =	vld [tilespmem:s23+$0x10];
	v10 =	vadd.f32 v11, v17;
	v11 =	vmax.f32 v12, v19  }
0x67: {  	v14 =	vadd.f32 v16, v14;
	v12 =	vld [tilespmem:s21+$0x10];
	v13 =	vmul.f32 $2.000000030e-01, v8;
	v11 =	vmul.f32 $1.442695020e+00, v11  }
0x68: {  	v6 =	vunpack.i.l.bf16.f32 v6;
	v17 =	vmul.f32 $2.000000030e-01, v10  }
0x69: {  	v16 =	vld [tilespmem:s23+$0xFFFFFFF0];
	v8 =	vmax.f32 v8, v13;
	v13 =	vmul.f32 $2.000000030e-01, v14;
	(erf) = vpow2.f32 v11  }
0x6a: {  	v20 =	vld [tilespmem:s23+$0xFFFFFFE0];
	v2 =	vunpack.i.l.bf16.f32 v15;
	v8 =	vmul.f32 $1.442695020e+00, v8;
	v10 =	vmax.f32 v10, v17  }
0x6b: {  	v19 =	vld [tilespmem:s23+$0x0];
	v15 =	vpop (erf);
	v11 =	vunpack.i.u.bf16.f32 v9;
	v13 =	vmax.f32 v14, v13;
	v10 =	vmul.f32 $1.442695020e+00, v10  }
0x6c: {  	s22 =	simm.s32 $0x6F40;
	v6 =	vmul.f32 v15, v6;
	v17 =	vld [tilespmem:s21+$0xFFFFFFE0];
	v21 =	vadd.f32 v12, v11;
	v11 =	vmul.f32 $1.442695020e+00, v13  }
0x6d: {  	[tilespmem:s22+$0x30] =	vst v15;
	v15 =	vld [tilespmem:s21+$0xFFFFFFF0];
	(erf) = vpow2.f32 v8  }
0x6e: {  	v22 =	vpop (erf);
	v14 =	vunpack.i.u.bf16.f32 v16;
	[tilespmem:s22+$0x20] =	vst v6;
	v6 =	vunpack.i.l.bf16.f32 v16;
	v16 =	vld [tilespmem:s21+$0x0];
	(erf) = vpow2.f32 v10  }
0x6f: {  	v24 =	vunpack.i.u.bf16.f32 v20;
	[tilespmem:s22+$0xFFFFFFD0] =	vst v22;
	v23 =	vmul.f32 $2.000000030e-01, v21;
	v10 =	vpop (erf);
	(erf) = vpow2.f32 v11  }
0x70: {  	s1 =	simm.s32 $0x8;
	v18 =	vmul.f32 v22, v18;
	v13 =	vunpack.i.u.bf16.f32 v19;
	v12 =	vunpack.i.l.bf16.f32 v20;
	v11 =	vpop (erf);
	[tilespmem:s22+$0xFFFFFFF0] =	vst v10  }
0x71: {  	s7 =	simm.s32 $0x4FE0;
	s20 =	sshll.u32 s31, $0x1;
	s23 =	simm.s32 $0x6F40;
	v8 =	vunpack.i.l.bf16.f32 v19;
	v17 =	vadd.f32 v17, v24;
	v19 =	vmax.f32 v21, v23;
	[tilespmem:s22+$0x10] =	vst v11  }
.LBB2_5:
0x72: {  	v20 =	vld [tilespmem:s7+$0x10];
	s1 =	sadd.s32 $0x4, s1;
	v14 =	vadd.f32 v15, v14;
	v15 =	vmul.f32 $1.442695020e+00, v19;
	s21 =	sadd.s32 $0x40, s21;
	v22 =	vunpack.i.l.bf16.f32 v3;
	v19 =	vpop (erf)  }
0x73: {  	v3 =	vmovc v9;
	v21 =	vld [tilespmem:s21+$0x10];
	p1 =	slt.u32 s1, $0x7C;
	v25 =	vmul.f32 $2.000000030e-01, v17;
	v13 =	vadd.f32 v16, v13;
	v16 =	vmul.f32 v19, v22;
	[tilespmem:s22+$0xFFFFFFC0] =	vst v18  }
0x74: {  	v23 =	vmov v12;
	s22 =	sadd.s32 $0x80, s22;
	v18 =	vld [tilespmem:s7+$0xFFFFFFF0];
	v9 =	vmul.f32 $2.000000030e-01, v14;
	(erf) = vpow2.f32 v15  }
0x75: {  	v24 =	vld [tilespmem:s7+$0x0];
	v12 =	vmax.f32 v17, v25;
	v15 =	vmul.f32 $2.000000030e-01, v13;
	[tilespmem:s22+$0x20] =	vst v16;
	v16 =	vmul.f32 v10, v1;
	v1 =	vmovc v5  }
0x76: {  	v7 =	vmul.f32 v11, v7;
	v17 =	vld [tilespmem:s7+$0xFFFFFFE0];
	v26 =	vmul.f32 $1.442695020e+00, v12;
	v9 =	vmax.f32 v14, v9;
	[tilespmem:s22+$0x30] =	vst v19;
	v22 =	vpop (erf)  }
0x77: {  	v19 =	vld [tilespmem:s21+$0xFFFFFFE0];
	v14 =	vunpack.i.u.bf16.f32 v20;
	v25 =	vmul.f32 $1.442695020e+00, v9;
	v12 =	vmax.f32 v13, v15;
	v10 =	vpop (erf);
	[tilespmem:s23+$0xFFFFFFE0] =	vst v16  }
.Ltmp1:
0x78: {  	v15 =	vld [tilespmem:s21+$0xFFFFFFF0];
	v21 =	vadd.f32 v21, v14;
	v12 =	vmul.f32 $1.442695020e+00, v12;
	(erf) = vpow2.f32 v26;
	v11 =	vpop (erf);
	[tilespmem:s23+$0x0] =	vst v7;
	s23 =	smov.u32 s22;
	(pc) =	sbr.rel @p1 .LBB2_5-.Ltmp1, $4  }
0x79: {  	v5 =	vmovc v6;
	v14 =	vunpack.i.u.bf16.f32 v18;
	v16 =	vld [tilespmem:s21+$0x0];
	(erf) = vpow2.f32 v25;
	[tilespmem:s22+$0xFFFFFFD0] =	vst v22;
	v9 =	vmovc v20;
	v6 =	vunpack.i.l.bf16.f32 v18  }
0x7a: {  	v7 =	vmovc v2;
	v2 =	vmovc v8;
	v13 =	vunpack.i.u.bf16.f32 v24;
	v18 =	vmul.f32 $2.000000030e-01, v21;
	(erf) = vpow2.f32 v12;
	[tilespmem:s22+$0xFFFFFFF0] =	vst v10  }
0x7b: {  	v8 =	vunpack.i.l.bf16.f32 v24;
	v20 =	vunpack.i.u.bf16.f32 v17;
	v12 =	vunpack.i.l.bf16.f32 v17;
	[tilespmem:s22+$0x10] =	vst v11  }
0x7c: {  	s7 =	sadd.s32 $0x40, s7;
	v17 =	vadd.f32 v19, v20;
	v19 =	vmax.f32 v21, v18;
	v18 =	vmul.f32 v22, v4;
	v4 =	vmovc v23  }
0x7d: {  	v19 =	vmul.f32 $1.442695020e+00, v19  }
0x7e: {  	v14 =	vadd.f32 v15, v14  }
0x7f: {  	v3 =	vunpack.i.l.bf16.f32 v3;
	v15 =	vpop (erf);
	(erf) = vpow2.f32 v19;
	v19 =	vmul.f32 $2.000000030e-01, v17  }
0x80: {  	v13 =	vadd.f32 v16, v13;
	v3 =	vmul.f32 v15, v3;
	v16 =	vmul.f32 $2.000000030e-01, v14  }
0x81: {  	s1 =	sadd.s32 $0x80, s22;
	v1 =	vmul.f32 v10, v1;
	[tilespmem:s22+$0xFFFFFFC0] =	vst v18;
	v17 =	vmax.f32 v17, v19  }
0x82: {  	v18 =	vmul.f32 $2.000000030e-01, v13;
	[tilespmem:s1+$0x20] =	vst v3;
	v10 =	vmax.f32 v14, v16;
	v3 =	vmul.f32 $1.442695020e+00, v17  }
0x83: {  	v7 =	vmul.f32 v11, v7;
	[tilespmem:s1+$0x30] =	vst v15;
	v10 =	vmul.f32 $1.442695020e+00, v10  }
0x84: {  	[tilespmem:s23+$0xFFFFFFE0] =	vst v1;
	v11 =	vmax.f32 v13, v18;
	v13 =	vpop (erf);
	(erf) = vpow2.f32 v3  }
0x85: {  	[tilespmem:s23+$0x0] =	vst v7;
	v1 =	vmul.f32 $1.442695020e+00, v11;
	(erf) = vpow2.f32 v10  }
0x86: {  	[tilespmem:s1+$0xFFFFFFD0] =	vst v13;
	v3 =	vpop (erf)  }
0x87: {  	v7 =	vpop (erf);
	(erf) = vpow2.f32 v1;
	[tilespmem:s1+$0xFFFFFFF0] =	vst v3;
	v1 =	vmul.f32 v13, v4  }
0x88: {  	[tilespmem:s1+$0x10] =	vst v7  }
0x89: {  	s7 =	sadd.s32 $0x80, s1;
	v4 =	vunpack.i.l.bf16.f32 v9;
	v9 =	vpop (erf);
	v2 =	vmul.f32 v7, v2;
	[tilespmem:s1+$0xFFFFFFC0] =	vst v1;
	v1 =	vmul.f32 v3, v5  }
0x8a: {  	v4 =	vmul.f32 v9, v4;
	[tilespmem:s7+$0x30] =	vst v9  }
0x8b: {  	[tilespmem:s1+$0x0] =	vst v2  }
0x8c: {  	[tilespmem:s7+$0x20] =	vst v4  }
0x8d: {  	[tilespmem:s1+$0xFFFFFFE0] =	vst v1;
	v1 =	vpop (erf)  }
0x8e: {  	v2 =	vpop (erf);
	[tilespmem:s7+$0xFFFFFFD0] =	vst v1;
	v1 =	vmul.f32 v1, v12  }
0x8f: {  	[tilespmem:s7+$0xFFFFFFF0] =	vst v2  }
0x90: {  	v2 =	vmul.f32 v2, v6;
	v3 =	vpop (erf);
	[tilespmem:s7+$0xFFFFFFC0] =	vst v1  }
0x91: {  	s23 =	sshll.u32 s31, $0xA;
	[tilespmem:s7+$0x10] =	vst v3;
	v1 =	vmul.f32 v3, v8  }
0x92: {  	s1 =	sshra.s32 s23, $0x2;
	[tilespmem:s7+$0xFFFFFFE0] =	vst v2  }
0x93: {  	s1 =	sadd.s32 $0xB300, s1;
	[tilespmem:s7+$0x0] =	vst v1  }
0x94: {  	[spmem:s3] =	stream.indirect.scatter.add.f32 [tilespmem:s24], [sflag:$0x5], $0x20, s1, s19, $0xb8;
	[tilespmem:$0xE700] =	vst v63  }
0x95: {  	s1 =	sadd.s32 $0x2, s20  }
0x96: {  	_ =	swait.ge [sflag:s25], $0x1000;
	p1 =	sge.u32 s1, s6  }
0x97: {  	[sflag:s25] =	ssyncset.done $0x0;
	s1 =	sshll.u32 @!p1 s1, $0x7;
	s20 =	simm.s32 @!p1 $0x80  }
0x98: {  	s21 =	simm.s32 @!p1 $0x4F00;
	[sflag:s25] =	ssyncadd.s32 $0xFFFFF000;
	s7 =	sadd.s32 @!p1 $0x7F00, s1  }
0x99: {  	[tilespmem:s21], [sflag:$0x1] =	stream.indirect.gather @!p1 [hbm4b:s5+s20], $0x10, s7, s20, $0xb8;
	[tilespmem:$0xE700] =	vst v63  }
0x9a: {  	s1 =	sadd.s32 @!p1 $0xB300, s1;
	s7 =	simm.s32 @!p1 $0x5F00  }
0x9b: {  	[tilespmem:s7], [sflag:$0x3] =	stream.indirect.gather @!p1 [hbm4b:s2+s20], $0x10, s1, s20, $0xb8;
	[tilespmem:$0xE700] =	vst v63  }
0x9c: {  	_ =	swait.ge [sflag:s29], $0x800  }
0x9d: {  	[sflag:s29] =	ssyncset.done $0x0  }
0x9e: {  	[sflag:s29] =	ssyncadd.s32 $0xFFFFF800  }
0x9f: {  	_ =	swait.ge [sflag:s30], $0x800  }
0xa0: {  	[sflag:s30] =	ssyncset.done $0x0  }
0xa1: {  	s7 =	simm.s32 $0x5730;
	[sflag:s30] =	ssyncadd.s32 $0xFFFFF800  }
0xa2: {  	s20 =	simm.s32 $0x6730;
	v6 =	vld [tilespmem:s7+$0x0]  }
0xa3: {  	v1 =	vld [tilespmem:s20+$0x0]  }
0xa4: {  	v2 =	vld [tilespmem:s7+$0xFFFFFFE0]  }
0xa5: {  	v4 =	vld [tilespmem:s7+$0xFFFFFFF0]  }
0xa6: {  	v5 =	vld [tilespmem:s7+$0xFFFFFFD0]  }
0xa7: {  	v3 =	vld [tilespmem:s20+$0xFFFFFFD0]  }
0xa8: {  	v8 =	vld [tilespmem:s20+$0xFFFFFFE0];
	v7 =	vunpack.i.u.bf16.f32 v6  }
0xa9: {  	v1 =	vadd.f32 v1, v7;
	v7 =	vld [tilespmem:s20+$0xFFFFFFF0];
	_ =	sdelay $0x1  }
0xaa: {  	s21 =	simm.s32 $0x5770;
	v10 =	vunpack.i.u.bf16.f32 v5;
	v9 =	vmul.f32 $2.000000030e-01, v1  }
0xab: {  	v14 =	vld [tilespmem:s21+$0xFFFFFFE0];
	v11 =	vunpack.i.u.bf16.f32 v2;
	v10 =	vadd.f32 v3, v10  }
0xac: {  	s22 =	simm.s32 $0x6770;
	v12 =	vunpack.i.u.bf16.f32 v4;
	v3 =	vld [tilespmem:s21+$0x0];
	v8 =	vadd.f32 v8, v11;
	v1 =	vmax.f32 v1, v9  }
0xad: {  	v13 =	vmul.f32 $2.000000030e-01, v10;
	v9 =	vld [tilespmem:s22+$0x0];
	v11 =	vmul.f32 $1.442695020e+00, v1;
	v12 =	vadd.f32 v7, v12  }
0xae: {  	v15 =	vld [tilespmem:s21+$0xFFFFFFF0];
	v1 =	vunpack.i.l.bf16.f32 v2;
	v2 =	vmul.f32 $2.000000030e-01, v8  }
0xaf: {  	v10 =	vmax.f32 v10, v13;
	v13 =	vld [tilespmem:s21+$0xFFFFFFD0];
	(erf) = vpow2.f32 v11;
	v11 =	vmul.f32 $2.000000030e-01, v12  }
0xb0: {  	v18 =	vunpack.i.l.bf16.f32 v5;
	v7 =	vunpack.i.l.bf16.f32 v4;
	v4 =	vmul.f32 $1.442695020e+00, v10;
	v10 =	vld [tilespmem:s22+$0xFFFFFFD0]  }
0xb1: {  	v5 =	vunpack.i.u.bf16.f32 v3;
	v2 =	vmax.f32 v8, v2;
	v8 =	vmax.f32 v12, v11;
	v11 =	vld [tilespmem:s22+$0xFFFFFFE0]  }
0xb2: {  	v16 =	vld [tilespmem:s22+$0xFFFFFFF0];
	v17 =	vunpack.i.u.bf16.f32 v14;
	v2 =	vmul.f32 $1.442695020e+00, v2;
	v12 =	vadd.f32 v9, v5  }
0xb3: {  	(erf) = vpow2.f32 v4;
	v5 =	vunpack.i.l.bf16.f32 v14;
	v8 =	vmul.f32 $1.442695020e+00, v8  }
0xb4: {  	(erf) = vpow2.f32 v2;
	v2 =	vunpack.i.u.bf16.f32 v13;
	v19 =	vmul.f32 $2.000000030e-01, v12  }
0xb5: {  	s23 =	simm.s32 $0x57B0;
	v14 =	vunpack.i.u.bf16.f32 v15;
	(erf) = vpow2.f32 v8;
	v8 =	vadd.f32 v10, v2  }
0xb6: {  	s20 =	simm.s32 $0x67B0;
	v4 =	vunpack.i.l.bf16.f32 v13;
	v9 =	vld [tilespmem:s23+$0x0];
	v10 =	vadd.f32 v11, v17;
	v11 =	vmax.f32 v12, v19  }
0xb7: {  	v14 =	vadd.f32 v16, v14;
	v12 =	vld [tilespmem:s20+$0x0];
	v13 =	vmul.f32 $2.000000030e-01, v8;
	v11 =	vmul.f32 $1.442695020e+00, v11  }
0xb8: {  	v2 =	vunpack.i.l.bf16.f32 v15;
	v17 =	vmul.f32 $2.000000030e-01, v10  }
0xb9: {  	v16 =	vld [tilespmem:s23+$0xFFFFFFE0];
	v15 =	vpop (erf);
	v8 =	vmax.f32 v8, v13;
	v13 =	vmul.f32 $2.000000030e-01, v14;
	(erf) = vpow2.f32 v11  }
0xba: {  	v20 =	vld [tilespmem:s23+$0xFFFFFFD0];
	v6 =	vunpack.i.l.bf16.f32 v6;
	v8 =	vmul.f32 $1.442695020e+00, v8;
	v10 =	vmax.f32 v10, v17  }
0xbb: {  	v19 =	vld [tilespmem:s23+$0xFFFFFFF0];
	v11 =	vunpack.i.u.bf16.f32 v9;
	v13 =	vmax.f32 v14, v13;
	v10 =	vmul.f32 $1.442695020e+00, v10  }
0xbc: {  	s21 =	simm.s32 $0x6F40;
	v6 =	vmul.f32 v15, v6;
	v17 =	vld [tilespmem:s20+$0xFFFFFFD0];
	v21 =	vadd.f32 v12, v11;
	v11 =	vmul.f32 $1.442695020e+00, v13  }
0xbd: {  	[tilespmem:s21+$0x30] =	vst v15;
	v15 =	vld [tilespmem:s20+$0xFFFFFFE0];
	(erf) = vpow2.f32 v8  }
0xbe: {  	v22 =	vpop (erf);
	v14 =	vunpack.i.u.bf16.f32 v16;
	[tilespmem:s21+$0x20] =	vst v6;
	v6 =	vunpack.i.l.bf16.f32 v16;
	v16 =	vld [tilespmem:s20+$0xFFFFFFF0];
	(erf) = vpow2.f32 v10  }
0xbf: {  	v24 =	vunpack.i.u.bf16.f32 v20;
	[tilespmem:s21+$0xFFFFFFD0] =	vst v22;
	v23 =	vmul.f32 $2.000000030e-01, v21;
	v10 =	vpop (erf);
	(erf) = vpow2.f32 v11  }
0xc0: {  	v18 =	vmul.f32 v22, v18;
	v13 =	vunpack.i.u.bf16.f32 v19;
	v12 =	vunpack.i.l.bf16.f32 v20;
	v11 =	vpop (erf);
	[tilespmem:s21+$0xFFFFFFF0] =	vst v10  }
0xc1: {  	s1 =	simm.s32 $0x8;
	s7 =	simm.s32 $0x57F0;
	s22 =	simm.s32 $0x6F40;
	v8 =	vunpack.i.l.bf16.f32 v19;
	v17 =	vadd.f32 v17, v24;
	v19 =	vmax.f32 v21, v23;
	[tilespmem:s21+$0x10] =	vst v11  }
.LBB2_7:
0xc2: {  	v20 =	vld [tilespmem:s7+$0x0];
	s1 =	sadd.s32 $0x4, s1;
	v14 =	vadd.f32 v15, v14;
	v15 =	vmul.f32 $1.442695020e+00, v19;
	s20 =	sadd.s32 $0x40, s20;
	v22 =	vunpack.i.l.bf16.f32 v3;
	v19 =	vpop (erf)  }
0xc3: {  	v3 =	vmovc v9;
	v21 =	vld [tilespmem:s20+$0x0];
	p1 =	slt.u32 s1, $0x7C;
	v25 =	vmul.f32 $2.000000030e-01, v17;
	v13 =	vadd.f32 v16, v13;
	v16 =	vmul.f32 v19, v22;
	[tilespmem:s21+$0xFFFFFFC0] =	vst v18  }
0xc4: {  	v23 =	vmov v12;
	s21 =	sadd.s32 $0x80, s21;
	v18 =	vld [tilespmem:s7+$0xFFFFFFE0];
	v9 =	vmul.f32 $2.000000030e-01, v14;
	(erf) = vpow2.f32 v15  }
0xc5: {  	v24 =	vld [tilespmem:s7+$0xFFFFFFF0];
	v12 =	vmax.f32 v17, v25;
	v15 =	vmul.f32 $2.000000030e-01, v13;
	[tilespmem:s21+$0x20] =	vst v16;
	v16 =	vmul.f32 v10, v1;
	v1 =	vmovc v5  }
0xc6: {  	v7 =	vmul.f32 v11, v7;
	v17 =	vld [tilespmem:s7+$0xFFFFFFD0];
	v26 =	vmul.f32 $1.442695020e+00, v12;
	v9 =	vmax.f32 v14, v9;
	[tilespmem:s21+$0x30] =	vst v19;
	v22 =	vpop (erf)  }
0xc7: {  	v19 =	vld [tilespmem:s20+$0xFFFFFFD0];
	v14 =	vunpack.i.u.bf16.f32 v20;
	v25 =	vmul.f32 $1.442695020e+00, v9;
	v12 =	vmax.f32 v13, v15;
	v10 =	vpop (erf);
	[tilespmem:s22+$0xFFFFFFE0] =	vst v16  }
.Ltmp2:
0xc8: {  	v15 =	vld [tilespmem:s20+$0xFFFFFFE0];
	v21 =	vadd.f32 v21, v14;
	v12 =	vmul.f32 $1.442695020e+00, v12;
	(erf) = vpow2.f32 v26;
	v11 =	vpop (erf);
	[tilespmem:s22+$0x0] =	vst v7;
	s22 =	smov.u32 s21;
	(pc) =	sbr.rel @p1 .LBB2_7-.Ltmp2, $4  }
0xc9: {  	v5 =	vmovc v6;
	v14 =	vunpack.i.u.bf16.f32 v18;
	v16 =	vld [tilespmem:s20+$0xFFFFFFF0];
	(erf) = vpow2.f32 v25;
	[tilespmem:s21+$0xFFFFFFD0] =	vst v22;
	v9 =	vmovc v20;
	v6 =	vunpack.i.l.bf16.f32 v18  }
0xca: {  	v7 =	vmovc v2;
	v2 =	vmovc v8;
	v13 =	vunpack.i.u.bf16.f32 v24;
	v18 =	vmul.f32 $2.000000030e-01, v21;
	(erf) = vpow2.f32 v12;
	[tilespmem:s21+$0xFFFFFFF0] =	vst v10  }
0xcb: {  	v8 =	vunpack.i.l.bf16.f32 v24;
	v20 =	vunpack.i.u.bf16.f32 v17;
	v12 =	vunpack.i.l.bf16.f32 v17;
	[tilespmem:s21+$0x10] =	vst v11  }
0xcc: {  	s7 =	sadd.s32 $0x40, s7;
	v17 =	vadd.f32 v19, v20;
	v19 =	vmax.f32 v21, v18;
	v18 =	vmul.f32 v22, v4;
	v4 =	vmovc v23  }
0xcd: {  	v19 =	vmul.f32 $1.442695020e+00, v19  }
0xce: {  	v14 =	vadd.f32 v15, v14;
	v54 =	vpop (erf);
	v3 =	vunpack.i.l.bf16.f32 v3;
	v55 =	vmul.f32 $2.000000030e-01, v17  }
0xcf: {  	v13 =	vadd.f32 v16, v13;
	v3 =	vmul.f32 v54, v3  }
0xd0: {  	s1 =	sadd.s32 $0x80, s21;
	(erf) = vpow2.f32 v19;
	v56 =	vmul.f32 $2.000000030e-01, v14;
	v17 =	vmax.f32 v17, v55  }
0xd1: {  	[tilespmem:s1+$0x20] =	vst v3;
	v3 =	vmul.f32 $1.442695020e+00, v17  }
0xd2: {  	v1 =	vmul.f32 v10, v1;
	[tilespmem:s21+$0xFFFFFFC0] =	vst v18;
	v57 =	vmul.f32 $2.000000030e-01, v13;
	v58 =	vmax.f32 v14, v56  }
0xd3: {  	v7 =	vmul.f32 v11, v7;
	[tilespmem:s1+$0x30] =	vst v54;
	v10 =	vmul.f32 $1.442695020e+00, v58  }
0xd4: {  	[tilespmem:s22+$0xFFFFFFE0] =	vst v1;
	v60 =	vpop (erf);
	v59 =	vmax.f32 v13, v57;
	(erf) = vpow2.f32 v3  }
0xd5: {  	[tilespmem:s22+$0x0] =	vst v7;
	v1 =	vmul.f32 $1.442695020e+00, v59;
	v3 =	vpop (erf);
	(erf) = vpow2.f32 v10  }
0xd6: {  	[tilespmem:s1+$0xFFFFFFD0] =	vst v60  }
0xd7: {  	v61 =	vpop (erf);
	(erf) = vpow2.f32 v1;
	[tilespmem:s1+$0xFFFFFFF0] =	vst v3;
	v1 =	vmul.f32 v60, v4  }
0xd8: {  	[tilespmem:s1+$0x10] =	vst v61  }
0xd9: {  	s7 =	sadd.s32 $0x80, s1;
	v2 =	vmul.f32 v61, v2;
	v63 =	vpop (erf);
	[tilespmem:s1+$0xFFFFFFC0] =	vst v1;
	v1 =	vmul.f32 v3, v5  }
0xda: {  	v62 =	vunpack.i.l.bf16.f32 v9;
	[tilespmem:s7+$0x30] =	vst v63  }
0xdb: {  	v4 =	vmul.f32 v63, v62;
	[tilespmem:s1+$0x0] =	vst v2  }
0xdc: {  	[tilespmem:s1+$0xFFFFFFE0] =	vst v1  }
0xdd: {  	[tilespmem:s7+$0x20] =	vst v4;
	v1 =	vpop (erf)  }
0xde: {  	[tilespmem:s7+$0xFFFFFFD0] =	vst v1;
	v1 =	vmul.f32 v1, v12;
	v2 =	vpop (erf)  }
0xdf: {  	[tilespmem:s7+$0xFFFFFFF0] =	vst v2  }
0xe0: {  	v3 =	vpop (erf);
	v2 =	vmul.f32 v2, v6;
	[tilespmem:s7+$0xFFFFFFC0] =	vst v1  }
0xe1: {  	s0 =	sshll.u32 s0, $0x9;
	s31 =	sadd.s32 $0x1, s31;
	[tilespmem:s7+$0x10] =	vst v3;
	v1 =	vmul.f32 v3, v8  }
0xe2: {  	s0 =	sshra.s32 s0, $0x2;
	p1 =	sne.s32 s31, s16;
	[tilespmem:s7+$0xFFFFFFE0] =	vst v2  }
.Ltmp3:
0xe3: {  	s0 =	sadd.s32 $0xB300, s0;
	[tilespmem:s7+$0x0] =	vst v1;
	(pc) =	sbr.rel @p1 .LBB2_4-.Ltmp3, $4  }
0xe4: {  	[spmem:s3] =	stream.indirect.scatter.add.f32 [tilespmem:s24], [sflag:$0x5], $0x20, s0, s19, $0xb8;
	[tilespmem:$0xE700] =	vst v63  }
0xe5: {  	_ =	swait.ge [sflag:s25], $0x1000  }
0xe6: {  	[sflag:s25] =	ssyncset.done $0x0  }
0xe7: {  	[sflag:s25] =	ssyncadd.s32 $0xFFFFF000  }
0xe8: {  	s0 =	stileid.u32;
	s4 =	sadd.s32 $0x1, s4  }
0xe9: {  	[bflag:$0x0] =	sbarrier.arrive $0xFFFF;
	s0 =	sshll.u32 s0, $0x6;
	p1 =	sne.s32 s4, s18  }
.Ltmp4:
0xea: {  	s1 =	sshrl.u32 s11, $0x3;
	s0 =	sor.u32 $0x1C05, s0;
	(pc) =	sbr.rel @p1 .LBB2_1-.Ltmp4, $4  }
0xeb: {  	[hbm:s17], [sflag:s0] =	dma.local [spmem:s1], $0x9E0  }
0xec: {  	_ =	swait.ge [sflag:s25], $0x9E0  }
0xed: {  	[sflag:s25] =	ssyncset.done $0x0  }
0xee: {  	[sflag:s25] =	ssyncadd.s32 $0xFFFFF620  }
0xef: {  	_ =	sfence.sel $0x180000  }
0xf0: {  	[bflag:$0x0] =	sbarrier.arrive $0xFFFF  }
0xf1: {  	_ =	strace $0x9000004A  }
0xf2: {  	s0 =	stileid.u32;
	[bflag:$0x2] =	sbarrier.arrive $0xFFFF  }
0xf3: {  	p0 =	sne.s32 s0, $0x0;
	s0 =	rddreg [dreg:$0x3]  }
0xf4: {  	s0 =	sadd.s32 @!p0 $0x100000, s0  }
0xf5: {  	[sflag:s0] =	ssyncadd.tile.s32 @!p0 $0x1;
	_ =	shalt  }
.Lfunc_end2:
_tile_overlayer_lowered:
.L_overlay_start_2:
0xf6: {  	(tag) =	ssettag $0x2  }
0xf7: {  	s0 =	rddreg [dreg:$0x0];
	s2 =	stileid.u32  }
0xf8: {  	s1 =	rddreg [dreg:$0x1];
	p0 =	sne.s32 s2, $0x0  }
0xf9: {  	s3 =	rddreg [dreg:$0x2];
	[bflag:$0x3] =	sbarrier.arrive $0xFFFF;
	s2 =	simm.s32 @!p0 $0x1C05  }
0xfa: {  	[timem:s3], [sflag:s2] =	dma.local @!p0 [hbm:s0], s1  }
0xfb: {  	s0 =	simm.s32 @!p0 $0x5  }
0xfc: {  	_ =	swait.ge @!p0 [sflag:s0], s1  }
0xfd: {  	s1 =	ssub.s32 @!p0 $0x0, s1;
	[sflag:s0] =	ssyncset.done @!p0 $0x0  }
0xfe: {  	[sflag:s0] =	ssyncadd.s32 @!p0 s1  }
0xff: {  	[bflag:$0x3] =	sbarrier.arrive $0xFFFF  }
0x100: {  	_ =	shalt  }

// kernel: kernel.7.cloned.1.call-start
scs
__scs_entry_jumppad:
0x0: {  	(pc) =	sbr.rel $0x88, $3  }
0x1: {  	(tag) =	ssettag $0x0;
	lr =	simm.s32 $0x1  }
0x2: {  	[smem:$0x3F98] =	sst lr;
	_ =	strace $0xD0000000  }
0x3: {  	_ = 	snop  }
0x4: {  	_ = 	snop  }
0x5: {  	_ = 	snop  }
0x6: {  	_ = 	snop  }
0x7: {  	_ = 	snop  }
__scs_overlays_trampoline_lowered:
0x8: {  	[smem:$0x3FA7] =	sst s0  }
0x9: {  	[smem:$0x3FA8] =	sst s1  }
0xa: {  	[smem:$0x3FA9] =	sst s2  }
0xb: {  	[smem:$0x3FAA] =	sst s3  }
0xc: {  	[smem:$0x3FAB] =	sst s4  }
0xd: {  	[smem:$0x3FAC] =	sst s5  }
0xe: {  	[smem:$0x3FAD] =	sst s6  }
0xf: {  	[smem:$0x3FAE] =	sst s7  }
0x10: {  	[smem:$0x3FAF] =	sst s8  }
0x11: {  	[smem:$0x3FB0] =	sst s9;
	s0 =	simm.s32 @!p0 $0x0  }
0x12: {  	s1 =	sld [smem:$0x3F96];
	s0 =	simm.s32 @p0 $0x1  }
0x13: {  	[smem:$0x3FB1] =	sst s0;
	s0 =	simm.s32 @!p1 $0x0  }
0x14: {  	s2 =	sld [smem:$0x3F95];
	s0 =	simm.s32 @p1 $0x1  }
0x15: {  	[smem:$0x3FB2] =	sst s0;
	s0 =	simm.s32 @!p2 $0x0  }
0x16: {  	s3 =	sld [smem:$0x3FDB];
	s0 =	simm.s32 @p2 $0x1  }
0x17: {  	s4 =	simm.s32 $0x1BF5;
	[smem:$0x3FB4] =	sst s0  }
0x18: {  	s0 =	sld [smem:$0x3F97];
	_ =	swait.ge [sflag:s4], $0x0  }
0x19: {  	s7 =	sld [smem:$0x3F98]  }
0x1a: {  	s8 =	sadd.s32 $0xFFFFE003, lr  }
0x1b: {  	s9 =	sadd.s32 $0xFFFFFEF7, lr;
	s5 =	simm.s32 $0xFFFFFFFF;
	p2 =	slt.u32 s8, $0xFFFFF086  }
0x1c: {  	p1 =	slt.u32 s9, $0xF7A;
	s5 =	simm.s32 @!p2 $0x0  }
0x1d: {  	s5 =	simm.s32 @p1 $0x1;
	p0 =	seq.s32 s7, s2  }
0x1e: {  	s7 =	smul.u32 @!p0 $0xF7A, s2;
	p2 =	seq.s32 @!p0 s5, $0x0  }
0x1f: {  	s9 =	smul.u32 $0xF7A, s1;
	s8 =	simm.s32 @!p0 $0x1BF5;
	p2 =	por !p2, p0  }
0x20: {  	[sflag:s8] =	ssyncset.s32 @!p0 $0xFFFFF086;
	s6 =	sadd.s32 @!p0 s3, s7;
	s7 =	simm.s32 @!p0 $0x108  }
0x21: {  	s3 =	sadd.s32 s3, s9;
	s6 =	sadd.s32 @!p0 $0x88, s6;
	s7 =	simm.s32 @p2 $0x1082  }
0x22: {  	[simem:s7], [sflag:s8] =	dma.local @!p0 [hbm:s6], $0xF7A  }
0x23: {  	s9 =	sor.u32 $0xD0000000, s2;
	s6 =	simm.s32 $0x108;
	_ =	swait.ge @!p0 [sflag:s8], $0x0  }
0x24: {  	s3 =	sadd.s32 $0x88, s3;
	s6 =	simm.s32 @!p1 $0x1082;
	[sflag:s4] =	ssyncset.s32 $0xFFFFF086  }
0x25: {  	[simem:s6], [sflag:s4] =	dma.local [hbm:s3], $0xF7A  }
0x26: {  	[smem:$0x3F98] =	sst s1;
	(tag) =	ssettag s2;
	_ =	strace s9  }
0x27: {  	s1 =	sld [smem:$0x3FA8]  }
0x28: {  	s2 =	sld [smem:$0x3FA9]  }
0x29: {  	s4 =	sld [smem:$0x3FAB]  }
0x2a: {  	p0 =	seq.s32 s5, $0x0;
	s5 =	sld [smem:$0x3FAC]  }
0x2b: {  	s6 =	sld [smem:$0x3FAD]  }
0x2c: {  	s7 =	sld [smem:$0x3FAE]  }
0x2d: {  	s3 =	simm.s32 $0x108;
	s8 =	sld [smem:$0x3FAF]  }
0x2e: {  	s3 =	simm.s32 @!p0 $0x1082;
	s9 =	sld [smem:$0x3FB0]  }
0x2f: {  	lr =	sadd.s32 s0, s3;
	s0 =	sld [smem:$0x3FA7]  }
0x30: {  	s3 =	sld [smem:$0x3FAA]  }
0x31: {  	[smem:$0x3FB3] =	sst s10  }
0x32: {  	s10 =	sld [smem:$0x3FB1];
	_ =	sdelay $0x3  }
0x33: {  	p0 =	seq.s32 s10, $0x1;
	s10 =	sld [smem:$0x3FB3];
	_ =	sdelay $0x3  }
0x34: {  	[smem:$0x3FB3] =	sst s10  }
0x35: {  	s10 =	sld [smem:$0x3FB2];
	_ =	sdelay $0x3  }
0x36: {  	p1 =	seq.s32 s10, $0x1;
	s10 =	sld [smem:$0x3FB3];
	_ =	sdelay $0x3  }
0x37: {  	[smem:$0x3FB3] =	sst s10  }
0x38: {  	s10 =	sld [smem:$0x3FB4]  }
0x39: {  	_ = 	snop;
	(pc) =	sbr.ind lr, $3  }
0x3a: {  	_ = 	snop  }
0x3b: {  	_ = 	snop  }
0x3c: {  	p2 =	seq.s32 s10, $0x1;
	s10 =	sld [smem:$0x3FB3]  }
0x3d: {  	_ =	shalt  }
0x3e: {  	_ =	shalt  }
0x3f: {  	_ =	shalt  }
0x40: {  	_ =	shalt  }
0x41: {  	_ =	shalt  }
0x42: {  	_ =	shalt  }
0x43: {  	_ =	shalt  }
0x44: {  	_ =	shalt  }
0x45: {  	_ =	shalt  }
0x46: {  	_ =	shalt  }
0x47: {  	_ =	shalt  }
0x48: {  	_ =	shalt  }
0x49: {  	_ =	shalt  }
0x4a: {  	_ =	shalt  }
0x4b: {  	_ =	shalt  }
0x4c: {  	_ =	shalt  }
0x4d: {  	_ =	shalt  }
0x4e: {  	_ =	shalt  }
0x4f: {  	_ =	shalt  }
0x50: {  	_ =	shalt  }
0x51: {  	_ =	shalt  }
0x52: {  	_ =	shalt  }
0x53: {  	_ =	shalt  }
0x54: {  	_ =	shalt  }
0x55: {  	_ =	shalt  }
0x56: {  	_ =	shalt  }
0x57: {  	_ =	shalt  }
0x58: {  	_ =	shalt  }
0x59: {  	_ =	shalt  }
0x5a: {  	_ =	shalt  }
0x5b: {  	_ =	shalt  }
0x5c: {  	_ =	shalt  }
0x5d: {  	_ =	shalt  }
0x5e: {  	_ =	shalt  }
0x5f: {  	_ =	shalt  }
0x60: {  	_ =	shalt  }
0x61: {  	_ =	shalt  }
0x62: {  	_ =	shalt  }
0x63: {  	_ =	shalt  }
0x64: {  	_ =	shalt  }
0x65: {  	_ =	shalt  }
0x66: {  	_ =	shalt  }
0x67: {  	_ =	shalt  }
0x68: {  	_ =	shalt  }
0x69: {  	_ =	shalt  }
0x6a: {  	_ =	shalt  }
0x6b: {  	_ =	shalt  }
0x6c: {  	_ =	shalt  }
0x6d: {  	_ =	shalt  }
0x6e: {  	_ =	shalt  }
0x6f: {  	_ =	shalt  }
0x70: {  	_ =	shalt  }
0x71: {  	_ =	shalt  }
0x72: {  	_ =	shalt  }
0x73: {  	_ =	shalt  }
0x74: {  	_ =	shalt  }
0x75: {  	_ =	shalt  }
0x76: {  	_ =	shalt  }
0x77: {  	_ =	shalt  }
0x78: {  	_ =	shalt  }
0x79: {  	_ =	shalt  }
0x7a: {  	_ =	shalt  }
0x7b: {  	_ =	shalt  }
0x7c: {  	_ =	shalt  }
0x7d: {  	_ =	shalt  }
0x7e: {  	_ =	shalt  }
0x7f: {  	_ =	shalt  }
0x80: {  	_ =	shalt  }
0x81: {  	_ =	shalt  }
0x82: {  	_ =	shalt  }
0x83: {  	_ =	shalt  }
0x84: {  	_ =	shalt  }
0x85: {  	_ =	shalt  }
0x86: {  	_ =	shalt  }
0x87: {  	_ =	shalt  }
.Lfunc_end0:
.L_simem_size_0:
called_computation_lowered:
.L_overlay_start_0:
0x88: {  	s2 =	sld [smem:$0x3FD9]  }
0x89: {  	s3 =	sld [smem:$0x3FFE];
	_ =	sdelay $0x1  }
0x8a: {  	s1 =	srdreg.scid  }
0x8b: {  	s0 =	sand.u32 $0x1, s1  }
0x8c: {  	s17 =	sshll.u32 s0, $0xA;
	s2 =	sadd.s32 s3, s2  }
0x8d: {  	s2 =	sadd.s32 s2, s17  }
0x8e: {  	[smem:$0x3FBF] =	sst s2  }
0x8f: {  	_ = 	snop  }
0x90: {  	s2 =	sld [smem:$0x3FD0];
	(tm) =	ssettm $0x1  }
0x91: {  	s18 =	sld [smem:$0x3FFB];
	_ =	sdelay $0x3  }
0x92: {  	_ =	strace s18  }
0x93: {  	s3 =	sld [smem:$0x3FFC];
	_ =	sdelay $0x3  }
0x94: {  	_ =	strace s3  }
0x95: {  	s3 =	sld [smem:$0x3FFD];
	_ =	sdelay $0x3  }
0x96: {  	_ =	strace s3  }
0x97: {  	_ =	strace $0x8FFFFFFF  }
0x98: {  	s19 =	sld [smem:$0x3FDB];
	_ =	sdelay $0x1  }
0x99: {  	s4 =	simm.s32 $_scs_section_size  }
0x9a: {  	s5 =	simm.s32 $_size__tile_overlayer_lowered;
	s6 =	simm.s32 $_tile_overlayer_lowered  }
0x9b: {  	s22 =	simm.s32 $0x1BFF;
	s21 =	sshll.u32 s6, $0x1;
	s3 =	sadd.s32 s4, s19  }
0x9c: {  	s7 =	simm.s32 $0x0;
	s20 =	sshll.u32 s5, $0x1;
	s5 =	sadd.s32 s21, s3  }
0x9d: {  	[timem:s7], [sflag:s22] =	dma.local [hbm:s5], s20  }
0x9e: {  	_ =	swait.ge [sflag:s22], s20  }
0x9f: {  	s4 =	ssub.s32 $0x0, s20;
	[sflag:s22] =	ssyncset.done $0x0  }
0xa0: {  	[sflag:s22] =	ssyncadd.s32 s4;
	_ =	sdelay $0x1  }
0xa1: {  	s23 =	simm.s32 $0x1B8B  }
0xa2: {  	_ =	swait.ge [sflag:s23], $0x1  }
0xa3: {  	[sflag:s23] =	ssyncset.done $0x0  }
0xa4: {  	s25 =	simm.s32 $0x1B8E;
	s24 =	sld [smem:$0x3FFE];
	[sflag:s23] =	ssyncadd.s32 $0xFFFFFFFF  }
0xa5: {  	s26 =	simm.s32 $execute0_lowered;
	[smem:$0x3FD2] =	sst s25  }
0xa6: {  	s5 =	sshll.u32 s26, $0x1;
	_ =	strace $0x80000046;
	[dreg:$0x1] =	wrdreg $0xFFFFFFFF  }
0xa7: {  	s28 =	simm.s32 $_size_execute0_lowered;
	s3 =	sadd.s32 s3, s5;
	[dreg:$0x0] =	wrdreg $0x0  }
0xa8: {  	s5 =	sshll.u32 s28, $0x1;
	[dreg:$0x2] =	wrdreg s3  }
0xa9: {  	[dreg:$0x3] =	wrdreg s5  }
0xaa: {  	[dreg:$0x4] =	wrdreg $0xC0  }
0xab: {  	_ =	task [dreg:s7], $0x5FFFF  }
0xac: {  	[dreg:$0x1] =	wrdreg $0xFFFFFFFF  }
0xad: {  	[dreg:$0x0] =	wrdreg $0x60  }
0xae: {  	[dreg:$0x2] =	wrdreg s24  }
0xaf: {  	[dreg:$0x3] =	wrdreg s2  }
0xb0: {  	[dreg:$0x4] =	wrdreg $0x0  }
0xb1: {  	[dreg:$0x5] =	wrdreg $0x9  }
0xb2: {  	_ =	task.clear_ibuf [dreg:s7], $0x6FFFF;
	_ =	strace $0x90000046  }
0xb3: {  	s29 =	simm.s32 $0x9;
	_ =	strace $0x80000048  }
0xb4: {  	_ =	swait.ge [sflag:s29], $0x1  }
0xb5: {  	[sflag:s29] =	ssyncadd.s32 $0xFFFFFFFF  }
0xb6: {  	_ =	strace $0x90000048  }
0xb7: {  	_ =	sfence  }
0xb8: {  	s30 =	sld [smem:$0x0];
	_ =	sdelay $0x2  }
0xb9: {  	s31 =	sshll.u32 s1, $0xD;
	s1 =	sshrl.u32 s1, $0x2  }
0xba: {  	s3 =	sand.u32 $0x4000, s31;
	s1 =	sadd.s32 s1, s30  }
0xbb: {  	s0 =	sor.u32 s3, s0;
	s1 =	sshll.u32 s1, $0x11  }
0xbc: {  	s0 =	sor.u32 s1, s0  }
0xbd: {  	s0 =	sadd.s32 $0x8F2B, s0  }
0xbe: {  	[sflag:s0] =	ssyncadd.remote.s32 $0x1  }
0xbf: {  	_ =	sfence.sel $0xFFFF  }
0xc0: {  	[dreg:$0x0] =	wrdreg $0xFFFFFFFF;
	(pc) =	sbr.abs _section_cstart, $3  }
0xc1: {  	[dreg:$0x1] =	wrdreg $0xFFFFFFFF  }
0xc2: {  	_ =	task.clear_ibuf [dreg:s7], $0x2FFFF;
	_ =	strace $0x9FFFFFFF  }
0xc3: {  	(tm) =	ssettm $0x7FFFFFFF  }
tec
execute0_lowered:
.L_overlay_start_1:
0x0: {  	(tag) =	ssettag $0x1  }
0x1: {  	s0 =	rddreg [dreg:$0x0]  }
0x2: {  	s2 =	rddreg [dreg:$0x1]  }
0x3: {  	s3 =	rddreg [dreg:$0x2]  }
0x4: {  	s1 =	srdreg.scid;
	s12 =	stileid.u32;
	s4 =	simm.s32 $0x0  }
0x5: {  	s19 =	simm.s32 $0x80;
	s28 =	simm.s32 $0x3;
	s7 =	smul.u32 $0xC580, s12  }
0x6: {  	s29 =	simm.s32 $0x2;
	s30 =	simm.s32 $0x4;
	s11 =	smul.u32 $0x240, s12  }
0x7: {  	s1 =	sand.u32 $0x1, s1;
	[smem:$0x7FF] =	sst s4;
	s24 =	smul.u32 $0x31600, s12  }
0x8: {  	s5 =	sadd.s32 $0x1000, s0;
	s8 =	sadd.s32 $0x19C00, s0;
	s12 =	smul.u32 $0x7C0, s12  }
0x9: {  	s10 =	sadd.s32 $0xFC00, s0;
	s6 =	smul.u32 $0xC5800, s1;
	s9 =	ssub.s32 $0x2, s1  }
0xa: {  	_ =	strace $0x80000047;
	p0 =	seq.s32 s1, $0x0;
	s23 =	sshrl.u32 s9, $0x1  }
0xb: {  	s11 =	sadd.s32 $0x7C00, s11;
	s25 =	sshrl.u32 s24, $0x2;
	s24 =	simm.s32 $0x10580  }
0xc: {  	s6 =	sadd.s32 s7, s6;
	s18 =	ssub.s32 s9, s23;
	s13 =	sadd.s32 s8, s11  }
0xd: {  	s26 =	sadd.s32 s10, s11;
	s9 =	sadd.s32 s8, s12;
	s31 =	sadd.s32 s25, s3  }
0xe: {  	s10 =	sadd.s32 s10, s12;
	s11 =	sadd.s32 s7, s3;
	[dreg:$0x4] =	wrdreg s13  }
0xf: {  	s25 =	simm.s32 $0x5;
	s6 =	sshrl.u32 s6, $0x3;
	[dreg:$0x5] =	wrdreg s26  }
0x10: {  	s12 =	sadd.s32 $0x2800, s31;
	s13 =	sadd.s32 $0x5000, s31;
	s14 =	sadd.s32 $0x7800, s31  }
0x11: {  	s15 =	sadd.s32 $0xA000, s31;
	s0 =	sadd.s32 s6, s0;
	s6 =	simm.s32 $0x7C  }
0x12: {  	s18 =	smax.u32 s18, $0x1;
	s26 =	simm.s32 $0x1;
	s6 =	simm.s32 @!p0 $0x24  }
0x13: {  	v0 =	vimm.f32 $0.0e+00;
	s17 =	sadd.s32 $0x23C00, s0;
	p0 =	sne.s32 s1, $0x0;
	s16 =	sshrl.u32 s6, $0x1  }
.LBB2_1:
0x14: {  	s0 =	simm.s32 @p0 $0x0;
	s1 =	simm.s32 @p0 $0x12D80;
	s7 =	rddreg [dreg:$0x4]  }
0x15: {  	[tilespmem:s1], [sflag:$0x5] =	stream.linear.gather @p0 [hbm4b:s7+s0], $0x1200, $0x38;
	[tilespmem:$0x1A980] =	vst v63  }
0x16: {  	s1 =	simm.s32 @p0 $0x5  }
0x17: {  	_ =	swait.ge @p0 [sflag:s1], $0x1200  }
0x18: {  	[sflag:s1] =	ssyncset.done @p0 $0x0  }
0x19: {  	s7 =	simm.s32 @p0 $0x16B80;
	s8 =	rddreg [dreg:$0x5];
	[sflag:s1] =	ssyncadd.s32 @p0 $0xFFFFEE00  }
0x1a: {  	[tilespmem:s7], [sflag:$0x5] =	stream.linear.gather @p0 [hbm4b:s8+s0], $0x1200, $0x38;
	[tilespmem:$0x1A980] =	vst v63  }
0x1b: {  	_ =	swait.ge @p0 [sflag:s1], $0x1200  }
0x1c: {  	[sflag:s1] =	ssyncset.done @p0 $0x0  }
0x1d: {  	s0 =	simm.s32 @!p0 $0x0;
	[sflag:s1] =	ssyncadd.s32 @p0 $0xFFFFEE00;
	s1 =	simm.s32 @!p0 $0x12D80  }
0x1e: {  	[tilespmem:s1], [sflag:$0x5] =	stream.linear.gather @!p0 [hbm4b:s9+s0], $0x3E00, $0x38;
	[tilespmem:$0x1A980] =	vst v63  }
0x1f: {  	s1 =	simm.s32 @!p0 $0x5  }
0x20: {  	_ =	swait.ge @!p0 [sflag:s1], $0x3E00  }
0x21: {  	[sflag:s1] =	ssyncset.done @!p0 $0x0  }
0x22: {  	s7 =	simm.s32 @!p0 $0x16B80;
	[sflag:s1] =	ssyncadd.s32 @!p0 $0xFFFFC200  }
0x23: {  	[tilespmem:s7], [sflag:$0x5] =	stream.linear.gather @!p0 [hbm4b:s10+s0], $0x3E00, $0x38;
	[tilespmem:$0x1A980] =	vst v63  }
0x24: {  	_ =	swait.ge @!p0 [sflag:s1], $0x3E00  }
0x25: {  	s21 =	simm.s32 $0x12D80;
	[sflag:s1] =	ssyncset.done @!p0 $0x0  }
0x26: {  	s22 =	simm.s32 $0xC580;
	s23 =	simm.s32 $0x16B80;
	[sflag:s1] =	ssyncadd.s32 @!p0 $0xFFFFC200  }
0x27: {  	[tilespmem:s22], [sflag:$0x1] =	stream.indirect.gather [hbm4b:s5+s19], $0x30, s21, s19, $0xb8;
	[tilespmem:$0x1A980] =	vst v63  }
0x28: {  	s31 =	simm.s32 $0xF580;
	s0 =	simm.s32 $0x0;
	s1 =	simm.s32 $0x140  }
0x29: {  	[tilespmem:s31], [sflag:$0x3] =	stream.indirect.gather [hbm4b:s2+s19], $0x10, s23, s19, $0xb8;
	[tilespmem:$0x1A980] =	vst v63  }
.LBB2_2:
0x2a: {  	p1 =	sne.s32 s1, $0x9EC0;
	[tilespmem:s0+$0x105C0] =	vst v0;
	s7 =	smov.u32 s1;
	s1 =	sadd.s32 $0x140, s1  }
.Ltmp0:
0x2b: {  	[tilespmem:s0+$0x105B0] =	vst v0;
	(pc) =	sbr.rel @p1 .LBB2_2-.Ltmp0, $4  }
0x2c: {  	[tilespmem:s0+$0x105A0] =	vst v0  }
0x2d: {  	[tilespmem:s0+$0x10580] =	vst v0  }
0x2e: {  	[tilespmem:s0+$0x10590] =	vst v0  }
0x2f: {  	s0 =	sshra.s32 s7, $0x2  }
0x30: {  	[tilespmem:s0+$0x105C0] =	vst v0  }
0x31: {  	[tilespmem:s0+$0x105B0] =	vst v0  }
0x32: {  	[tilespmem:s0+$0x105A0] =	vst v0  }
0x33: {  	[tilespmem:s0+$0x10580] =	vst v0  }
0x34: {  	[tilespmem:s0+$0x10590] =	vst v0  }
0x35: {  	[spmem:s11] =	stream.linear.scatter [tilespmem:s24], [sflag:$0x5], $0x2800, $0x38;
	[tilespmem:$0x1A980] =	vst v63  }
0x36: {  	_ =	swait.ge [sflag:s25], $0x2800  }
0x37: {  	[sflag:s25] =	ssyncset.done $0x0  }
0x38: {  	[sflag:s25] =	ssyncadd.s32 $0xFFFFD800  }
0x39: {  	[spmem:s12] =	stream.linear.scatter [tilespmem:s24], [sflag:$0x5], $0x2800, $0x38;
	[tilespmem:$0x1A980] =	vst v63  }
0x3a: {  	_ =	swait.ge [sflag:s25], $0x2800  }
0x3b: {  	[sflag:s25] =	ssyncset.done $0x0  }
0x3c: {  	[sflag:s25] =	ssyncadd.s32 $0xFFFFD800  }
0x3d: {  	[spmem:s13] =	stream.linear.scatter [tilespmem:s24], [sflag:$0x5], $0x2800, $0x38;
	[tilespmem:$0x1A980] =	vst v63  }
0x3e: {  	_ =	swait.ge [sflag:s25], $0x2800  }
0x3f: {  	[sflag:s25] =	ssyncset.done $0x0  }
0x40: {  	[sflag:s25] =	ssyncadd.s32 $0xFFFFD800  }
0x41: {  	[spmem:s14] =	stream.linear.scatter [tilespmem:s24], [sflag:$0x5], $0x2800, $0x38;
	[tilespmem:$0x1A980] =	vst v63  }
0x42: {  	_ =	swait.ge [sflag:s25], $0x2800  }
0x43: {  	[sflag:s25] =	ssyncset.done $0x0  }
0x44: {  	[sflag:s25] =	ssyncadd.s32 $0xFFFFD800  }
0x45: {  	[spmem:s15] =	stream.linear.scatter [tilespmem:s24], [sflag:$0x5], $0x2580, $0x38;
	[tilespmem:$0x1A980] =	vst v63  }
0x46: {  	_ =	swait.ge [sflag:s25], $0x2580  }
0x47: {  	[sflag:s25] =	ssyncset.done $0x0  }
0x48: {  	[sflag:s25] =	ssyncadd.s32 $0xFFFFDA80  }
0x49: {  	s31 =	simm.s32 $0x0;
	[bflag:$0x0] =	sbarrier.arrive $0xFFFF  }
.LBB2_4:
0x4a: {  	s0 =	sshllo.u32 s31, $0x1  }
0x4b: {  	p1 =	sge.u32 s0, s6  }
0x4c: {  	s1 =	sshll.u32 @!p1 s0, $0x7  }
0x4d: {  	s8 =	simm.s32 @!p1 $0x80;
	s20 =	simm.s32 @!p1 $0xDD80;
	s7 =	sadd.s32 @!p1 $0x12D80, s1  }
0x4e: {  	[tilespmem:s20], [sflag:$0x2] =	stream.indirect.gather @!p1 [hbm4b:s5+s8], $0x30, s7, s8, $0xb8;
	[tilespmem:$0x1A980] =	vst v63  }
0x4f: {  	s1 =	sadd.s32 @!p1 $0x16B80, s1;
	s7 =	simm.s32 @!p1 $0xFD80  }
0x50: {  	[tilespmem:s7], [sflag:$0x4] =	stream.indirect.gather @!p1 [hbm4b:s2+s8], $0x10, s1, s8, $0xb8;
	[tilespmem:$0x1A980] =	vst v63  }
0x51: {  	_ =	swait.ge [sflag:s26], $0x1800  }
0x52: {  	[sflag:s26] =	ssyncset.done $0x0  }
0x53: {  	[sflag:s26] =	ssyncadd.s32 $0xFFFFE800  }
0x54: {  	_ =	swait.ge [sflag:s28], $0x800  }
0x55: {  	[sflag:s28] =	ssyncset.done $0x0  }
0x56: {  	s8 =	simm.s32 $0xC5E0;
	[sflag:s28] =	ssyncadd.s32 $0xFFFFF800  }
0x57: {  	s23 =	simm.s32 $0xF5A0;
	v1 =	vld [tilespmem:s8+$0x50]  }
0x58: {  	v2 =	vld [tilespmem:s23+$0x10];
	_ =	sdelay $0x1  }
0x59: {  	v3 =	vld [tilespmem:s8+$0xFFFFFFF0]  }
0x5a: {  	v4 =	vld [tilespmem:s8+$0xFFFFFFC0]  }
0x5b: {  	v5 =	vld [tilespmem:s23+$0xFFFFFFE0];
	v1 =	vunpack.i.l.bf16.f32 v1  }
0x5c: {  	v6 =	vld [tilespmem:s8+$0x20];
	v1 =	vadd.f32 v2, v1  }
0x5d: {  	v2 =	vld [tilespmem:s23+$0xFFFFFFF0]  }
0x5e: {  	v7 =	vld [tilespmem:s23+$0x0];
	v8 =	vmul.f32 $2.000000030e-01, v1  }
0x5f: {  	v4 =	vunpack.i.l.bf16.f32 v4  }
0x60: {  	v4 =	vadd.f32 v5, v4;
	v1 =	vmax.f32 v1, v8  }
0x61: {  	v3 =	vunpack.i.l.bf16.f32 v3;
	v1 =	vmul.f32 $1.442695020e+00, v1  }
0x62: {  	v5 =	vunpack.i.l.bf16.f32 v6;
	v2 =	vadd.f32 v2, v3;
	v3 =	vmul.f32 $2.000000030e-01, v4  }
0x63: {  	s20 =	simm.s32 $0xC6A0;
	v5 =	vadd.f32 v7, v5;
	(erf) = vpow2.f32 v1  }
0x64: {  	v10 =	vld [tilespmem:s20+$0x20];
	v1 =	vmax.f32 v4, v3;
	v3 =	vmul.f32 $2.000000030e-01, v2  }
0x65: {  	v11 =	vld [tilespmem:s20+$0xFFFFFFC0];
	v6 =	vmul.f32 $2.000000030e-01, v5;
	v1 =	vmul.f32 $1.442695020e+00, v1  }
0x66: {  	v7 =	vld [tilespmem:s8+$0xFFFFFFD0];
	v2 =	vmax.f32 v2, v3  }
0x67: {  	v3 =	vmax.f32 v5, v6;
	v5 =	vld [tilespmem:s8+$0x30];
	v2 =	vmul.f32 $1.442695020e+00, v2;
	(erf) = vpow2.f32 v1  }
0x68: {  	v4 =	vld [tilespmem:s8+$0xFFFFFFA0];
	v1 =	vmul.f32 $1.442695020e+00, v3  }
0x69: {  	v6 =	vld [tilespmem:s8+$0x0];
	(erf) = vpow2.f32 v2  }
0x6a: {  	s23 =	simm.s32 $0xF5E0;
	v2 =	vld [tilespmem:s20+$0x50];
	(erf) = vpow2.f32 v1  }
0x6b: {  	v3 =	vld [tilespmem:s23+$0x10]  }
0x6c: {  	v8 =	vld [tilespmem:s20+$0xFFFFFFF0];
	v9 =	vunpack.i.l.bf16.f32 v5;
	v1 =	vpop (erf)  }
0x6d: {  	v10 =	vunpack.i.l.bf16.f32 v10;
	v13 =	vld [tilespmem:s23+$0xFFFFFFE0];
	v5 =	vunpack.i.u.bf16.f32 v5;
	v9 =	vmul.f32 v1, v9  }
0x6e: {  	s22 =	simm.s32 $0x10620;
	v16 =	vld [tilespmem:s23+$0xFFFFFFF0];
	v15 =	vunpack.i.u.bf16.f32 v7;
	v7 =	vunpack.i.l.bf16.f32 v7;
	v5 =	vmul.f32 v1, v5  }
0x6f: {  	v18 =	vld [tilespmem:s23+$0x0];
	v12 =	vunpack.i.u.bf16.f32 v4;
	v14 =	vunpack.i.l.bf16.f32 v4;
	v2 =	vunpack.i.l.bf16.f32 v2;
	[tilespmem:s22+$0x50] =	vst v9  }
0x70: {  	v17 =	vadd.f32 v3, v2;
	v2 =	vunpack.i.l.bf16.f32 v11;
	v11 =	vld [tilespmem:s20+$0xFFFFFFA0];
	v9 =	vunpack.i.u.bf16.f32 v6;
	[tilespmem:s22+$0x60] =	vst v5;
	v4 =	vpop (erf)  }
0x71: {  	v5 =	vunpack.i.l.bf16.f32 v6;
	v6 =	vunpack.i.l.bf16.f32 v8;
	v8 =	vmul.f32 v4, v14;
	v14 =	vld [tilespmem:s8+$0x40]  }
0x72: {  	v13 =	vadd.f32 v13, v2;
	v12 =	vmul.f32 v4, v12;
	v19 =	vmul.f32 $2.000000030e-01, v17;
	v3 =	vpop (erf)  }
0x73: {  	v16 =	vadd.f32 v16, v6;
	v7 =	vmul.f32 v3, v7;
	v2 =	vpop (erf);
	v15 =	vmul.f32 v3, v15  }
0x74: {  	v17 =	vmax.f32 v17, v19;
	[tilespmem:s22+$0xFFFFFF60] =	vst v8;
	v8 =	vmul.f32 $2.000000030e-01, v13;
	v19 =	vmul.f32 v2, v5  }
0x75: {  	[tilespmem:s22+$0xFFFFFF70] =	vst v12;
	v12 =	vadd.f32 v18, v10;
	v6 =	vmul.f32 $1.442695020e+00, v17;
	v9 =	vmul.f32 v2, v9  }
0x76: {  	v10 =	vunpack.i.l.bf16.f32 v11;
	[tilespmem:s22+$0xFFFFFFB0] =	vst v7;
	v17 =	vunpack.i.u.bf16.f32 v14;
	v5 =	vunpack.i.l.bf16.f32 v14;
	v14 =	vld [tilespmem:s20+$0x0]  }
0x77: {  	v20 =	vld [tilespmem:s20+$0xFFFFFFD0];
	v7 =	vmax.f32 v13, v8;
	v8 =	vmul.f32 $2.000000030e-01, v16;
	[tilespmem:s22+$0xFFFFFFC0] =	vst v15;
	(erf) = vpow2.f32 v6  }
0x78: {  	v18 =	vld [tilespmem:s8+$0xFFFFFFB0];
	v6 =	vunpack.i.u.bf16.f32 v11;
	v15 =	vmul.f32 $1.442695020e+00, v7;
	v11 =	vmul.f32 $2.000000030e-01, v12;
	[tilespmem:s22+$0x0] =	vst v19  }
0x79: {  	v13 =	vld [tilespmem:s8+$0xFFFFFFE0];
	[tilespmem:s22+$0x10] =	vst v9;
	v17 =	vmul.f32 v17, v1;
	v16 =	vmax.f32 v16, v8  }
0x7a: {  	v19 =	vmul.f32 $1.442695020e+00, v16;
	v9 =	vmax.f32 v12, v11;
	(erf) = vpow2.f32 v15;
	v12 =	vld [tilespmem:s8+$0x10]  }
0x7b: {  	v16 =	vmul.f32 $1.442695020e+00, v9;
	v9 =	vunpack.i.u.bf16.f32 v14;
	v11 =	vunpack.i.l.bf16.f32 v14;
	v14 =	vld [tilespmem:s20+$0x30]  }
0x7c: {  	s21 =	sshll.u32 s31, $0x1;
	[tilespmem:s22+$0xFFFFFFA0] =	vst v4;
	v7 =	vunpack.i.u.bf16.f32 v20;
	v8 =	vunpack.i.l.bf16.f32 v20  }
0x7d: {  	s7 =	simm.s32 $0x4;
	s1 =	simm.s32 $0x10620;
	s8 =	simm.s32 $0xC760;
	[tilespmem:s22+$0x80] =	vst v17;
	v15 =	vunpack.i.u.bf16.f32 v18;
	v17 =	vunpack.i.l.bf16.f32 v18;
	(erf) = vpow2.f32 v19  }
.LBB2_5:
0x7e: {  	v18 =	vld [tilespmem:s8+$0x50];
	s23 =	sadd.s32 $0x40, s23;
	(erf) = vpow2.f32 v16;
	v16 =	vunpack.i.u.bf16.f32 v13;
	v13 =	vunpack.i.l.bf16.f32 v13;
	[tilespmem:s22+$0xFFFFFFF0] =	vst v3  }
0x7f: {  	s7 =	sadd.s32 $0x4, s7;
	v17 =	vmul.f32 v17, v4;
	v20 =	vunpack.i.u.bf16.f32 v12;
	v12 =	vunpack.i.l.bf16.f32 v12;
	v19 =	vld [tilespmem:s23+$0x10];
	[tilespmem:s22+$0x40] =	vst v2  }
0x80: {  	v4 =	vmul.f32 v15, v4;
	p1 =	slt.u32 s7, $0x7C;
	v13 =	vmul.f32 v13, v3;
	v21 =	vld [tilespmem:s8+$0xFFFFFFF0];
	v22 =	vunpack.i.l.bf16.f32 v14;
	v23 =	vpop (erf);
	[tilespmem:s22+$0x90] =	vst v1  }
0x81: {  	v16 =	vmul.f32 v16, v3;
	v14 =	vunpack.i.u.bf16.f32 v14;
	v15 =	vld [tilespmem:s8+$0x20];
	v22 =	vmul.f32 v23, v22;
	[tilespmem:s22+$0xFFFFFF80] =	vst v17  }
0x82: {  	v3 =	vmul.f32 v23, v14;
	v14 =	vmul.f32 v12, v2;
	s22 =	sadd.s32 $0x140, s22;
	v17 =	vld [tilespmem:s8+$0xFFFFFFC0];
	[tilespmem:s1+$0xFFFFFF90] =	vst v4  }
0x83: {  	v12 =	vld [tilespmem:s23+$0xFFFFFFE0];
	v24 =	vunpack.i.l.bf16.f32 v18;
	[tilespmem:s22+$0x50] =	vst v22;
	v18 =	vmul.f32 v20, v2;
	v20 =	vmul.f32 v5, v1;
	v1 =	vmovc v23  }
0x84: {  	v5 =	vld [tilespmem:s23+$0xFFFFFFF0];
	v19 =	vadd.f32 v19, v24;
	[tilespmem:s22+$0x60] =	vst v3;
	v4 =	vpop (erf)  }
0x85: {  	v21 =	vunpack.i.l.bf16.f32 v21;
	v23 =	vmul.f32 v4, v10;
	v6 =	vmul.f32 v4, v6;
	v10 =	vld [tilespmem:s20+$0x40];
	[tilespmem:s1+$0xFFFFFFD0] =	vst v13  }
0x86: {  	v13 =	vunpack.i.l.bf16.f32 v15;
	v15 =	vld [tilespmem:s23+$0x0];
	v22 =	vmul.f32 $2.000000030e-01, v19;
	v3 =	vpop (erf)  }
0x87: {  	[tilespmem:s1+$0xFFFFFFE0] =	vst v16;
	v16 =	vunpack.i.l.bf16.f32 v17;
	v8 =	vmul.f32 v3, v8  }
0x88: {  	v17 =	vld [tilespmem:s8+$0xFFFFFFA0];
	[tilespmem:s22+$0xFFFFFF60] =	vst v23;
	v7 =	vmul.f32 v3, v7;
	v2 =	vpop (erf);
	v12 =	vadd.f32 v12, v16;
	v19 =	vmax.f32 v19, v22  }
0x89: {  	v16 =	vld [tilespmem:s8+$0xFFFFFFD0];
	[tilespmem:s22+$0xFFFFFF70] =	vst v6;
	v6 =	vmul.f32 v2, v11;
	v19 =	vmul.f32 $1.442695020e+00, v19  }
0x8a: {  	v11 =	vadd.f32 v5, v21;
	v21 =	vld [tilespmem:s8+$0x0];
	[tilespmem:s22+$0xFFFFFFB0] =	vst v8;
	v8 =	vmul.f32 v2, v9;
	v9 =	vmul.f32 $2.000000030e-01, v12  }
0x8b: {  	v22 =	vld [tilespmem:s20+$0xFFFFFFB0];
	[tilespmem:s22+$0xFFFFFFC0] =	vst v7;
	v7 =	vunpack.i.u.bf16.f32 v10;
	v5 =	vunpack.i.l.bf16.f32 v10;
	v15 =	vadd.f32 v15, v13  }
0x8c: {  	(erf) = vpow2.f32 v19;
	v13 =	vld [tilespmem:s20+$0xFFFFFFE0];
	[tilespmem:s22+$0x0] =	vst v6;
	v7 =	vmul.f32 v7, v1;
	v9 =	vmax.f32 v12, v9  }
0x8d: {  	v19 =	vmul.f32 $2.000000030e-01, v11;
	v6 =	vunpack.i.u.bf16.f32 v17;
	[tilespmem:s22+$0x10] =	vst v8;
	v9 =	vmul.f32 $1.442695020e+00, v9  }
.Ltmp1:
0x8e: {  	v10 =	vunpack.i.l.bf16.f32 v17;
	v17 =	vmul.f32 $2.000000030e-01, v15;
	v12 =	vld [tilespmem:s20+$0x10];
	[tilespmem:s22+$0x80] =	vst v7;
	(pc) =	sbr.rel @p1 .LBB2_5-.Ltmp1, $4  }
0x8f: {  	v11 =	vmax.f32 v11, v19;
	v7 =	vunpack.i.u.bf16.f32 v16;
	v8 =	vunpack.i.l.bf16.f32 v16;
	s20 =	smov.u32 s8;
	[tilespmem:s1+$0x20] =	vst v14  }
0x90: {  	v19 =	vmul.f32 $1.442695020e+00, v11;
	v11 =	vmax.f32 v15, v17;
	v14 =	vld [tilespmem:s8+$0x30];
	(erf) = vpow2.f32 v9;
	[tilespmem:s1+$0x30] =	vst v18  }
0x91: {  	v9 =	vunpack.i.u.bf16.f32 v21;
	v16 =	vmul.f32 $1.442695020e+00, v11;
	v11 =	vunpack.i.l.bf16.f32 v21;
	[tilespmem:s1+$0x70] =	vst v20;
	s1 =	smov.u32 s22  }
0x92: {  	s8 =	sadd.s32 $0xC0, s8;
	v15 =	vunpack.i.u.bf16.f32 v22;
	v17 =	vunpack.i.l.bf16.f32 v22;
	(erf) = vpow2.f32 v19;
	[tilespmem:s22+$0xFFFFFFA0] =	vst v4  }
0x93: {  	[tilespmem:s22+$0xFFFFFFF0] =	vst v3  }
0x94: {  	(erf) = vpow2.f32 v16;
	v16 =	vmul.f32 v17, v4;
	[tilespmem:s22+$0x40] =	vst v2  }
0x95: {  	[tilespmem:s22+$0x90] =	vst v1;
	v1 =	vmul.f32 v5, v1  }
0x96: {  	v4 =	vmul.f32 v15, v4;
	v17 =	vunpack.i.l.bf16.f32 v14;
	v18 =	vpop (erf);
	[tilespmem:s22+$0xFFFFFF80] =	vst v16  }
0x97: {  	v14 =	vunpack.i.u.bf16.f32 v14;
	[tilespmem:s1+$0x70] =	vst v1;
	v15 =	vmul.f32 v18, v17  }
0x98: {  	s7 =	sadd.s32 $0x140, s22;
	v16 =	vunpack.i.l.bf16.f32 v13;
	v14 =	vmul.f32 v18, v14;
	[tilespmem:s1+$0xFFFFFF90] =	vst v4;
	v4 =	vunpack.i.u.bf16.f32 v13  }
0x99: {  	v13 =	vmul.f32 v16, v3;
	[tilespmem:s7+$0x50] =	vst v15  }
0x9a: {  	v3 =	vmul.f32 v4, v3;
	[tilespmem:s7+$0x60] =	vst v14  }
0x9b: {  	[tilespmem:s1+$0xFFFFFFD0] =	vst v13;
	v4 =	vpop (erf)  }
0x9c: {  	[tilespmem:s1+$0xFFFFFFE0] =	vst v3;
	v10 =	vmul.f32 v4, v10  }
0x9d: {  	v14 =	vld [tilespmem:s20+$0x40];
	[tilespmem:s7+$0x90] =	vst v18;
	v6 =	vmul.f32 v4, v6;
	v13 =	vpop (erf)  }
0x9e: {  	[tilespmem:s7+$0xFFFFFF60] =	vst v10;
	v3 =	vmul.f32 v13, v8  }
0x9f: {  	v7 =	vmul.f32 v13, v7;
	v8 =	vpop (erf);
	[tilespmem:s7+$0xFFFFFF70] =	vst v6  }
0xa0: {  	[tilespmem:s7+$0xFFFFFFB0] =	vst v3;
	v3 =	vmul.f32 v8, v9  }
0xa1: {  	v6 =	vmul.f32 v8, v11;
	[tilespmem:s7+$0xFFFFFFC0] =	vst v7  }
0xa2: {  	[tilespmem:s7+$0x10] =	vst v3;
	v3 =	vld [tilespmem:s20+$0xFFFFFFB0]  }
0xa3: {  	v7 =	vunpack.i.u.bf16.f32 v14;
	[tilespmem:s7+$0x0] =	vst v6  }
0xa4: {  	v9 =	vunpack.i.l.bf16.f32 v12;
	v6 =	vmul.f32 v7, v18;
	v7 =	vunpack.i.u.bf16.f32 v12;
	v5 =	vld [tilespmem:s20+$0xFFFFFFE0];
	[tilespmem:s7+$0xFFFFFFF0] =	vst v13  }
0xa5: {  	v9 =	vmul.f32 v9, v2;
	v2 =	vmul.f32 v7, v2;
	[tilespmem:s7+$0xFFFFFFA0] =	vst v4  }
0xa6: {  	[tilespmem:s7+$0x80] =	vst v6;
	v1 =	vld [tilespmem:s20+$0x10]  }
0xa7: {  	[tilespmem:s1+$0x30] =	vst v2;
	v2 =	vunpack.i.l.bf16.f32 v3  }
0xa8: {  	[tilespmem:s1+$0x20] =	vst v9;
	v3 =	vunpack.i.u.bf16.f32 v3;
	v2 =	vmul.f32 v2, v4  }
0xa9: {  	[tilespmem:s7+$0x40] =	vst v8;
	v6 =	vunpack.i.l.bf16.f32 v5;
	v3 =	vmul.f32 v3, v4  }
0xaa: {  	v4 =	vunpack.i.u.bf16.f32 v5;
	v5 =	vmul.f32 v6, v13;
	[tilespmem:s7+$0xFFFFFF80] =	vst v2  }
0xab: {  	v4 =	vmul.f32 v4, v13;
	v2 =	vunpack.i.l.bf16.f32 v1;
	[tilespmem:s7+$0xFFFFFF90] =	vst v3  }
0xac: {  	v1 =	vunpack.i.u.bf16.f32 v1;
	[tilespmem:s7+$0xFFFFFFD0] =	vst v5;
	v2 =	vmul.f32 v2, v8  }
0xad: {  	v3 =	vunpack.i.l.bf16.f32 v14;
	v1 =	vmul.f32 v1, v8;
	[tilespmem:s7+$0xFFFFFFE0] =	vst v4  }
0xae: {  	s23 =	sshll.u32 s31, $0xA;
	v3 =	vmul.f32 v3, v18;
	[tilespmem:s7+$0x20] =	vst v2  }
0xaf: {  	s1 =	sshra.s32 s23, $0x2;
	[tilespmem:s7+$0x30] =	vst v1  }
0xb0: {  	s1 =	sadd.s32 $0x16B80, s1;
	[tilespmem:s7+$0x70] =	vst v3  }
0xb1: {  	[spmem:s3] =	stream.indirect.scatter.add.f32 [tilespmem:s24], [sflag:$0x5], $0x50, s1, s19, $0xb8;
	[tilespmem:$0x1A980] =	vst v63  }
0xb2: {  	s1 =	sadd.s32 $0x2, s21  }
0xb3: {  	_ =	swait.ge [sflag:s25], $0x2800;
	p1 =	sge.u32 s1, s6  }
0xb4: {  	[sflag:s25] =	ssyncset.done $0x0;
	s1 =	sshll.u32 @!p1 s1, $0x7;
	s8 =	simm.s32 @!p1 $0x80  }
0xb5: {  	s20 =	simm.s32 @!p1 $0xC580;
	[sflag:s25] =	ssyncadd.s32 $0xFFFFD800;
	s7 =	sadd.s32 @!p1 $0x12D80, s1  }
0xb6: {  	[tilespmem:s20], [sflag:$0x1] =	stream.indirect.gather @!p1 [hbm4b:s5+s8], $0x30, s7, s8, $0xb8;
	[tilespmem:$0x1A980] =	vst v63  }
0xb7: {  	s1 =	sadd.s32 @!p1 $0x16B80, s1;
	s7 =	simm.s32 @!p1 $0xF580  }
0xb8: {  	[tilespmem:s7], [sflag:$0x3] =	stream.indirect.gather @!p1 [hbm4b:s2+s8], $0x10, s1, s8, $0xb8;
	[tilespmem:$0x1A980] =	vst v63  }
0xb9: {  	_ =	swait.ge [sflag:s29], $0x1800  }
0xba: {  	[sflag:s29] =	ssyncset.done $0x0  }
0xbb: {  	[sflag:s29] =	ssyncadd.s32 $0xFFFFE800  }
0xbc: {  	_ =	swait.ge [sflag:s30], $0x800  }
0xbd: {  	[sflag:s30] =	ssyncset.done $0x0  }
0xbe: {  	s8 =	simm.s32 $0xDE30;
	[sflag:s30] =	ssyncadd.s32 $0xFFFFF800  }
0xbf: {  	s23 =	simm.s32 $0xFDB0;
	v1 =	vld [tilespmem:s8+$0x0]  }
0xc0: {  	v2 =	vld [tilespmem:s23+$0x0];
	_ =	sdelay $0x1  }
0xc1: {  	v3 =	vld [tilespmem:s8+$0xFFFFFFA0]  }
0xc2: {  	v4 =	vld [tilespmem:s8+$0xFFFFFF70]  }
0xc3: {  	v5 =	vld [tilespmem:s23+$0xFFFFFFD0];
	v1 =	vunpack.i.l.bf16.f32 v1  }
0xc4: {  	v6 =	vld [tilespmem:s8+$0xFFFFFFD0];
	v1 =	vadd.f32 v2, v1  }
0xc5: {  	v2 =	vld [tilespmem:s23+$0xFFFFFFE0]  }
0xc6: {  	v7 =	vld [tilespmem:s23+$0xFFFFFFF0];
	v8 =	vmul.f32 $2.000000030e-01, v1  }
0xc7: {  	v4 =	vunpack.i.l.bf16.f32 v4  }
0xc8: {  	v4 =	vadd.f32 v5, v4;
	v1 =	vmax.f32 v1, v8  }
0xc9: {  	v3 =	vunpack.i.l.bf16.f32 v3;
	v1 =	vmul.f32 $1.442695020e+00, v1  }
0xca: {  	v5 =	vunpack.i.l.bf16.f32 v6;
	v2 =	vadd.f32 v2, v3;
	v3 =	vmul.f32 $2.000000030e-01, v4  }
0xcb: {  	s20 =	simm.s32 $0xDEF0;
	v5 =	vadd.f32 v7, v5;
	(erf) = vpow2.f32 v1  }
0xcc: {  	s22 =	simm.s32 $0xFDF0;
	v12 =	vld [tilespmem:s20+$0xFFFFFF70];
	v1 =	vmax.f32 v4, v3;
	v3 =	vmul.f32 $2.000000030e-01, v2  }
0xcd: {  	v14 =	vld [tilespmem:s22+$0xFFFFFFD0];
	v4 =	vmul.f32 $2.000000030e-01, v5  }
0xce: {  	v6 =	vld [tilespmem:s8+$0xFFFFFF50];
	v1 =	vmul.f32 $1.442695020e+00, v1;
	v2 =	vmax.f32 v2, v3  }
0xcf: {  	v3 =	vmax.f32 v5, v4;
	v4 =	vld [tilespmem:s8+$0xFFFFFFE0];
	v2 =	vmul.f32 $1.442695020e+00, v2  }
0xd0: {  	v7 =	vld [tilespmem:s22+$0x0];
	(erf) = vpow2.f32 v1;
	v1 =	vmul.f32 $1.442695020e+00, v3  }
0xd1: {  	(erf) = vpow2.f32 v2;
	v2 =	vld [tilespmem:s20+$0x0]  }
0xd2: {  	v8 =	vld [tilespmem:s20+$0xFFFFFFA0];
	(erf) = vpow2.f32 v1  }
0xd3: {  	v5 =	vld [tilespmem:s8+$0xFFFFFF80]  }
0xd4: {  	v3 =	vld [tilespmem:s8+$0xFFFFFFB0];
	v9 =	vunpack.i.l.bf16.f32 v4;
	v4 =	vunpack.i.u.bf16.f32 v4;
	v1 =	vpop (erf)  }
0xd5: {  	v9 =	vmul.f32 v1, v9;
	v4 =	vmul.f32 v1, v4  }
0xd6: {  	s21 =	simm.s32 $0x10620;
	v10 =	vld [tilespmem:s20+$0xFFFFFFD0];
	v12 =	vunpack.i.l.bf16.f32 v12;
	v2 =	vunpack.i.l.bf16.f32 v2  }
0xd7: {  	v15 =	vld [tilespmem:s22+$0xFFFFFFE0];
	v12 =	vadd.f32 v14, v12;
	v11 =	vunpack.i.u.bf16.f32 v6;
	v7 =	vadd.f32 v7, v2;
	[tilespmem:s21+$0x50] =	vst v9  }
0xd8: {  	v18 =	vld [tilespmem:s22+$0xFFFFFFF0];
	v6 =	vunpack.i.l.bf16.f32 v6;
	v8 =	vunpack.i.l.bf16.f32 v8;
	v13 =	vunpack.i.u.bf16.f32 v5;
	[tilespmem:s21+$0x60] =	vst v4  }
0xd9: {  	v5 =	vunpack.i.l.bf16.f32 v5;
	v16 =	vunpack.i.l.bf16.f32 v3;
	v17 =	vld [tilespmem:s8+$0xFFFFFFF0];
	v19 =	vmul.f32 $2.000000030e-01, v7;
	v4 =	vpop (erf)  }
0xda: {  	v9 =	vunpack.i.u.bf16.f32 v3;
	v6 =	vmul.f32 v4, v6;
	v11 =	vmul.f32 v4, v11;
	v3 =	vpop (erf)  }
0xdb: {  	v20 =	vld [tilespmem:s20+$0xFFFFFF50];
	v21 =	vmul.f32 v3, v5;
	v13 =	vmul.f32 v3, v13;
	v2 =	vpop (erf);
	v5 =	vmax.f32 v7, v19  }
0xdc: {  	v8 =	vadd.f32 v15, v8;
	v7 =	vmul.f32 v2, v16;
	v15 =	vmul.f32 $1.442695020e+00, v5;
	[tilespmem:s21+$0xFFFFFF60] =	vst v6  }
0xdd: {  	v10 =	vunpack.i.l.bf16.f32 v10;
	v14 =	vld [tilespmem:s20+$0xFFFFFF80];
	v9 =	vmul.f32 v2, v9;
	v6 =	vmul.f32 $2.000000030e-01, v12;
	[tilespmem:s21+$0xFFFFFF70] =	vst v11  }
0xde: {  	v16 =	vunpack.i.u.bf16.f32 v17;
	v5 =	vunpack.i.l.bf16.f32 v17;
	v17 =	vadd.f32 v18, v10;
	[tilespmem:s21+$0xFFFFFFB0] =	vst v21  }
0xdf: {  	v11 =	vld [tilespmem:s20+$0xFFFFFFB0];
	[tilespmem:s21+$0xFFFFFFC0] =	vst v13;
	(erf) = vpow2.f32 v15;
	v10 =	vmax.f32 v12, v6;
	v12 =	vmul.f32 $2.000000030e-01, v8  }
0xe0: {  	v18 =	vld [tilespmem:s8+$0xFFFFFF60];
	v15 =	vmul.f32 v16, v1;
	v6 =	vunpack.i.u.bf16.f32 v20;
	[tilespmem:s21+$0x0] =	vst v7  }
0xe1: {  	v13 =	vld [tilespmem:s8+$0xFFFFFF90];
	[tilespmem:s21+$0x10] =	vst v9;
	v16 =	vmul.f32 $1.442695020e+00, v10;
	v19 =	vmul.f32 $2.000000030e-01, v17;
	v12 =	vmax.f32 v8, v12  }
0xe2: {  	v7 =	vunpack.i.u.bf16.f32 v14;
	v10 =	vunpack.i.l.bf16.f32 v20;
	v63 =	vmul.f32 $1.442695020e+00, v12;
	v12 =	vld [tilespmem:s8+$0xFFFFFFC0]  }
0xe3: {  	v8 =	vunpack.i.l.bf16.f32 v14;
	v14 =	vld [tilespmem:s20+$0xFFFFFFE0];
	v9 =	vmax.f32 v17, v19;
	(erf) = vpow2.f32 v16  }
0xe4: {  	[tilespmem:s21+$0xFFFFFFA0] =	vst v4;
	v16 =	vmul.f32 $1.442695020e+00, v9;
	v9 =	vunpack.i.u.bf16.f32 v11;
	v11 =	vunpack.i.l.bf16.f32 v11  }
0xe5: {  	s7 =	simm.s32 $0x4;
	s1 =	simm.s32 $0x10620;
	[tilespmem:s21+$0x80] =	vst v15;
	s8 =	simm.s32 $0xDFB0;
	v15 =	vunpack.i.u.bf16.f32 v18;
	v17 =	vunpack.i.l.bf16.f32 v18;
	(erf) = vpow2.f32 v63  }
.LBB2_7:
0xe6: {  	v18 =	vld [tilespmem:s8+$0x0];
	s22 =	sadd.s32 $0x40, s22;
	(erf) = vpow2.f32 v16;
	v16 =	vunpack.i.u.bf16.f32 v13;
	v13 =	vunpack.i.l.bf16.f32 v13;
	[tilespmem:s21+$0xFFFFFFF0] =	vst v3  }
0xe7: {  	s7 =	sadd.s32 $0x4, s7;
	v17 =	vmul.f32 v17, v4;
	v20 =	vunpack.i.u.bf16.f32 v12;
	v12 =	vunpack.i.l.bf16.f32 v12;
	v19 =	vld [tilespmem:s22+$0x0];
	[tilespmem:s21+$0x40] =	vst v2  }
0xe8: {  	v4 =	vmul.f32 v15, v4;
	p1 =	slt.u32 s7, $0x7C;
	v13 =	vmul.f32 v13, v3;
	v21 =	vld [tilespmem:s8+$0xFFFFFFA0];
	v22 =	vunpack.i.l.bf16.f32 v14;
	v23 =	vpop (erf);
	[tilespmem:s21+$0x90] =	vst v1  }
0xe9: {  	v16 =	vmul.f32 v16, v3;
	v14 =	vunpack.i.u.bf16.f32 v14;
	v15 =	vld [tilespmem:s8+$0xFFFFFFD0];
	v22 =	vmul.f32 v23, v22;
	[tilespmem:s21+$0xFFFFFF80] =	vst v17  }
0xea: {  	v3 =	vmul.f32 v23, v14;
	v14 =	vmul.f32 v12, v2;
	s21 =	sadd.s32 $0x140, s21;
	v17 =	vld [tilespmem:s8+$0xFFFFFF70];
	[tilespmem:s1+$0xFFFFFF90] =	vst v4  }
0xeb: {  	v12 =	vld [tilespmem:s22+$0xFFFFFFD0];
	v24 =	vunpack.i.l.bf16.f32 v18;
	[tilespmem:s21+$0x50] =	vst v22;
	v18 =	vmul.f32 v20, v2;
	v20 =	vmul.f32 v5, v1;
	v1 =	vmovc v23  }
0xec: {  	v5 =	vld [tilespmem:s22+$0xFFFFFFE0];
	v19 =	vadd.f32 v19, v24;
	[tilespmem:s21+$0x60] =	vst v3;
	v4 =	vpop (erf)  }
0xed: {  	v21 =	vunpack.i.l.bf16.f32 v21;
	v23 =	vmul.f32 v4, v10;
	v6 =	vmul.f32 v4, v6;
	v10 =	vld [tilespmem:s20+$0xFFFFFFF0];
	[tilespmem:s1+$0xFFFFFFD0] =	vst v13  }
0xee: {  	v13 =	vunpack.i.l.bf16.f32 v15;
	v15 =	vld [tilespmem:s22+$0xFFFFFFF0];
	v22 =	vmul.f32 $2.000000030e-01, v19;
	v3 =	vpop (erf)  }
0xef: {  	[tilespmem:s1+$0xFFFFFFE0] =	vst v16;
	v16 =	vunpack.i.l.bf16.f32 v17;
	v8 =	vmul.f32 v3, v8  }
0xf0: {  	v17 =	vld [tilespmem:s8+$0xFFFFFF50];
	[tilespmem:s21+$0xFFFFFF60] =	vst v23;
	v7 =	vmul.f32 v3, v7;
	v2 =	vpop (erf);
	v12 =	vadd.f32 v12, v16;
	v19 =	vmax.f32 v19, v22  }
0xf1: {  	v16 =	vld [tilespmem:s8+$0xFFFFFF80];
	[tilespmem:s21+$0xFFFFFF70] =	vst v6;
	v6 =	vmul.f32 v2, v11;
	v19 =	vmul.f32 $1.442695020e+00, v19  }
0xf2: {  	v11 =	vadd.f32 v5, v21;
	v21 =	vld [tilespmem:s8+$0xFFFFFFB0];
	[tilespmem:s21+$0xFFFFFFB0] =	vst v8;
	v8 =	vmul.f32 v2, v9;
	v9 =	vmul.f32 $2.000000030e-01, v12  }
0xf3: {  	v22 =	vld [tilespmem:s20+$0xFFFFFF60];
	[tilespmem:s21+$0xFFFFFFC0] =	vst v7;
	v7 =	vunpack.i.u.bf16.f32 v10;
	v5 =	vunpack.i.l.bf16.f32 v10;
	v15 =	vadd.f32 v15, v13  }
0xf4: {  	(erf) = vpow2.f32 v19;
	v13 =	vld [tilespmem:s20+$0xFFFFFF90];
	[tilespmem:s21+$0x0] =	vst v6;
	v7 =	vmul.f32 v7, v1;
	v9 =	vmax.f32 v12, v9  }
0xf5: {  	v19 =	vmul.f32 $2.000000030e-01, v11;
	v6 =	vunpack.i.u.bf16.f32 v17;
	[tilespmem:s21+$0x10] =	vst v8;
	v9 =	vmul.f32 $1.442695020e+00, v9  }
.Ltmp2:
0xf6: {  	v10 =	vunpack.i.l.bf16.f32 v17;
	v17 =	vmul.f32 $2.000000030e-01, v15;
	v12 =	vld [tilespmem:s20+$0xFFFFFFC0];
	[tilespmem:s21+$0x80] =	vst v7;
	(pc) =	sbr.rel @p1 .LBB2_7-.Ltmp2, $4  }
0xf7: {  	v11 =	vmax.f32 v11, v19;
	v7 =	vunpack.i.u.bf16.f32 v16;
	v8 =	vunpack.i.l.bf16.f32 v16;
	s20 =	smov.u32 s8;
	[tilespmem:s1+$0x20] =	vst v14  }
0xf8: {  	v19 =	vmul.f32 $1.442695020e+00, v11;
	v11 =	vmax.f32 v15, v17;
	v14 =	vld [tilespmem:s8+$0xFFFFFFE0];
	(erf) = vpow2.f32 v9;
	[tilespmem:s1+$0x30] =	vst v18  }
0xf9: {  	v9 =	vunpack.i.u.bf16.f32 v21;
	v16 =	vmul.f32 $1.442695020e+00, v11;
	v11 =	vunpack.i.l.bf16.f32 v21;
	[tilespmem:s1+$0x70] =	vst v20;
	s1 =	smov.u32 s21  }
0xfa: {  	s8 =	sadd.s32 $0xC0, s8;
	v15 =	vunpack.i.u.bf16.f32 v22;
	v17 =	vunpack.i.l.bf16.f32 v22;
	(erf) = vpow2.f32 v19;
	[tilespmem:s21+$0xFFFFFFA0] =	vst v4  }
0xfb: {  	[tilespmem:s21+$0xFFFFFFF0] =	vst v3  }
0xfc: {  	v44 =	vmul.f32 v17, v4;
	[tilespmem:s21+$0x40] =	vst v2  }
0xfd: {  	[tilespmem:s21+$0x90] =	vst v1;
	v1 =	vmul.f32 v5, v1  }
0xfe: {  	(erf) = vpow2.f32 v16;
	v46 =	vmul.f32 v15, v4;
	v49 =	vunpack.i.l.bf16.f32 v13;
	[tilespmem:s21+$0xFFFFFF80] =	vst v44  }
0xff: {  	v50 =	vunpack.i.u.bf16.f32 v13;
	v51 =	vmul.f32 v49, v3;
	[tilespmem:s1+$0x70] =	vst v1  }
0x100: {  	v3 =	vmul.f32 v50, v3;
	v45 =	vunpack.i.l.bf16.f32 v14;
	v18 =	vpop (erf);
	[tilespmem:s1+$0xFFFFFF90] =	vst v46  }
0x101: {  	v47 =	vunpack.i.u.bf16.f32 v14;
	v48 =	vmul.f32 v18, v45;
	[tilespmem:s1+$0xFFFFFFD0] =	vst v51  }
0x102: {  	s7 =	sadd.s32 $0x140, s21;
	v14 =	vmul.f32 v18, v47;
	[tilespmem:s1+$0xFFFFFFE0] =	vst v3  }
0x103: {  	[tilespmem:s7+$0x50] =	vst v48;
	v52 =	vpop (erf)  }
0x104: {  	[tilespmem:s7+$0x60] =	vst v14;
	v10 =	vmul.f32 v52, v10  }
0x105: {  	v14 =	vld [tilespmem:s20+$0xFFFFFFF0];
	[tilespmem:s7+$0x90] =	vst v18;
	v6 =	vmul.f32 v52, v6;
	v53 =	vpop (erf)  }
0x106: {  	[tilespmem:s7+$0xFFFFFF60] =	vst v10;
	v3 =	vmul.f32 v53, v8  }
0x107: {  	v7 =	vmul.f32 v53, v7;
	v54 =	vpop (erf);
	[tilespmem:s7+$0xFFFFFF70] =	vst v6  }
0x108: {  	v55 =	vmul.f32 v54, v11;
	[tilespmem:s7+$0xFFFFFFB0] =	vst v3  }
0x109: {  	v3 =	vmul.f32 v54, v9;
	[tilespmem:s7+$0xFFFFFFC0] =	vst v7  }
0x10a: {  	v57 =	vunpack.i.l.bf16.f32 v12;
	[tilespmem:s7+$0x0] =	vst v55;
	v60 =	vld [tilespmem:s20+$0xFFFFFF90]  }
0x10b: {  	v59 =	vunpack.i.u.bf16.f32 v12;
	v9 =	vmul.f32 v57, v2;
	[tilespmem:s7+$0x10] =	vst v3;
	v3 =	vld [tilespmem:s20+$0xFFFFFF60]  }
0x10c: {  	v2 =	vmul.f32 v59, v2;
	[tilespmem:s7+$0xFFFFFFF0] =	vst v53  }
0x10d: {  	v56 =	vunpack.i.u.bf16.f32 v14;
	[tilespmem:s1+$0x20] =	vst v9  }
0x10e: {  	v58 =	vmul.f32 v56, v18;
	[tilespmem:s1+$0x30] =	vst v2;
	v1 =	vld [tilespmem:s20+$0xFFFFFFC0]  }
0x10f: {  	[tilespmem:s7+$0xFFFFFFA0] =	vst v52;
	v61 =	vunpack.i.l.bf16.f32 v60  }
0x110: {  	[tilespmem:s7+$0x80] =	vst v58;
	v2 =	vunpack.i.l.bf16.f32 v3;
	v63 =	vmul.f32 v61, v53  }
0x111: {  	[tilespmem:s7+$0x40] =	vst v54;
	v62 =	vunpack.i.u.bf16.f32 v60;
	v2 =	vmul.f32 v2, v52  }
0x112: {  	v3 =	vunpack.i.u.bf16.f32 v3;
	v4 =	vmul.f32 v62, v53;
	[tilespmem:s7+$0xFFFFFFD0] =	vst v63  }
0x113: {  	v3 =	vmul.f32 v3, v52;
	[tilespmem:s7+$0xFFFFFF80] =	vst v2;
	v2 =	vunpack.i.l.bf16.f32 v1  }
0x114: {  	[tilespmem:s7+$0xFFFFFFE0] =	vst v4;
	v1 =	vunpack.i.u.bf16.f32 v1;
	v2 =	vmul.f32 v2, v54  }
0x115: {  	[tilespmem:s7+$0xFFFFFF90] =	vst v3;
	v3 =	vunpack.i.l.bf16.f32 v14;
	v1 =	vmul.f32 v1, v54  }
0x116: {  	s0 =	sshll.u32 s0, $0x9;
	s31 =	sadd.s32 $0x1, s31;
	v3 =	vmul.f32 v3, v18;
	[tilespmem:s7+$0x20] =	vst v2  }
0x117: {  	s0 =	sshra.s32 s0, $0x2;
	p1 =	sne.s32 s31, s16;
	[tilespmem:s7+$0x30] =	vst v1  }
.Ltmp3:
0x118: {  	s0 =	sadd.s32 $0x16B80, s0;
	[tilespmem:s7+$0x70] =	vst v3;
	(pc) =	sbr.rel @p1 .LBB2_4-.Ltmp3, $4  }
0x119: {  	[spmem:s3] =	stream.indirect.scatter.add.f32 [tilespmem:s24], [sflag:$0x5], $0x50, s0, s19, $0xb8;
	[tilespmem:$0x1A980] =	vst v63  }
0x11a: {  	_ =	swait.ge [sflag:s25], $0x2800  }
0x11b: {  	[sflag:s25] =	ssyncset.done $0x0  }
0x11c: {  	[sflag:s25] =	ssyncadd.s32 $0xFFFFD800  }
0x11d: {  	s0 =	stileid.u32;
	s4 =	sadd.s32 $0x1, s4  }
0x11e: {  	[bflag:$0x0] =	sbarrier.arrive $0xFFFF;
	s0 =	sshll.u32 s0, $0x6;
	p1 =	sne.s32 s4, s18  }
.Ltmp4:
0x11f: {  	s1 =	sshrl.u32 s11, $0x3;
	s0 =	sor.u32 $0x1C05, s0;
	(pc) =	sbr.rel @p1 .LBB2_1-.Ltmp4, $4  }
0x120: {  	[hbm:s17], [sflag:s0] =	dma.local [spmem:s1], $0x18B0  }
0x121: {  	_ =	swait.ge [sflag:s25], $0x18B0  }
0x122: {  	[sflag:s25] =	ssyncset.done $0x0  }
0x123: {  	[sflag:s25] =	ssyncadd.s32 $0xFFFFE750  }
0x124: {  	_ =	sfence.sel $0x180000  }
0x125: {  	[bflag:$0x0] =	sbarrier.arrive $0xFFFF  }
0x126: {  	_ =	strace $0x90000047  }
0x127: {  	s0 =	stileid.u32;
	[bflag:$0x2] =	sbarrier.arrive $0xFFFF  }
0x128: {  	p0 =	sne.s32 s0, $0x0;
	s0 =	rddreg [dreg:$0x3]  }
0x129: {  	s0 =	sadd.s32 @!p0 $0x100000, s0  }
0x12a: {  	[sflag:s0] =	ssyncadd.tile.s32 @!p0 $0x1;
	_ =	shalt  }
.Lfunc_end2:
_tile_overlayer_lowered:
.L_overlay_start_2:
0x12b: {  	(tag) =	ssettag $0x2  }
0x12c: {  	s0 =	rddreg [dreg:$0x0];
	s2 =	stileid.u32  }
0x12d: {  	s1 =	rddreg [dreg:$0x1];
	p0 =	sne.s32 s2, $0x0  }
0x12e: {  	s3 =	rddreg [dreg:$0x2];
	[bflag:$0x3] =	sbarrier.arrive $0xFFFF;
	s2 =	simm.s32 @!p0 $0x1C05  }
0x12f: {  	[timem:s3], [sflag:s2] =	dma.local @!p0 [hbm:s0], s1  }
0x130: {  	s0 =	simm.s32 @!p0 $0x5  }
0x131: {  	_ =	swait.ge @!p0 [sflag:s0], s1  }
0x132: {  	s1 =	ssub.s32 @!p0 $0x0, s1;
	[sflag:s0] =	ssyncset.done @!p0 $0x0  }
0x133: {  	[sflag:s0] =	ssyncadd.s32 @!p0 s1  }
0x134: {  	[bflag:$0x3] =	sbarrier.arrive $0xFFFF  }
0x135: {  	_ =	shalt  }

</sc_bundles>
